<compile_context>
chip_gen: v7x
topology: tpu7x:2x2x1
jax: 0.10.2.dev20260603
libtpu: 0.0.44.dev20260713+nightly
codegen_flags: <defaults>
</compile_context>

<pallas_src>
import functools

import jax
import jax.numpy as jnp
from jax import lax
from jax.experimental import pallas as pl
from jax.experimental.pallas import tpu as pltpu
from jax.experimental.pallas import tpu_sc as plsc

NC = 2
NS = 16
LANE = 128


def _mesh():
    return plsc.VectorSubcoreMesh(
        core_axis_name="c", subcore_axis_name="s", num_cores=NC, num_subcores=NS
    )


def _make_deg_kernel(n_pad, nb):
    rows = n_pad // NS
    out_rows = n_pad // (NC * NS)

    @functools.partial(
        pl.kernel,
        out_type=jax.ShapeDtypeStruct((n_pad,), jnp.float32),
        mesh=_mesh(),
        scratch_types=[
            pltpu.VMEM((nb, BS), jnp.int32),
            pltpu.VMEM((BS,), jnp.float32),
            pltpu.VMEM((rows,), jnp.float32),
            pltpu.VMEM_SHARED((n_pad,), jnp.float32),
        ],
    )
    def deg_kernel(dst_hbm, deg_hbm, dst_v, ones_v, zer_v, acc_sh):
        c = lax.axis_index("c")
        s = lax.axis_index("s")

        def fill_ones(i, carry):
            ones_v[pl.ds(i * 16, 16)] = jnp.full((16,), 1.0, jnp.float32)
            return carry

        lax.fori_loop(0, BS // 16, fill_ones, 0)

        def fill_zeros(i, carry):
            zer_v[pl.ds(i * 16, 16)] = jnp.zeros((16,), jnp.float32)
            return carry

        lax.fori_loop(0, rows // 16, fill_zeros, 0)

        pltpu.sync_copy(dst_hbm.at[s], dst_v)
        pltpu.sync_copy(zer_v, acc_sh.at[pl.ds(s * rows, rows)])
        plsc.subcore_barrier()

        def body(j, carry):
            pltpu.sync_copy(ones_v, acc_sh.at[dst_v.at[j]], add=True)
            return carry

        lax.fori_loop(0, nb, body, 0)
        plsc.subcore_barrier()

        off = (c * NS + s) * out_rows
        pltpu.sync_copy(acc_sh.at[pl.ds(off, out_rows)], zer_v.at[pl.ds(0, out_rows)])
        pltpu.sync_copy(zer_v.at[pl.ds(0, out_rows)], deg_hbm.at[pl.ds(off, out_rows)])

    return deg_kernel


BS = 128


def _make_prop_kernel(n, n_pad, nb, dc):
    cpc = dc // NC
    rows = n_pad // NS
    nz = rows // BS
    rem = rows - nz * BS

    scratch = (
        [pltpu.VMEM((nb, BS), jnp.int32), pltpu.VMEM((nb, BS), jnp.int32)]
        + [pltpu.VMEM((BS, LANE), jnp.float32)]
        + [pltpu.VMEM_SHARED((n_pad, LANE), jnp.float32)]
        + [pltpu.SemaphoreType.DMA]
    )

    @functools.partial(
        pl.kernel,
        out_type=jax.ShapeDtypeStruct((dc, n_pad, LANE), jnp.float32),
        mesh=_mesh(),
        scratch_types=scratch,
    )
    def prop_kernel(y_hbm, src_hbm, dst_hbm, acc_hbm, src_v, dst_v, buf, acc_sh, sem):
        c = lax.axis_index("c")
        s = lax.axis_index("s")
        base = s * rows

        pltpu.sync_copy(src_hbm.at[s], src_v)
        pltpu.sync_copy(dst_hbm.at[s], dst_v)

        for ci in range(cpc):
            chunk = c * cpc + ci

            def fill_zeros(t, carry):
                i = t // (LANE // 16)
                k = t % (LANE // 16)
                buf[i, pl.ds(k * 16, 16)] = jnp.zeros((16,), jnp.float32)
                return carry

            lax.fori_loop(0, BS * (LANE // 16), fill_zeros, 0)
            for z in range(nz):
                pltpu.sync_copy(buf, acc_sh.at[pl.ds(base + z * BS, BS)])
            if rem:
                pltpu.sync_copy(
                    buf.at[pl.ds(0, rem)],
                    acc_sh.at[pl.ds(base + nz * BS, rem)],
                )
            plsc.subcore_barrier()

            pltpu.async_copy(y_hbm.at[chunk].at[src_v.at[0]], buf, sem)

            def batch(j, carry):
                pltpu.make_async_copy(
                    y_hbm.at[chunk].at[src_v.at[j]], buf, sem
                ).wait()
                pltpu.sync_copy(buf, acc_sh.at[dst_v.at[j]], add=True)
                pltpu.async_copy(y_hbm.at[chunk].at[src_v.at[j + 1]], buf, sem)
                return carry

            lax.fori_loop(0, nb - 1, batch, 0)

            pltpu.make_async_copy(
                y_hbm.at[chunk].at[src_v.at[nb - 1]], buf, sem
            ).wait()
            pltpu.sync_copy(buf, acc_sh.at[dst_v.at[nb - 1]], add=True)

            plsc.subcore_barrier()
            pltpu.sync_copy(
                acc_sh.at[pl.ds(base, rows)], acc_hbm.at[chunk].at[pl.ds(base, rows)]
            )
            if ci + 1 < cpc:
                plsc.subcore_barrier()

    return prop_kernel


def _scale_chunk(x, dinv2, rb=2000):
    n, din = x.shape
    dcn = din // LANE
    grid = n // rb

    def body(x_ref, d_ref, z_ref):
        z = x_ref[...] * d_ref[...]
        for i in range(dcn):
            z_ref[i] = z[:, i * LANE:(i + 1) * LANE]

    return pl.pallas_call(
        body,
        grid=(grid,),
        in_specs=[
            pl.BlockSpec((rb, din), lambda i: (i, 0)),
            pl.BlockSpec((rb, 1), lambda i: (i, 0)),
        ],
        out_specs=pl.BlockSpec((dcn, rb, LANE), lambda i: (0, i, 0)),
        out_shape=jax.ShapeDtypeStruct((dcn, n, LANE), jnp.float32),
    )(x, dinv2)


def _first_layer(acc, z, dinv2, b2d, w1, w2, rb=2000):
    dci, n_pad, _ = acc.shape
    n = z.shape[1]
    din = dci * LANE
    dout = w2.shape[1]
    dcn = dout // LANE
    grid = n // rb

    def body(a_ref, z_ref, d_ref, b_ref, w1_ref, w2_ref, o_ref):
        a = jnp.concatenate([a_ref[i] for i in range(dci)], axis=1)
        zv = jnp.concatenate([z_ref[i] for i in range(dci)], axis=1)
        p = (a + zv) * d_ref[...]
        h = jnp.tanh(
            jnp.dot(p, w1_ref[...], preferred_element_type=jnp.float32) + b_ref[...]
        )
        o = jnp.dot(h * d_ref[...], w2_ref[...], preferred_element_type=jnp.float32)
        for i in range(dcn):
            o_ref[i] = o[:, i * LANE:(i + 1) * LANE]

    dh = w1.shape[1]
    return pl.pallas_call(
        body,
        grid=(grid,),
        in_specs=[
            pl.BlockSpec((dci, rb, LANE), lambda i: (0, i, 0)),
            pl.BlockSpec((dci, rb, LANE), lambda i: (0, i, 0)),
            pl.BlockSpec((rb, 1), lambda i: (i, 0)),
            pl.BlockSpec((1, dh), lambda i: (0, 0)),
            pl.BlockSpec((din, dh), lambda i: (0, 0)),
            pl.BlockSpec((dh, dout), lambda i: (0, 0)),
        ],
        out_specs=pl.BlockSpec((dcn, rb, LANE), lambda i: (0, i, 0)),
        out_shape=jax.ShapeDtypeStruct((dcn, n, LANE), jnp.float32),
    )(acc, z, dinv2, b2d, w1, w2)


def _mid_layer(acc, y, dinv2, b2d, w, rb=2000):
    dci, n_pad, _ = acc.shape
    n = y.shape[1]
    din = dci * LANE
    dout = w.shape[1]
    dcn = dout // LANE
    grid = n // rb

    def body(a_ref, y_ref, d_ref, b_ref, w_ref, o_ref):
        a = jnp.concatenate([a_ref[i] for i in range(dci)], axis=1)
        yv = jnp.concatenate([y_ref[i] for i in range(dci)], axis=1)
        h = jnp.tanh((a + yv) * d_ref[...] + b_ref[...])
        o = jnp.dot(h * d_ref[...], w_ref[...], preferred_element_type=jnp.float32)
        for i in range(dcn):
            o_ref[i] = o[:, i * LANE:(i + 1) * LANE]

    return pl.pallas_call(
        body,
        grid=(grid,),
        in_specs=[
            pl.BlockSpec((dci, rb, LANE), lambda i: (0, i, 0)),
            pl.BlockSpec((dci, rb, LANE), lambda i: (0, i, 0)),
            pl.BlockSpec((rb, 1), lambda i: (i, 0)),
            pl.BlockSpec((1, din), lambda i: (0, 0)),
            pl.BlockSpec((din, dout), lambda i: (0, 0)),
        ],
        out_specs=pl.BlockSpec((dcn, rb, LANE), lambda i: (0, i, 0)),
        out_shape=jax.ShapeDtypeStruct((dcn, n, LANE), jnp.float32),
    )(acc, y, dinv2, b2d, w)


def _final_layer(acc, y, dinv2, b2d, rb=2000):
    dci, n_pad, _ = acc.shape
    n = y.shape[1]
    dout = dci * LANE
    grid = n // rb

    def body(a_ref, y_ref, d_ref, b_ref, o_ref):
        a = jnp.concatenate([a_ref[i] for i in range(dci)], axis=1)
        yv = jnp.concatenate([y_ref[i] for i in range(dci)], axis=1)
        o_ref[...] = (a + yv) * d_ref[...] + b_ref[...]

    return pl.pallas_call(
        body,
        grid=(grid,),
        in_specs=[
            pl.BlockSpec((dci, rb, LANE), lambda i: (0, i, 0)),
            pl.BlockSpec((dci, rb, LANE), lambda i: (0, i, 0)),
            pl.BlockSpec((rb, 1), lambda i: (i, 0)),
            pl.BlockSpec((1, dout), lambda i: (0, 0)),
        ],
        out_specs=pl.BlockSpec((rb, dout), lambda i: (i, 0)),
        out_shape=jax.ShapeDtypeStruct((n, dout), jnp.float32),
    )(acc, y, dinv2, b2d)


@jax.jit
def kernel(x, edge_index, W1, b1, W2, b2, W3, b3):
    n, din = x.shape
    e = edge_index.shape[1]
    dh = W1.shape[1]
    dout = W3.shape[1]

    per = e // NS
    per_pad = ((per + BS - 1) // BS) * BS
    nb = per_pad // BS
    n_pad = ((n // 256) + 1) * 256

    src = edge_index[0].astype(jnp.int32).reshape(NS, per)
    dst = edge_index[1].astype(jnp.int32).reshape(NS, per)
    src16 = jnp.pad(src, ((0, 0), (0, per_pad - per))).reshape(NS, nb, BS)
    dst16 = jnp.pad(
        dst, ((0, 0), (0, per_pad - per)), constant_values=n
    ).reshape(NS, nb, BS)

    n_pad_deg = ((n // (NC * NS * 8)) + 1) * (NC * NS * 8)
    deg = _make_deg_kernel(n_pad_deg, nb)(dst16)
    dinv2 = lax.rsqrt(deg[:n] + 1.0)[:, None]

    prop_in = _make_prop_kernel(n, n_pad, nb, din // LANE)
    prop_h = _make_prop_kernel(n, n_pad, nb, dh // LANE)
    prop_out = _make_prop_kernel(n, n_pad, nb, dout // LANE)

    z1 = _scale_chunk(x, dinv2)
    acc1 = prop_in(z1, src16, dst16)
    y2 = _first_layer(acc1, z1, dinv2, b1.reshape(1, -1), W1, W2)
    acc2 = prop_h(y2, src16, dst16)
    y3 = _mid_layer(acc2, y2, dinv2, b2.reshape(1, -1), W3)
    acc3 = prop_out(y3, src16, dst16)
    return _final_layer(acc3, y3, dinv2, b3.reshape(1, -1))

# --- scband reference (transcript-rebuilt; emitter-appended) ---
"""Pipeline reference for scband-combined-hidden-gcvaedecoder-16286515987221 (READ-ONLY COPY).

The authoritative reference and input builder live on the scoring server;
editing this copy changes nothing except your own understanding.
"""

import jax, jax.numpy as jnp
import numpy as np

N = 10000
E = 160000
DIN = 256
DH = 512
DOUT = 256


def setup_inputs(seed: int = 0) -> dict:
    key = jax.random.key(seed)
    ks = jax.random.split(key, 8)
    x = jax.random.normal(ks[0], (N, DIN), dtype=jnp.float32)
    edge_index = jax.random.randint(ks[1], (2, E), 0, N)
    W1 = jax.random.normal(ks[2], (DIN, DH), dtype=jnp.float32) * (1.0 / np.sqrt(DIN))
    b1 = jnp.zeros((DH,), dtype=jnp.float32)
    W2 = jax.random.normal(ks[3], (DH, DH), dtype=jnp.float32) * (1.0 / np.sqrt(DH))
    b2 = jnp.zeros((DH,), dtype=jnp.float32)
    W3 = jax.random.normal(ks[4], (DH, DOUT), dtype=jnp.float32) * (1.0 / np.sqrt(DH))
    b3 = jnp.zeros((DOUT,), dtype=jnp.float32)
    return {"x": x, "edge_index": edge_index, "W1": W1, "b1": b1, "W2": W2, "b2": b2, "W3": W3, "b3": b3}


def _gcn_conv(x, edge_index, W, b, n_nodes):
    # PyG GCNConv with add_self_loops=True, symmetric normalization, bias
    src = edge_index[0]
    dst = edge_index[1]
    loop = jnp.arange(n_nodes, dtype=src.dtype)
    src = jnp.concatenate([src, loop])
    dst = jnp.concatenate([dst, loop])
    xw = x @ W
    deg = jnp.zeros((n_nodes,), dtype=xw.dtype).at[dst].add(1.0)
    dinv = jax.lax.rsqrt(deg)
    dinv = jnp.where(jnp.isfinite(dinv), dinv, 0.0)
    norm = dinv[src] * dinv[dst]
    msg = xw[src] * norm[:, None]
    out = jnp.zeros((n_nodes, W.shape[1]), dtype=xw.dtype).at[dst].add(msg)
    return out + b


def reference(x, edge_index, W1, b1, W2, b2, W3, b3):
    n = x.shape[0]
    h = jnp.tanh(_gcn_conv(x, edge_index, W1, b1, n))
    h = jnp.tanh(_gcn_conv(h, edge_index, W2, b2, n))
    out = _gcn_conv(h, edge_index, W3, b3, n)
    return out

if __name__ == "__main__":
    import jax
    _d = setup_inputs()
    print(jax.jit(kernel)(*tuple(_d.values())))

</pallas_src>

<mosaic_0001>
#map = affine_map<(d0, d1) -> (0, 0, 0)>
#map1 = affine_map<(d0, d1) -> (0)>
module attributes {stable_mosaic.version = 14 : i64} {
  func.func @deg_kernel(%arg0: i32, %arg1: i32, %arg2: memref<16x79x128xi32, #tpu.memory_space<hbm>>, %arg3: memref<10240xf32, #tpu.memory_space<hbm>>, %arg4: memref<79x128xi32, #tpu.memory_space<vmem>>, %arg5: memref<128xf32, #tpu.memory_space<vmem>>, %arg6: memref<640xf32, #tpu.memory_space<vmem>>, %arg7: memref<10240xf32, #tpu.memory_space<vmem_shared>>) attributes {dimension_semantics = [#tpu.dimension_semantics<core_parallel>, #tpu.dimension_semantics<subcore_parallel>], iteration_bounds = array<i64: 2, 16>, scalar_prefetch = 0 : i64, scratch_operands = 4 : i64, tpu.core_type = #tpu.core_type<sc_vector_subcore>, window_params = [{transform_indices = #map}, {transform_indices = #map1}]} {
    %scan3A = arith.constant 0 : i32
    %scan3A_0 = arith.constant 0 : i32
    %scan3A_1 = arith.constant 8 : i32
    %scan3A_2 = arith.addi %scan3A_0, %scan3A_1 : i32
    %scan3A_3 = arith.constant 1 : i32
    scf.for %scan3A_23 = %scan3A_0 to %scan3A_2 step %scan3A_3  : i32 {
      %broadcast_in_dim3A = arith.constant 1.000000e+00 : f32
      %broadcast_in_dim3A_24 = vector.broadcast %broadcast_in_dim3A : f32 to vector<16xf32>
      %mul3A_25 = arith.constant 16 : i32
      %mul3A_26 = arith.muli %scan3A_23, %mul3A_25 : i32
      %swap3A = arith.index_cast %mul3A_26 : i32 to index
      %swap3A_27 = tpu.vector_load %arg5[%swap3A] {strides = array<i32>} : memref<128xf32, #tpu.memory_space<vmem>>, vector<16xf32>,
      %swap3A_28 = vector.shape_cast %swap3A_27 : vector<16xf32> to vector<16xf32>
      %swap3A_29 = vector.shape_cast %broadcast_in_dim3A_24 : vector<16xf32> to vector<16xf32>
      tpu.vector_store %arg5[%swap3A], %swap3A_29 {strides = array<i32>} : memref<128xf32, #tpu.memory_space<vmem>>, vector<16xf32>,
    }
    %scan3A_4 = arith.constant 8 : i32
    %scan3A_5 = arith.constant 0 : i32
    %scan3A_6 = arith.constant 0 : i32
    %scan3A_7 = arith.constant 40 : i32
    %scan3A_8 = arith.addi %scan3A_6, %scan3A_7 : i32
    %scan3A_9 = arith.constant 1 : i32
    scf.for %scan3A_23 = %scan3A_6 to %scan3A_8 step %scan3A_9  : i32 {
      %broadcast_in_dim3A = arith.constant 0.000000e+00 : f32
      %broadcast_in_dim3A_24 = vector.broadcast %broadcast_in_dim3A : f32 to vector<16xf32>
      %mul3A_25 = arith.constant 16 : i32
      %mul3A_26 = arith.muli %scan3A_23, %mul3A_25 : i32
      %swap3A = arith.index_cast %mul3A_26 : i32 to index
      %swap3A_27 = tpu.vector_load %arg6[%swap3A] {strides = array<i32>} : memref<640xf32, #tpu.memory_space<vmem>>, vector<16xf32>,
      %swap3A_28 = vector.shape_cast %swap3A_27 : vector<16xf32> to vector<16xf32>
      %swap3A_29 = vector.shape_cast %broadcast_in_dim3A_24 : vector<16xf32> to vector<16xf32>
      tpu.vector_store %arg6[%swap3A], %swap3A_29 {strides = array<i32>} : memref<640xf32, #tpu.memory_space<vmem>>, vector<16xf32>,
    }
    %scan3A_10 = arith.constant 40 : i32
    "tpu.region"() ({
      %run_scoped3A = tpu.sem_alloc : memref<!tpu.dma_semaphore, #tpu.memory_space<semaphore_mem>>
      %dma_start3A = arith.constant 0 : i32
      %dma_start3A_23 = arith.constant 0 : i32
      %dma_start3A_24 = tpu.memref_slice %arg2[%arg1, %dma_start3A, %dma_start3A_23] : memref<16x79x128xi32, #tpu.memory_space<hbm>> -> memref<1x79x128xi32, #tpu.memory_space<hbm>>
      %dma_start3A_25 = tpu.memref_squeeze %dma_start3A_24 : memref<1x79x128xi32, #tpu.memory_space<hbm>> -> memref<79x128xi32, #tpu.memory_space<hbm>>
      %dma_start3A_26 = arith.constant 0 : i32
      %dma_start3A_27 = arith.constant 0 : i32
      %dma_start3A_28 = tpu.memref_slice %arg2[%arg1, %dma_start3A_26, %dma_start3A_27] : memref<16x79x128xi32, #tpu.memory_space<hbm>> -> memref<1x79x128xi32, #tpu.memory_space<hbm>>
      %dma_start3A_29 = tpu.memref_squeeze %dma_start3A_28 : memref<1x79x128xi32, #tpu.memory_space<hbm>> -> memref<79x128xi32, #tpu.memory_space<hbm>>
      tpu.enqueue_dma source(%dma_start3A_29 : memref<79x128xi32, #tpu.memory_space<hbm>>) target(%arg4 : memref<79x128xi32, #tpu.memory_space<vmem>>) target_semaphore(%run_scoped3A : memref<!tpu.dma_semaphore, #tpu.memory_space<semaphore_mem>>)
      %dma_wait3A = arith.constant 0 : i32
      %dma_wait3A_30 = arith.constant 0 : i32
      %dma_wait3A_31 = tpu.memref_slice %arg2[%arg1, %dma_wait3A, %dma_wait3A_30] : memref<16x79x128xi32, #tpu.memory_space<hbm>> -> memref<1x79x128xi32, #tpu.memory_space<hbm>>
      %dma_wait3A_32 = tpu.memref_squeeze %dma_wait3A_31 : memref<1x79x128xi32, #tpu.memory_space<hbm>> -> memref<79x128xi32, #tpu.memory_space<hbm>>
      %dma_wait3A_33 = arith.constant 0 : i32
      %dma_wait3A_34 = arith.constant 0 : i32
      %dma_wait3A_35 = tpu.memref_slice %arg2[%arg1, %dma_wait3A_33, %dma_wait3A_34] : memref<16x79x128xi32, #tpu.memory_space<hbm>> -> memref<1x79x128xi32, #tpu.memory_space<hbm>>
      %dma_wait3A_36 = tpu.memref_squeeze %dma_wait3A_35 : memref<1x79x128xi32, #tpu.memory_space<hbm>> -> memref<79x128xi32, #tpu.memory_space<hbm>>
      tpu.wait_dma2 semaphore(%run_scoped3A : memref<!tpu.dma_semaphore, #tpu.memory_space<semaphore_mem>>) src(%dma_wait3A_36 : memref<79x128xi32, #tpu.memory_space<hbm>>) dst(%arg4 : memref<79x128xi32, #tpu.memory_space<vmem>>)
      tpu.yield
    }) : () -> ()
    %mul3A = arith.constant 640 : i32
    %mul3A_11 = arith.muli %arg1, %mul3A : i32
    "tpu.region"() ({
      %run_scoped3A = tpu.sem_alloc : memref<!tpu.dma_semaphore, #tpu.memory_space<semaphore_mem>>
      %dma_start3A = tpu.memref_slice %arg7[%mul3A_11] : memref<10240xf32, #tpu.memory_space<vmem_shared>> -> memref<640xf32, #tpu.memory_space<vmem_shared>>
      %dma_start3A_23 = tpu.memref_slice %arg7[%mul3A_11] : memref<10240xf32, #tpu.memory_space<vmem_shared>> -> memref<640xf32, #tpu.memory_space<vmem_shared>>
      tpu.enqueue_dma source(%arg6 : memref<640xf32, #tpu.memory_space<vmem>>) target(%dma_start3A_23 : memref<640xf32, #tpu.memory_space<vmem_shared>>) target_semaphore(%run_scoped3A : memref<!tpu.dma_semaphore, #tpu.memory_space<semaphore_mem>>)
      %dma_wait3A = tpu.memref_slice %arg7[%mul3A_11] : memref<10240xf32, #tpu.memory_space<vmem_shared>> -> memref<640xf32, #tpu.memory_space<vmem_shared>>
      %dma_wait3A_24 = tpu.memref_slice %arg7[%mul3A_11] : memref<10240xf32, #tpu.memory_space<vmem_shared>> -> memref<640xf32, #tpu.memory_space<vmem_shared>>
      tpu.wait_dma2 semaphore(%run_scoped3A : memref<!tpu.dma_semaphore, #tpu.memory_space<semaphore_mem>>) src(%arg6 : memref<640xf32, #tpu.memory_space<vmem>>) dst(%dma_wait3A_24 : memref<640xf32, #tpu.memory_space<vmem_shared>>)
      tpu.yield
    }) : () -> ()
    %barrier3A = arith.constant 0 : index
    tpu.barrier barrier_id(%barrier3A)
    %scan3A_12 = arith.constant 0 : i32
    %scan3A_13 = arith.constant 0 : i32
    %scan3A_14 = arith.constant 79 : i32
    %scan3A_15 = arith.addi %scan3A_13, %scan3A_14 : i32
    %scan3A_16 = arith.constant 1 : i32
    scf.for %scan3A_23 = %scan3A_13 to %scan3A_15 step %scan3A_16  : i32 {
      "tpu.region"() ({
        %run_scoped3A = tpu.sem_alloc : memref<!tpu.dma_semaphore, #tpu.memory_space<semaphore_mem>>
        %dma_start3A = arith.constant 0 : i32
        %dma_start3A_24 = tpu.memref_slice %arg4[%scan3A_23, %dma_start3A] : memref<79x128xi32, #tpu.memory_space<vmem>> -> memref<1x128xi32, #tpu.memory_space<vmem>>
        %dma_start3A_25 = tpu.memref_squeeze %dma_start3A_24 : memref<1x128xi32, #tpu.memory_space<vmem>> -> memref<128xi32, #tpu.memory_space<vmem>>
        %dma_start3A_26 = arith.constant 0 : i32
        %dma_start3A_27 = tpu.memref_slice %arg7[%dma_start3A_26] : memref<10240xf32, #tpu.memory_space<vmem_shared>> -> memref<10240xf32, #tpu.memory_space<vmem_shared>>
        tpu.enqueue_indirect_dma source(%arg5 : memref<128xf32, #tpu.memory_space<vmem>>) target(%dma_start3A_27 : memref<10240xf32, #tpu.memory_space<vmem_shared>>) offsets(%dma_start3A_25 : memref<128xi32, #tpu.memory_space<vmem>>) semaphore(%run_scoped3A : memref<!tpu.dma_semaphore, #tpu.memory_space<semaphore_mem>>) {add = true}
        %dma_wait3A = arith.constant 0 : i32
        %dma_wait3A_28 = tpu.memref_slice %arg4[%scan3A_23, %dma_wait3A] : memref<79x128xi32, #tpu.memory_space<vmem>> -> memref<1x128xi32, #tpu.memory_space<vmem>>
        %dma_wait3A_29 = tpu.memref_squeeze %dma_wait3A_28 : memref<1x128xi32, #tpu.memory_space<vmem>> -> memref<128xi32, #tpu.memory_space<vmem>>
        %dma_wait3A_30 = arith.constant 0 : i32
        %dma_wait3A_31 = tpu.memref_slice %arg7[%dma_wait3A_30] : memref<10240xf32, #tpu.memory_space<vmem_shared>> -> memref<10240xf32, #tpu.memory_space<vmem_shared>>
        tpu.wait_indirect_dma semaphore(%run_scoped3A : memref<!tpu.dma_semaphore, #tpu.memory_space<semaphore_mem>>) src(%arg5 : memref<128xf32, #tpu.memory_space<vmem>>) dst(%dma_wait3A_31 : memref<10240xf32, #tpu.memory_space<vmem_shared>>)
        tpu.yield
      }) : () -> ()
    }
    %scan3A_17 = arith.constant 79 : i32
    %barrier3A_18 = arith.constant 0 : index
    tpu.barrier barrier_id(%barrier3A_18)
    %mul3A_19 = arith.constant 16 : i32
    %mul3A_20 = arith.muli %arg0, %mul3A_19 : i32
    %add3A = arith.addi %mul3A_20, %arg1 : i32
    %mul3A_21 = arith.constant 320 : i32
    %mul3A_22 = arith.muli %add3A, %mul3A_21 : i32
    "tpu.region"() ({
      %run_scoped3A = tpu.sem_alloc : memref<!tpu.dma_semaphore, #tpu.memory_space<semaphore_mem>>
      %dma_start3A = arith.constant 0 : i32
      %dma_start3A_23 = tpu.memref_slice %arg6[%dma_start3A] : memref<640xf32, #tpu.memory_space<vmem>> -> memref<320xf32, #tpu.memory_space<vmem>>
      %dma_start3A_24 = tpu.memref_slice %arg7[%mul3A_22] : memref<10240xf32, #tpu.memory_space<vmem_shared>> -> memref<320xf32, #tpu.memory_space<vmem_shared>>
      %dma_start3A_25 = arith.constant 0 : i32
      %dma_start3A_26 = tpu.memref_slice %arg6[%dma_start3A_25] : memref<640xf32, #tpu.memory_space<vmem>> -> memref<320xf32, #tpu.memory_space<vmem>>
      %dma_start3A_27 = tpu.memref_slice %arg7[%mul3A_22] : memref<10240xf32, #tpu.memory_space<vmem_shared>> -> memref<320xf32, #tpu.memory_space<vmem_shared>>
      tpu.enqueue_dma source(%dma_start3A_27 : memref<320xf32, #tpu.memory_space<vmem_shared>>) target(%dma_start3A_26 : memref<320xf32, #tpu.memory_space<vmem>>) target_semaphore(%run_scoped3A : memref<!tpu.dma_semaphore, #tpu.memory_space<semaphore_mem>>)
      %dma_wait3A = arith.constant 0 : i32
      %dma_wait3A_28 = tpu.memref_slice %arg6[%dma_wait3A] : memref<640xf32, #tpu.memory_space<vmem>> -> memref<320xf32, #tpu.memory_space<vmem>>
      %dma_wait3A_29 = tpu.memref_slice %arg7[%mul3A_22] : memref<10240xf32, #tpu.memory_space<vmem_shared>> -> memref<320xf32, #tpu.memory_space<vmem_shared>>
      %dma_wait3A_30 = arith.constant 0 : i32
      %dma_wait3A_31 = tpu.memref_slice %arg6[%dma_wait3A_30] : memref<640xf32, #tpu.memory_space<vmem>> -> memref<320xf32, #tpu.memory_space<vmem>>
      %dma_wait3A_32 = tpu.memref_slice %arg7[%mul3A_22] : memref<10240xf32, #tpu.memory_space<vmem_shared>> -> memref<320xf32, #tpu.memory_space<vmem_shared>>
      tpu.wait_dma2 semaphore(%run_scoped3A : memref<!tpu.dma_semaphore, #tpu.memory_space<semaphore_mem>>) src(%dma_wait3A_32 : memref<320xf32, #tpu.memory_space<vmem_shared>>) dst(%dma_wait3A_31 : memref<320xf32, #tpu.memory_space<vmem>>)
      tpu.yield
    }) : () -> ()
    "tpu.region"() ({
      %run_scoped3A = tpu.sem_alloc : memref<!tpu.dma_semaphore, #tpu.memory_space<semaphore_mem>>
      %dma_start3A = arith.constant 0 : i32
      %dma_start3A_23 = tpu.memref_slice %arg6[%dma_start3A] : memref<640xf32, #tpu.memory_space<vmem>> -> memref<320xf32, #tpu.memory_space<vmem>>
      %dma_start3A_24 = tpu.memref_slice %arg3[%mul3A_22] : memref<10240xf32, #tpu.memory_space<hbm>> -> memref<320xf32, #tpu.memory_space<hbm>>
      %dma_start3A_25 = tpu.memref_slice %arg3[%mul3A_22] : memref<10240xf32, #tpu.memory_space<hbm>> -> memref<320xf32, #tpu.memory_space<hbm>>
      %dma_start3A_26 = arith.constant 0 : i32
      %dma_start3A_27 = tpu.memref_slice %arg6[%dma_start3A_26] : memref<640xf32, #tpu.memory_space<vmem>> -> memref<320xf32, #tpu.memory_space<vmem>>
      tpu.enqueue_dma source(%dma_start3A_27 : memref<320xf32, #tpu.memory_space<vmem>>) target(%dma_start3A_25 : memref<320xf32, #tpu.memory_space<hbm>>) target_semaphore(%run_scoped3A : memref<!tpu.dma_semaphore, #tpu.memory_space<semaphore_mem>>)
      %dma_wait3A = arith.constant 0 : i32
      %dma_wait3A_28 = tpu.memref_slice %arg6[%dma_wait3A] : memref<640xf32, #tpu.memory_space<vmem>> -> memref<320xf32, #tpu.memory_space<vmem>>
      %dma_wait3A_29 = tpu.memref_slice %arg3[%mul3A_22] : memref<10240xf32, #tpu.memory_space<hbm>> -> memref<320xf32, #tpu.memory_space<hbm>>
      %dma_wait3A_30 = tpu.memref_slice %arg3[%mul3A_22] : memref<10240xf32, #tpu.memory_space<hbm>> -> memref<320xf32, #tpu.memory_space<hbm>>
      %dma_wait3A_31 = arith.constant 0 : i32
      %dma_wait3A_32 = tpu.memref_slice %arg6[%dma_wait3A_31] : memref<640xf32, #tpu.memory_space<vmem>> -> memref<320xf32, #tpu.memory_space<vmem>>
      tpu.wait_dma2 semaphore(%run_scoped3A : memref<!tpu.dma_semaphore, #tpu.memory_space<semaphore_mem>>) src(%dma_wait3A_32 : memref<320xf32, #tpu.memory_space<vmem>>) dst(%dma_wait3A_30 : memref<320xf32, #tpu.memory_space<hbm>>)
      tpu.yield
    }) : () -> ()
    return
  }
}

#map = affine_map<(d0, d1) -> (0, 0, 0)>
module attributes {stable_mosaic.version = 14 : i64} {
  func.func @prop_kernel(%arg0: i32, %arg1: i32, %arg2: memref<2x10000x128xf32, #tpu.memory_space<hbm>>, %arg3: memref<16x79x128xi32, #tpu.memory_space<hbm>>, %arg4: memref<16x79x128xi32, #tpu.memory_space<hbm>>, %arg5: memref<2x10240x128xf32, #tpu.memory_space<hbm>>, %arg6: memref<79x128xi32, #tpu.memory_space<vmem>>, %arg7: memref<79x128xi32, #tpu.memory_space<vmem>>, %arg8: memref<128x128xf32, #tpu.memory_space<vmem>>, %arg9: memref<10240x128xf32, #tpu.memory_space<vmem_shared>>, %arg10: memref<!tpu.dma_semaphore, #tpu.memory_space<semaphore_mem>>) attributes {dimension_semantics = [#tpu.dimension_semantics<core_parallel>, #tpu.dimension_semantics<subcore_parallel>], iteration_bounds = array<i64: 2, 16>, scalar_prefetch = 0 : i64, scratch_operands = 5 : i64, tpu.core_type = #tpu.core_type<sc_vector_subcore>, window_params = [{transform_indices = #map}, {transform_indices = #map}, {transform_indices = #map}, {transform_indices = #map}]} {
    %mul3A = arith.constant 640 : i32
    %mul3A_0 = arith.muli %arg1, %mul3A : i32
    "tpu.region"() ({
      %run_scoped3A_46 = tpu.sem_alloc : memref<!tpu.dma_semaphore, #tpu.memory_space<semaphore_mem>>
      %dma_start3A_47 = arith.constant 0 : i32
      %dma_start3A_48 = arith.constant 0 : i32
      %dma_start3A_49 = tpu.memref_slice %arg3[%arg1, %dma_start3A_47, %dma_start3A_48] : memref<16x79x128xi32, #tpu.memory_space<hbm>> -> memref<1x79x128xi32, #tpu.memory_space<hbm>>
      %dma_start3A_50 = tpu.memref_squeeze %dma_start3A_49 : memref<1x79x128xi32, #tpu.memory_space<hbm>> -> memref<79x128xi32, #tpu.memory_space<hbm>>
      %dma_start3A_51 = arith.constant 0 : i32
      %dma_start3A_52 = arith.constant 0 : i32
      %dma_start3A_53 = tpu.memref_slice %arg3[%arg1, %dma_start3A_51, %dma_start3A_52] : memref<16x79x128xi32, #tpu.memory_space<hbm>> -> memref<1x79x128xi32, #tpu.memory_space<hbm>>
      %dma_start3A_54 = tpu.memref_squeeze %dma_start3A_53 : memref<1x79x128xi32, #tpu.memory_space<hbm>> -> memref<79x128xi32, #tpu.memory_space<hbm>>
      tpu.enqueue_dma source(%dma_start3A_54 : memref<79x128xi32, #tpu.memory_space<hbm>>) target(%arg6 : memref<79x128xi32, #tpu.memory_space<vmem>>) target_semaphore(%run_scoped3A_46 : memref<!tpu.dma_semaphore, #tpu.memory_space<semaphore_mem>>)
      %dma_wait3A_55 = arith.constant 0 : i32
      %dma_wait3A_56 = arith.constant 0 : i32
      %dma_wait3A_57 = tpu.memref_slice %arg3[%arg1, %dma_wait3A_55, %dma_wait3A_56] : memref<16x79x128xi32, #tpu.memory_space<hbm>> -> memref<1x79x128xi32, #tpu.memory_space<hbm>>
      %dma_wait3A_58 = tpu.memref_squeeze %dma_wait3A_57 : memref<1x79x128xi32, #tpu.memory_space<hbm>> -> memref<79x128xi32, #tpu.memory_space<hbm>>
      %dma_wait3A_59 = arith.constant 0 : i32
      %dma_wait3A_60 = arith.constant 0 : i32
      %dma_wait3A_61 = tpu.memref_slice %arg3[%arg1, %dma_wait3A_59, %dma_wait3A_60] : memref<16x79x128xi32, #tpu.memory_space<hbm>> -> memref<1x79x128xi32, #tpu.memory_space<hbm>>
      %dma_wait3A_62 = tpu.memref_squeeze %dma_wait3A_61 : memref<1x79x128xi32, #tpu.memory_space<hbm>> -> memref<79x128xi32, #tpu.memory_space<hbm>>
      tpu.wait_dma2 semaphore(%run_scoped3A_46 : memref<!tpu.dma_semaphore, #tpu.memory_space<semaphore_mem>>) src(%dma_wait3A_62 : memref<79x128xi32, #tpu.memory_space<hbm>>) dst(%arg6 : memref<79x128xi32, #tpu.memory_space<vmem>>)
      tpu.yield
    }) : () -> ()
    "tpu.region"() ({
      %run_scoped3A_46 = tpu.sem_alloc : memref<!tpu.dma_semaphore, #tpu.memory_space<semaphore_mem>>
      %dma_start3A_47 = arith.constant 0 : i32
      %dma_start3A_48 = arith.constant 0 : i32
      %dma_start3A_49 = tpu.memref_slice %arg4[%arg1, %dma_start3A_47, %dma_start3A_48] : memref<16x79x128xi32, #tpu.memory_space<hbm>> -> memref<1x79x128xi32, #tpu.memory_space<hbm>>
      %dma_start3A_50 = tpu.memref_squeeze %dma_start3A_49 : memref<1x79x128xi32, #tpu.memory_space<hbm>> -> memref<79x128xi32, #tpu.memory_space<hbm>>
      %dma_start3A_51 = arith.constant 0 : i32
      %dma_start3A_52 = arith.constant 0 : i32
      %dma_start3A_53 = tpu.memref_slice %arg4[%arg1, %dma_start3A_51, %dma_start3A_52] : memref<16x79x128xi32, #tpu.memory_space<hbm>> -> memref<1x79x128xi32, #tpu.memory_space<hbm>>
      %dma_start3A_54 = tpu.memref_squeeze %dma_start3A_53 : memref<1x79x128xi32, #tpu.memory_space<hbm>> -> memref<79x128xi32, #tpu.memory_space<hbm>>
      tpu.enqueue_dma source(%dma_start3A_54 : memref<79x128xi32, #tpu.memory_space<hbm>>) target(%arg7 : memref<79x128xi32, #tpu.memory_space<vmem>>) target_semaphore(%run_scoped3A_46 : memref<!tpu.dma_semaphore, #tpu.memory_space<semaphore_mem>>)
      %dma_wait3A_55 = arith.constant 0 : i32
      %dma_wait3A_56 = arith.constant 0 : i32
      %dma_wait3A_57 = tpu.memref_slice %arg4[%arg1, %dma_wait3A_55, %dma_wait3A_56] : memref<16x79x128xi32, #tpu.memory_space<hbm>> -> memref<1x79x128xi32, #tpu.memory_space<hbm>>
      %dma_wait3A_58 = tpu.memref_squeeze %dma_wait3A_57 : memref<1x79x128xi32, #tpu.memory_space<hbm>> -> memref<79x128xi32, #tpu.memory_space<hbm>>
      %dma_wait3A_59 = arith.constant 0 : i32
      %dma_wait3A_60 = arith.constant 0 : i32
      %dma_wait3A_61 = tpu.memref_slice %arg4[%arg1, %dma_wait3A_59, %dma_wait3A_60] : memref<16x79x128xi32, #tpu.memory_space<hbm>> -> memref<1x79x128xi32, #tpu.memory_space<hbm>>
      %dma_wait3A_62 = tpu.memref_squeeze %dma_wait3A_61 : memref<1x79x128xi32, #tpu.memory_space<hbm>> -> memref<79x128xi32, #tpu.memory_space<hbm>>
      tpu.wait_dma2 semaphore(%run_scoped3A_46 : memref<!tpu.dma_semaphore, #tpu.memory_space<semaphore_mem>>) src(%dma_wait3A_62 : memref<79x128xi32, #tpu.memory_space<hbm>>) dst(%arg7 : memref<79x128xi32, #tpu.memory_space<vmem>>)
      tpu.yield
    }) : () -> ()
    %mul3A_1 = arith.constant 1 : i32
    %mul3A_2 = arith.muli %arg0, %mul3A_1 : i32
    %add3A = arith.constant 0 : i32
    %add3A_3 = arith.addi %mul3A_2, %add3A : i32
    %scan3A = arith.constant 0 : i32
    %scan3A_4 = arith.constant 0 : i32
    %scan3A_5 = arith.constant 1024 : i32
    %scan3A_6 = arith.addi %scan3A_4, %scan3A_5 : i32
    %scan3A_7 = arith.constant 1 : i32
    scf.for %scan3A_46 = %scan3A_4 to %scan3A_6 step %scan3A_7  : i32 {
      %jit3A = arith.constant 8 : i32
      %div3A = arith.divsi %scan3A_46, %jit3A : i32
      %sign3A = arith.constant 0 : i32
      %sign3A_47 = arith.cmpi sgt, %scan3A_46, %sign3A : i32
      %sign3A_48 = arith.extui %sign3A_47 : i1 to i32
      %sign3A_49 = arith.constant 0 : i32
      %sign3A_50 = arith.cmpi slt, %scan3A_46, %sign3A_49 : i32
      %sign3A_51 = arith.extui %sign3A_50 : i1 to i32
      %sign3A_52 = arith.subi %sign3A_48, %sign3A_51 : i32
      %sign3A_53 = arith.constant 0 : i32
      %sign3A_54 = arith.cmpi sgt, %jit3A, %sign3A_53 : i32
      %sign3A_55 = arith.extui %sign3A_54 : i1 to i32
      %sign3A_56 = arith.constant 0 : i32
      %sign3A_57 = arith.cmpi slt, %jit3A, %sign3A_56 : i32
      %sign3A_58 = arith.extui %sign3A_57 : i1 to i32
      %sign3A_59 = arith.subi %sign3A_55, %sign3A_58 : i32
      %ne3A = arith.cmpi ne, %sign3A_52, %sign3A_59 : i32
      %rem3A = arith.remsi %scan3A_46, %jit3A : i32
      %ne3A_60 = arith.constant 0 : i32
      %ne3A_61 = arith.cmpi ne, %rem3A, %ne3A_60 : i32
      %and3A = arith.andi %ne3A, %ne3A_61 : i1
      %sub3A = arith.constant 1 : i32
      %sub3A_62 = arith.subi %div3A, %sub3A : i32
      %select_n3A = arith.select %and3A, %sub3A_62, %div3A : i32
      %jit3A_63 = arith.constant 8 : i32
      %eq3A = arith.constant 0 : i32
      %eq3A_64 = arith.cmpi eq, %jit3A_63, %eq3A : i32
      %jit3A_65 = arith.constant 1 : i32
      %select_n3A_66 = arith.select %eq3A_64, %jit3A_65, %jit3A_63 : i32
      %rem3A_67 = arith.remsi %scan3A_46, %select_n3A_66 : i32
      %ne3A_68 = arith.constant 0 : i32
      %ne3A_69 = arith.cmpi ne, %rem3A_67, %ne3A_68 : i32
      %lt3A = arith.constant 0 : i32
      %lt3A_70 = arith.cmpi slt, %rem3A_67, %lt3A : i32
      %lt3A_71 = arith.constant 0 : i32
      %lt3A_72 = arith.cmpi slt, %select_n3A_66, %lt3A_71 : i32
      %ne3A_73 = arith.xori %lt3A_70, %lt3A_72 : i1
      %and3A_74 = arith.andi %ne3A_73, %ne3A_69 : i1
      %add3A_75 = arith.addi %rem3A_67, %select_n3A_66 : i32
      %select_n3A_76 = arith.select %and3A_74, %add3A_75, %rem3A_67 : i32
      %broadcast_in_dim3A = arith.constant 0.000000e+00 : f32
      %broadcast_in_dim3A_77 = vector.broadcast %broadcast_in_dim3A : f32 to vector<16xf32>
      %mul3A_78 = arith.constant 16 : i32
      %mul3A_79 = arith.muli %select_n3A_76, %mul3A_78 : i32
      %swap3A = arith.index_cast %select_n3A : i32 to index
      %swap3A_80 = arith.index_cast %mul3A_79 : i32 to index
      %swap3A_81 = tpu.vector_load %arg8[%swap3A, %swap3A_80] {strides = array<i32>} : memref<128x128xf32, #tpu.memory_space<vmem>>, vector<1x16xf32>,
      %swap3A_82 = vector.shape_cast %swap3A_81 : vector<1x16xf32> to vector<16xf32>
      %swap3A_83 = vector.shape_cast %broadcast_in_dim3A_77 : vector<16xf32> to vector<1x16xf32>
      tpu.vector_store %arg8[%swap3A, %swap3A_80], %swap3A_83 {strides = array<i32>} : memref<128x128xf32, #tpu.memory_space<vmem>>, vector<1x16xf32>,
    }
    %scan3A_8 = arith.constant 1024 : i32
    %add3A_9 = arith.constant 0 : i32
    %add3A_10 = arith.addi %mul3A_0, %add3A_9 : i32
    "tpu.region"() ({
      %run_scoped3A_46 = tpu.sem_alloc : memref<!tpu.dma_semaphore, #tpu.memory_space<semaphore_mem>>
      %dma_start3A_47 = arith.constant 0 : i32
      %dma_start3A_48 = tpu.memref_slice %arg9[%add3A_10, %dma_start3A_47] : memref<10240x128xf32, #tpu.memory_space<vmem_shared>> -> memref<128x128xf32, #tpu.memory_space<vmem_shared>>
      %dma_start3A_49 = arith.constant 0 : i32
      %dma_start3A_50 = tpu.memref_slice %arg9[%add3A_10, %dma_start3A_49] : memref<10240x128xf32, #tpu.memory_space<vmem_shared>> -> memref<128x128xf32, #tpu.memory_space<vmem_shared>>
      tpu.enqueue_dma source(%arg8 : memref<128x128xf32, #tpu.memory_space<vmem>>) target(%dma_start3A_50 : memref<128x128xf32, #tpu.memory_space<vmem_shared>>) target_semaphore(%run_scoped3A_46 : memref<!tpu.dma_semaphore, #tpu.memory_space<semaphore_mem>>)
      %dma_wait3A_51 = arith.constant 0 : i32
      %dma_wait3A_52 = tpu.memref_slice %arg9[%add3A_10, %dma_wait3A_51] : memref<10240x128xf32, #tpu.memory_space<vmem_shared>> -> memref<128x128xf32, #tpu.memory_space<vmem_shared>>
      %dma_wait3A_53 = arith.constant 0 : i32
      %dma_wait3A_54 = tpu.memref_slice %arg9[%add3A_10, %dma_wait3A_53] : memref<10240x128xf32, #tpu.memory_space<vmem_shared>> -> memref<128x128xf32, #tpu.memory_space<vmem_shared>>
      tpu.wait_dma2 semaphore(%run_scoped3A_46 : memref<!tpu.dma_semaphore, #tpu.memory_space<semaphore_mem>>) src(%arg8 : memref<128x128xf32, #tpu.memory_space<vmem>>) dst(%dma_wait3A_54 : memref<128x128xf32, #tpu.memory_space<vmem_shared>>)
      tpu.yield
    }) : () -> ()
    %add3A_11 = arith.constant 128 : i32
    %add3A_12 = arith.addi %mul3A_0, %add3A_11 : i32
    "tpu.region"() ({
      %run_scoped3A_46 = tpu.sem_alloc : memref<!tpu.dma_semaphore, #tpu.memory_space<semaphore_mem>>
      %dma_start3A_47 = arith.constant 0 : i32
      %dma_start3A_48 = tpu.memref_slice %arg9[%add3A_12, %dma_start3A_47] : memref<10240x128xf32, #tpu.memory_space<vmem_shared>> -> memref<128x128xf32, #tpu.memory_space<vmem_shared>>
      %dma_start3A_49 = arith.constant 0 : i32
      %dma_start3A_50 = tpu.memref_slice %arg9[%add3A_12, %dma_start3A_49] : memref<10240x128xf32, #tpu.memory_space<vmem_shared>> -> memref<128x128xf32, #tpu.memory_space<vmem_shared>>
      tpu.enqueue_dma source(%arg8 : memref<128x128xf32, #tpu.memory_space<vmem>>) target(%dma_start3A_50 : memref<128x128xf32, #tpu.memory_space<vmem_shared>>) target_semaphore(%run_scoped3A_46 : memref<!tpu.dma_semaphore, #tpu.memory_space<semaphore_mem>>)
      %dma_wait3A_51 = arith.constant 0 : i32
      %dma_wait3A_52 = tpu.memref_slice %arg9[%add3A_12, %dma_wait3A_51] : memref<10240x128xf32, #tpu.memory_space<vmem_shared>> -> memref<128x128xf32, #tpu.memory_space<vmem_shared>>
      %dma_wait3A_53 = arith.constant 0 : i32
      %dma_wait3A_54 = tpu.memref_slice %arg9[%add3A_12, %dma_wait3A_53] : memref<10240x128xf32, #tpu.memory_space<vmem_shared>> -> memref<128x128xf32, #tpu.memory_space<vmem_shared>>
      tpu.wait_dma2 semaphore(%run_scoped3A_46 : memref<!tpu.dma_semaphore, #tpu.memory_space<semaphore_mem>>) src(%arg8 : memref<128x128xf32, #tpu.memory_space<vmem>>) dst(%dma_wait3A_54 : memref<128x128xf32, #tpu.memory_space<vmem_shared>>)
      tpu.yield
    }) : () -> ()
    %add3A_13 = arith.constant 256 : i32
    %add3A_14 = arith.addi %mul3A_0, %add3A_13 : i32
    "tpu.region"() ({
      %run_scoped3A_46 = tpu.sem_alloc : memref<!tpu.dma_semaphore, #tpu.memory_space<semaphore_mem>>
      %dma_start3A_47 = arith.constant 0 : i32
      %dma_start3A_48 = tpu.memref_slice %arg9[%add3A_14, %dma_start3A_47] : memref<10240x128xf32, #tpu.memory_space<vmem_shared>> -> memref<128x128xf32, #tpu.memory_space<vmem_shared>>
      %dma_start3A_49 = arith.constant 0 : i32
      %dma_start3A_50 = tpu.memref_slice %arg9[%add3A_14, %dma_start3A_49] : memref<10240x128xf32, #tpu.memory_space<vmem_shared>> -> memref<128x128xf32, #tpu.memory_space<vmem_shared>>
      tpu.enqueue_dma source(%arg8 : memref<128x128xf32, #tpu.memory_space<vmem>>) target(%dma_start3A_50 : memref<128x128xf32, #tpu.memory_space<vmem_shared>>) target_semaphore(%run_scoped3A_46 : memref<!tpu.dma_semaphore, #tpu.memory_space<semaphore_mem>>)
      %dma_wait3A_51 = arith.constant 0 : i32
      %dma_wait3A_52 = tpu.memref_slice %arg9[%add3A_14, %dma_wait3A_51] : memref<10240x128xf32, #tpu.memory_space<vmem_shared>> -> memref<128x128xf32, #tpu.memory_space<vmem_shared>>
      %dma_wait3A_53 = arith.constant 0 : i32
      %dma_wait3A_54 = tpu.memref_slice %arg9[%add3A_14, %dma_wait3A_53] : memref<10240x128xf32, #tpu.memory_space<vmem_shared>> -> memref<128x128xf32, #tpu.memory_space<vmem_shared>>
      tpu.wait_dma2 semaphore(%run_scoped3A_46 : memref<!tpu.dma_semaphore, #tpu.memory_space<semaphore_mem>>) src(%arg8 : memref<128x128xf32, #tpu.memory_space<vmem>>) dst(%dma_wait3A_54 : memref<128x128xf32, #tpu.memory_space<vmem_shared>>)
      tpu.yield
    }) : () -> ()
    %add3A_15 = arith.constant 384 : i32
    %add3A_16 = arith.addi %mul3A_0, %add3A_15 : i32
    "tpu.region"() ({
      %run_scoped3A_46 = tpu.sem_alloc : memref<!tpu.dma_semaphore, #tpu.memory_space<semaphore_mem>>
      %dma_start3A_47 = arith.constant 0 : i32
      %dma_start3A_48 = tpu.memref_slice %arg9[%add3A_16, %dma_start3A_47] : memref<10240x128xf32, #tpu.memory_space<vmem_shared>> -> memref<128x128xf32, #tpu.memory_space<vmem_shared>>
      %dma_start3A_49 = arith.constant 0 : i32
      %dma_start3A_50 = tpu.memref_slice %arg9[%add3A_16, %dma_start3A_49] : memref<10240x128xf32, #tpu.memory_space<vmem_shared>> -> memref<128x128xf32, #tpu.memory_space<vmem_shared>>
      tpu.enqueue_dma source(%arg8 : memref<128x128xf32, #tpu.memory_space<vmem>>) target(%dma_start3A_50 : memref<128x128xf32, #tpu.memory_space<vmem_shared>>) target_semaphore(%run_scoped3A_46 : memref<!tpu.dma_semaphore, #tpu.memory_space<semaphore_mem>>)
      %dma_wait3A_51 = arith.constant 0 : i32
      %dma_wait3A_52 = tpu.memref_slice %arg9[%add3A_16, %dma_wait3A_51] : memref<10240x128xf32, #tpu.memory_space<vmem_shared>> -> memref<128x128xf32, #tpu.memory_space<vmem_shared>>
      %dma_wait3A_53 = arith.constant 0 : i32
      %dma_wait3A_54 = tpu.memref_slice %arg9[%add3A_16, %dma_wait3A_53] : memref<10240x128xf32, #tpu.memory_space<vmem_shared>> -> memref<128x128xf32, #tpu.memory_space<vmem_shared>>
      tpu.wait_dma2 semaphore(%run_scoped3A_46 : memref<!tpu.dma_semaphore, #tpu.memory_space<semaphore_mem>>) src(%arg8 : memref<128x128xf32, #tpu.memory_space<vmem>>) dst(%dma_wait3A_54 : memref<128x128xf32, #tpu.memory_space<vmem_shared>>)
      tpu.yield
    }) : () -> ()
    %add3A_17 = arith.constant 512 : i32
    %add3A_18 = arith.addi %mul3A_0, %add3A_17 : i32
    "tpu.region"() ({
      %run_scoped3A_46 = tpu.sem_alloc : memref<!tpu.dma_semaphore, #tpu.memory_space<semaphore_mem>>
      %dma_start3A_47 = arith.constant 0 : i32
      %dma_start3A_48 = tpu.memref_slice %arg9[%add3A_18, %dma_start3A_47] : memref<10240x128xf32, #tpu.memory_space<vmem_shared>> -> memref<128x128xf32, #tpu.memory_space<vmem_shared>>
      %dma_start3A_49 = arith.constant 0 : i32
      %dma_start3A_50 = tpu.memref_slice %arg9[%add3A_18, %dma_start3A_49] : memref<10240x128xf32, #tpu.memory_space<vmem_shared>> -> memref<128x128xf32, #tpu.memory_space<vmem_shared>>
      tpu.enqueue_dma source(%arg8 : memref<128x128xf32, #tpu.memory_space<vmem>>) target(%dma_start3A_50 : memref<128x128xf32, #tpu.memory_space<vmem_shared>>) target_semaphore(%run_scoped3A_46 : memref<!tpu.dma_semaphore, #tpu.memory_space<semaphore_mem>>)
      %dma_wait3A_51 = arith.constant 0 : i32
      %dma_wait3A_52 = tpu.memref_slice %arg9[%add3A_18, %dma_wait3A_51] : memref<10240x128xf32, #tpu.memory_space<vmem_shared>> -> memref<128x128xf32, #tpu.memory_space<vmem_shared>>
      %dma_wait3A_53 = arith.constant 0 : i32
      %dma_wait3A_54 = tpu.memref_slice %arg9[%add3A_18, %dma_wait3A_53] : memref<10240x128xf32, #tpu.memory_space<vmem_shared>> -> memref<128x128xf32, #tpu.memory_space<vmem_shared>>
      tpu.wait_dma2 semaphore(%run_scoped3A_46 : memref<!tpu.dma_semaphore, #tpu.memory_space<semaphore_mem>>) src(%arg8 : memref<128x128xf32, #tpu.memory_space<vmem>>) dst(%dma_wait3A_54 : memref<128x128xf32, #tpu.memory_space<vmem_shared>>)
      tpu.yield
    }) : () -> ()
    %barrier3A = arith.constant 0 : index
    tpu.barrier barrier_id(%barrier3A)
    %dma_start3A = arith.constant 0 : i32
    %dma_start3A_19 = arith.constant 0 : i32
    %dma_start3A_20 = tpu.memref_slice %arg6[%dma_start3A, %dma_start3A_19] : memref<79x128xi32, #tpu.memory_space<vmem>> -> memref<1x128xi32, #tpu.memory_space<vmem>>
    %dma_start3A_21 = tpu.memref_squeeze %dma_start3A_20 : memref<1x128xi32, #tpu.memory_space<vmem>> -> memref<128xi32, #tpu.memory_space<vmem>>
    %dma_start3A_22 = arith.constant 0 : i32
    %dma_start3A_23 = arith.constant 0 : i32
    %dma_start3A_24 = tpu.memref_slice %arg2[%add3A_3, %dma_start3A_22, %dma_start3A_23] : memref<2x10000x128xf32, #tpu.memory_space<hbm>> -> memref<1x10000x128xf32, #tpu.memory_space<hbm>>
    %dma_start3A_25 = tpu.memref_squeeze %dma_start3A_24 : memref<1x10000x128xf32, #tpu.memory_space<hbm>> -> memref<10000x128xf32, #tpu.memory_space<hbm>>
    %dma_start3A_26 = arith.constant 0 : i32
    %dma_start3A_27 = arith.constant 0 : i32
    %dma_start3A_28 = tpu.memref_slice %dma_start3A_25[%dma_start3A_26, %dma_start3A_27] : memref<10000x128xf32, #tpu.memory_space<hbm>> -> memref<10000x128xf32, #tpu.memory_space<hbm>>
    tpu.enqueue_indirect_dma source(%dma_start3A_28 : memref<10000x128xf32, #tpu.memory_space<hbm>>) target(%arg8 : memref<128x128xf32, #tpu.memory_space<vmem>>) offsets(%dma_start3A_21 : memref<128xi32, #tpu.memory_space<vmem>>) semaphore(%arg10 : memref<!tpu.dma_semaphore, #tpu.memory_space<semaphore_mem>>)
    %scan3A_29 = arith.constant 0 : i32
    %scan3A_30 = arith.constant 0 : i32
    %scan3A_31 = arith.constant 78 : i32
    %scan3A_32 = arith.addi %scan3A_30, %scan3A_31 : i32
    %scan3A_33 = arith.constant 1 : i32
    scf.for %scan3A_46 = %scan3A_30 to %scan3A_32 step %scan3A_33  : i32 {
      %dma_wait3A_47 = arith.constant 0 : i32
      %dma_wait3A_48 = tpu.memref_slice %arg6[%scan3A_46, %dma_wait3A_47] : memref<79x128xi32, #tpu.memory_space<vmem>> -> memref<1x128xi32, #tpu.memory_space<vmem>>
      %dma_wait3A_49 = tpu.memref_squeeze %dma_wait3A_48 : memref<1x128xi32, #tpu.memory_space<vmem>> -> memref<128xi32, #tpu.memory_space<vmem>>
      %dma_wait3A_50 = arith.constant 0 : i32
      %dma_wait3A_51 = arith.constant 0 : i32
      %dma_wait3A_52 = tpu.memref_slice %arg2[%add3A_3, %dma_wait3A_50, %dma_wait3A_51] : memref<2x10000x128xf32, #tpu.memory_space<hbm>> -> memref<1x10000x128xf32, #tpu.memory_space<hbm>>
      %dma_wait3A_53 = tpu.memref_squeeze %dma_wait3A_52 : memref<1x10000x128xf32, #tpu.memory_space<hbm>> -> memref<10000x128xf32, #tpu.memory_space<hbm>>
      %dma_wait3A_54 = arith.constant 0 : i32
      %dma_wait3A_55 = arith.constant 0 : i32
      %dma_wait3A_56 = tpu.memref_slice %dma_wait3A_53[%dma_wait3A_54, %dma_wait3A_55] : memref<10000x128xf32, #tpu.memory_space<hbm>> -> memref<10000x128xf32, #tpu.memory_space<hbm>>
      tpu.wait_indirect_dma semaphore(%arg10 : memref<!tpu.dma_semaphore, #tpu.memory_space<semaphore_mem>>) src(%dma_wait3A_56 : memref<10000x128xf32, #tpu.memory_space<hbm>>) dst(%arg8 : memref<128x128xf32, #tpu.memory_space<vmem>>)
      "tpu.region"() ({
        %run_scoped3A_69 = tpu.sem_alloc : memref<!tpu.dma_semaphore, #tpu.memory_space<semaphore_mem>>
        %dma_start3A_70 = arith.constant 0 : i32
        %dma_start3A_71 = tpu.memref_slice %arg7[%scan3A_46, %dma_start3A_70] : memref<79x128xi32, #tpu.memory_space<vmem>> -> memref<1x128xi32, #tpu.memory_space<vmem>>
        %dma_start3A_72 = tpu.memref_squeeze %dma_start3A_71 : memref<1x128xi32, #tpu.memory_space<vmem>> -> memref<128xi32, #tpu.memory_space<vmem>>
        %dma_start3A_73 = arith.constant 0 : i32
        %dma_start3A_74 = arith.constant 0 : i32
        %dma_start3A_75 = tpu.memref_slice %arg9[%dma_start3A_73, %dma_start3A_74] : memref<10240x128xf32, #tpu.memory_space<vmem_shared>> -> memref<10240x128xf32, #tpu.memory_space<vmem_shared>>
        tpu.enqueue_indirect_dma source(%arg8 : memref<128x128xf32, #tpu.memory_space<vmem>>) target(%dma_start3A_75 : memref<10240x128xf32, #tpu.memory_space<vmem_shared>>) offsets(%dma_start3A_72 : memref<128xi32, #tpu.memory_space<vmem>>) semaphore(%run_scoped3A_69 : memref<!tpu.dma_semaphore, #tpu.memory_space<semaphore_mem>>) {add = true}
        %dma_wait3A_76 = arith.constant 0 : i32
        %dma_wait3A_77 = tpu.memref_slice %arg7[%scan3A_46, %dma_wait3A_76] : memref<79x128xi32, #tpu.memory_space<vmem>> -> memref<1x128xi32, #tpu.memory_space<vmem>>
        %dma_wait3A_78 = tpu.memref_squeeze %dma_wait3A_77 : memref<1x128xi32, #tpu.memory_space<vmem>> -> memref<128xi32, #tpu.memory_space<vmem>>
        %dma_wait3A_79 = arith.constant 0 : i32
        %dma_wait3A_80 = arith.constant 0 : i32
        %dma_wait3A_81 = tpu.memref_slice %arg9[%dma_wait3A_79, %dma_wait3A_80] : memref<10240x128xf32, #tpu.memory_space<vmem_shared>> -> memref<10240x128xf32, #tpu.memory_space<vmem_shared>>
        tpu.wait_indirect_dma semaphore(%run_scoped3A_69 : memref<!tpu.dma_semaphore, #tpu.memory_space<semaphore_mem>>) src(%arg8 : memref<128x128xf32, #tpu.memory_space<vmem>>) dst(%dma_wait3A_81 : memref<10240x128xf32, #tpu.memory_space<vmem_shared>>)
        tpu.yield
      }) : () -> ()
      %add3A_57 = arith.constant 1 : i32
      %add3A_58 = arith.addi %scan3A_46, %add3A_57 : i32
      %dma_start3A_59 = arith.constant 0 : i32
      %dma_start3A_60 = tpu.memref_slice %arg6[%add3A_58, %dma_start3A_59] : memref<79x128xi32, #tpu.memory_space<vmem>> -> memref<1x128xi32, #tpu.memory_space<vmem>>
      %dma_start3A_61 = tpu.memref_squeeze %dma_start3A_60 : memref<1x128xi32, #tpu.memory_space<vmem>> -> memref<128xi32, #tpu.memory_space<vmem>>
      %dma_start3A_62 = arith.constant 0 : i32
      %dma_start3A_63 = arith.constant 0 : i32
      %dma_start3A_64 = tpu.memref_slice %arg2[%add3A_3, %dma_start3A_62, %dma_start3A_63] : memref<2x10000x128xf32, #tpu.memory_space<hbm>> -> memref<1x10000x128xf32, #tpu.memory_space<hbm>>
      %dma_start3A_65 = tpu.memref_squeeze %dma_start3A_64 : memref<1x10000x128xf32, #tpu.memory_space<hbm>> -> memref<10000x128xf32, #tpu.memory_space<hbm>>
      %dma_start3A_66 = arith.constant 0 : i32
      %dma_start3A_67 = arith.constant 0 : i32
      %dma_start3A_68 = tpu.memref_slice %dma_start3A_65[%dma_start3A_66, %dma_start3A_67] : memref<10000x128xf32, #tpu.memory_space<hbm>> -> memref<10000x128xf32, #tpu.memory_space<hbm>>
      tpu.enqueue_indirect_dma source(%dma_start3A_68 : memref<10000x128xf32, #tpu.memory_space<hbm>>) target(%arg8 : memref<128x128xf32, #tpu.memory_space<vmem>>) offsets(%dma_start3A_61 : memref<128xi32, #tpu.memory_space<vmem>>) semaphore(%arg10 : memref<!tpu.dma_semaphore, #tpu.memory_space<semaphore_mem>>)
    }
    %scan3A_34 = arith.constant 78 : i32
    %dma_wait3A = arith.constant 78 : i32
    %dma_wait3A_35 = arith.constant 0 : i32
    %dma_wait3A_36 = tpu.memref_slice %arg6[%dma_wait3A, %dma_wait3A_35] : memref<79x128xi32, #tpu.memory_space<vmem>> -> memref<1x128xi32, #tpu.memory_space<vmem>>
    %dma_wait3A_37 = tpu.memref_squeeze %dma_wait3A_36 : memref<1x128xi32, #tpu.memory_space<vmem>> -> memref<128xi32, #tpu.memory_space<vmem>>
    %dma_wait3A_38 = arith.constant 0 : i32
    %dma_wait3A_39 = arith.constant 0 : i32
    %dma_wait3A_40 = tpu.memref_slice %arg2[%add3A_3, %dma_wait3A_38, %dma_wait3A_39] : memref<2x10000x128xf32, #tpu.memory_space<hbm>> -> memref<1x10000x128xf32, #tpu.memory_space<hbm>>
    %dma_wait3A_41 = tpu.memref_squeeze %dma_wait3A_40 : memref<1x10000x128xf32, #tpu.memory_space<hbm>> -> memref<10000x128xf32, #tpu.memory_space<hbm>>
    %dma_wait3A_42 = arith.constant 0 : i32
    %dma_wait3A_43 = arith.constant 0 : i32
    %dma_wait3A_44 = tpu.memref_slice %dma_wait3A_41[%dma_wait3A_42, %dma_wait3A_43] : memref<10000x128xf32, #tpu.memory_space<hbm>> -> memref<10000x128xf32, #tpu.memory_space<hbm>>
    tpu.wait_indirect_dma semaphore(%arg10 : memref<!tpu.dma_semaphore, #tpu.memory_space<semaphore_mem>>) src(%dma_wait3A_44 : memref<10000x128xf32, #tpu.memory_space<hbm>>) dst(%arg8 : memref<128x128xf32, #tpu.memory_space<vmem>>)
    %run_scoped3A = arith.constant 78 : i32
    "tpu.region"() ({
      %run_scoped3A_46 = tpu.sem_alloc : memref<!tpu.dma_semaphore, #tpu.memory_space<semaphore_mem>>
      %dma_start3A_47 = arith.constant 0 : i32
      %dma_start3A_48 = tpu.memref_slice %arg7[%run_scoped3A, %dma_start3A_47] : memref<79x128xi32, #tpu.memory_space<vmem>> -> memref<1x128xi32, #tpu.memory_space<vmem>>
      %dma_start3A_49 = tpu.memref_squeeze %dma_start3A_48 : memref<1x128xi32, #tpu.memory_space<vmem>> -> memref<128xi32, #tpu.memory_space<vmem>>
      %dma_start3A_50 = arith.constant 0 : i32
      %dma_start3A_51 = arith.constant 0 : i32
      %dma_start3A_52 = tpu.memref_slice %arg9[%dma_start3A_50, %dma_start3A_51] : memref<10240x128xf32, #tpu.memory_space<vmem_shared>> -> memref<10240x128xf32, #tpu.memory_space<vmem_shared>>
      tpu.enqueue_indirect_dma source(%arg8 : memref<128x128xf32, #tpu.memory_space<vmem>>) target(%dma_start3A_52 : memref<10240x128xf32, #tpu.memory_space<vmem_shared>>) offsets(%dma_start3A_49 : memref<128xi32, #tpu.memory_space<vmem>>) semaphore(%run_scoped3A_46 : memref<!tpu.dma_semaphore, #tpu.memory_space<semaphore_mem>>) {add = true}
      %dma_wait3A_53 = arith.constant 0 : i32
      %dma_wait3A_54 = tpu.memref_slice %arg7[%run_scoped3A, %dma_wait3A_53] : memref<79x128xi32, #tpu.memory_space<vmem>> -> memref<1x128xi32, #tpu.memory_space<vmem>>
      %dma_wait3A_55 = tpu.memref_squeeze %dma_wait3A_54 : memref<1x128xi32, #tpu.memory_space<vmem>> -> memref<128xi32, #tpu.memory_space<vmem>>
      %dma_wait3A_56 = arith.constant 0 : i32
      %dma_wait3A_57 = arith.constant 0 : i32
      %dma_wait3A_58 = tpu.memref_slice %arg9[%dma_wait3A_56, %dma_wait3A_57] : memref<10240x128xf32, #tpu.memory_space<vmem_shared>> -> memref<10240x128xf32, #tpu.memory_space<vmem_shared>>
      tpu.wait_indirect_dma semaphore(%run_scoped3A_46 : memref<!tpu.dma_semaphore, #tpu.memory_space<semaphore_mem>>) src(%arg8 : memref<128x128xf32, #tpu.memory_space<vmem>>) dst(%dma_wait3A_58 : memref<10240x128xf32, #tpu.memory_space<vmem_shared>>)
      tpu.yield
    }) : () -> ()
    %barrier3A_45 = arith.constant 0 : index
    tpu.barrier barrier_id(%barrier3A_45)
    "tpu.region"() ({
      %run_scoped3A_46 = tpu.sem_alloc : memref<!tpu.dma_semaphore, #tpu.memory_space<semaphore_mem>>
      %dma_start3A_47 = arith.constant 0 : i32
      %dma_start3A_48 = arith.constant 0 : i32
      %dma_start3A_49 = tpu.memref_slice %arg5[%add3A_3, %dma_start3A_47, %dma_start3A_48] : memref<2x10240x128xf32, #tpu.memory_space<hbm>> -> memref<1x10240x128xf32, #tpu.memory_space<hbm>>
      %dma_start3A_50 = tpu.memref_squeeze %dma_start3A_49 : memref<1x10240x128xf32, #tpu.memory_space<hbm>> -> memref<10240x128xf32, #tpu.memory_space<hbm>>
      %dma_start3A_51 = arith.constant 0 : i32
      %dma_start3A_52 = tpu.memref_slice %dma_start3A_50[%mul3A_0, %dma_start3A_51] : memref<10240x128xf32, #tpu.memory_space<hbm>> -> memref<640x128xf32, #tpu.memory_space<hbm>>
      %dma_start3A_53 = arith.constant 0 : i32
      %dma_start3A_54 = tpu.memref_slice %arg9[%mul3A_0, %dma_start3A_53] : memref<10240x128xf32, #tpu.memory_space<vmem_shared>> -> memref<640x128xf32, #tpu.memory_space<vmem_shared>>
      tpu.enqueue_dma source(%dma_start3A_54 : memref<640x128xf32, #tpu.memory_space<vmem_shared>>) target(%dma_start3A_52 : memref<640x128xf32, #tpu.memory_space<hbm>>) target_semaphore(%run_scoped3A_46 : memref<!tpu.dma_semaphore, #tpu.memory_space<semaphore_mem>>)
      %dma_wait3A_55 = arith.constant 0 : i32
      %dma_wait3A_56 = arith.constant 0 : i32
      %dma_wait3A_57 = tpu.memref_slice %arg5[%add3A_3, %dma_wait3A_55, %dma_wait3A_56] : memref<2x10240x128xf32, #tpu.memory_space<hbm>> -> memref<1x10240x128xf32, #tpu.memory_space<hbm>>
      %dma_wait3A_58 = tpu.memref_squeeze %dma_wait3A_57 : memref<1x10240x128xf32, #tpu.memory_space<hbm>> -> memref<10240x128xf32, #tpu.memory_space<hbm>>
      %dma_wait3A_59 = arith.constant 0 : i32
      %dma_wait3A_60 = tpu.memref_slice %dma_wait3A_58[%mul3A_0, %dma_wait3A_59] : memref<10240x128xf32, #tpu.memory_space<hbm>> -> memref<640x128xf32, #tpu.memory_space<hbm>>
      %dma_wait3A_61 = arith.constant 0 : i32
      %dma_wait3A_62 = tpu.memref_slice %arg9[%mul3A_0, %dma_wait3A_61] : memref<10240x128xf32, #tpu.memory_space<vmem_shared>> -> memref<640x128xf32, #tpu.memory_space<vmem_shared>>
      tpu.wait_dma2 semaphore(%run_scoped3A_46 : memref<!tpu.dma_semaphore, #tpu.memory_space<semaphore_mem>>) src(%dma_wait3A_62 : memref<640x128xf32, #tpu.memory_space<vmem_shared>>) dst(%dma_wait3A_60 : memref<640x128xf32, #tpu.memory_space<hbm>>)
      tpu.yield
    }) : () -> ()
    return
  }
}

#map = affine_map<(d0, d1) -> (0, 0, 0)>
module attributes {stable_mosaic.version = 14 : i64} {
  func.func @prop_kernel(%arg0: i32, %arg1: i32, %arg2: memref<2x10000x128xf32, #tpu.memory_space<hbm>>, %arg3: memref<16x79x128xi32, #tpu.memory_space<hbm>>, %arg4: memref<16x79x128xi32, #tpu.memory_space<hbm>>, %arg5: memref<2x10240x128xf32, #tpu.memory_space<hbm>>, %arg6: memref<79x128xi32, #tpu.memory_space<vmem>>, %arg7: memref<79x128xi32, #tpu.memory_space<vmem>>, %arg8: memref<128x128xf32, #tpu.memory_space<vmem>>, %arg9: memref<10240x128xf32, #tpu.memory_space<vmem_shared>>, %arg10: memref<!tpu.dma_semaphore, #tpu.memory_space<semaphore_mem>>) attributes {dimension_semantics = [#tpu.dimension_semantics<core_parallel>, #tpu.dimension_semantics<subcore_parallel>], iteration_bounds = array<i64: 2, 16>, scalar_prefetch = 0 : i64, scratch_operands = 5 : i64, tpu.core_type = #tpu.core_type<sc_vector_subcore>, window_params = [{transform_indices = #map}, {transform_indices = #map}, {transform_indices = #map}, {transform_indices = #map}]} {
    %mul3A = arith.constant 640 : i32
    %mul3A_0 = arith.muli %arg1, %mul3A : i32
    "tpu.region"() ({
      %run_scoped3A_46 = tpu.sem_alloc : memref<!tpu.dma_semaphore, #tpu.memory_space<semaphore_mem>>
      %dma_start3A_47 = arith.constant 0 : i32
      %dma_start3A_48 = arith.constant 0 : i32
      %dma_start3A_49 = tpu.memref_slice %arg3[%arg1, %dma_start3A_47, %dma_start3A_48] : memref<16x79x128xi32, #tpu.memory_space<hbm>> -> memref<1x79x128xi32, #tpu.memory_space<hbm>>
      %dma_start3A_50 = tpu.memref_squeeze %dma_start3A_49 : memref<1x79x128xi32, #tpu.memory_space<hbm>> -> memref<79x128xi32, #tpu.memory_space<hbm>>
      %dma_start3A_51 = arith.constant 0 : i32
      %dma_start3A_52 = arith.constant 0 : i32
      %dma_start3A_53 = tpu.memref_slice %arg3[%arg1, %dma_start3A_51, %dma_start3A_52] : memref<16x79x128xi32, #tpu.memory_space<hbm>> -> memref<1x79x128xi32, #tpu.memory_space<hbm>>
      %dma_start3A_54 = tpu.memref_squeeze %dma_start3A_53 : memref<1x79x128xi32, #tpu.memory_space<hbm>> -> memref<79x128xi32, #tpu.memory_space<hbm>>
      tpu.enqueue_dma source(%dma_start3A_54 : memref<79x128xi32, #tpu.memory_space<hbm>>) target(%arg6 : memref<79x128xi32, #tpu.memory_space<vmem>>) target_semaphore(%run_scoped3A_46 : memref<!tpu.dma_semaphore, #tpu.memory_space<semaphore_mem>>)
      %dma_wait3A_55 = arith.constant 0 : i32
      %dma_wait3A_56 = arith.constant 0 : i32
      %dma_wait3A_57 = tpu.memref_slice %arg3[%arg1, %dma_wait3A_55, %dma_wait3A_56] : memref<16x79x128xi32, #tpu.memory_space<hbm>> -> memref<1x79x128xi32, #tpu.memory_space<hbm>>
      %dma_wait3A_58 = tpu.memref_squeeze %dma_wait3A_57 : memref<1x79x128xi32, #tpu.memory_space<hbm>> -> memref<79x128xi32, #tpu.memory_space<hbm>>
      %dma_wait3A_59 = arith.constant 0 : i32
      %dma_wait3A_60 = arith.constant 0 : i32
      %dma_wait3A_61 = tpu.memref_slice %arg3[%arg1, %dma_wait3A_59, %dma_wait3A_60] : memref<16x79x128xi32, #tpu.memory_space<hbm>> -> memref<1x79x128xi32, #tpu.memory_space<hbm>>
      %dma_wait3A_62 = tpu.memref_squeeze %dma_wait3A_61 : memref<1x79x128xi32, #tpu.memory_space<hbm>> -> memref<79x128xi32, #tpu.memory_space<hbm>>
      tpu.wait_dma2 semaphore(%run_scoped3A_46 : memref<!tpu.dma_semaphore, #tpu.memory_space<semaphore_mem>>) src(%dma_wait3A_62 : memref<79x128xi32, #tpu.memory_space<hbm>>) dst(%arg6 : memref<79x128xi32, #tpu.memory_space<vmem>>)
      tpu.yield
    }) : () -> ()
    "tpu.region"() ({
      %run_scoped3A_46 = tpu.sem_alloc : memref<!tpu.dma_semaphore, #tpu.memory_space<semaphore_mem>>
      %dma_start3A_47 = arith.constant 0 : i32
      %dma_start3A_48 = arith.constant 0 : i32
      %dma_start3A_49 = tpu.memref_slice %arg4[%arg1, %dma_start3A_47, %dma_start3A_48] : memref<16x79x128xi32, #tpu.memory_space<hbm>> -> memref<1x79x128xi32, #tpu.memory_space<hbm>>
      %dma_start3A_50 = tpu.memref_squeeze %dma_start3A_49 : memref<1x79x128xi32, #tpu.memory_space<hbm>> -> memref<79x128xi32, #tpu.memory_space<hbm>>
      %dma_start3A_51 = arith.constant 0 : i32
      %dma_start3A_52 = arith.constant 0 : i32
      %dma_start3A_53 = tpu.memref_slice %arg4[%arg1, %dma_start3A_51, %dma_start3A_52] : memref<16x79x128xi32, #tpu.memory_space<hbm>> -> memref<1x79x128xi32, #tpu.memory_space<hbm>>
      %dma_start3A_54 = tpu.memref_squeeze %dma_start3A_53 : memref<1x79x128xi32, #tpu.memory_space<hbm>> -> memref<79x128xi32, #tpu.memory_space<hbm>>
      tpu.enqueue_dma source(%dma_start3A_54 : memref<79x128xi32, #tpu.memory_space<hbm>>) target(%arg7 : memref<79x128xi32, #tpu.memory_space<vmem>>) target_semaphore(%run_scoped3A_46 : memref<!tpu.dma_semaphore, #tpu.memory_space<semaphore_mem>>)
      %dma_wait3A_55 = arith.constant 0 : i32
      %dma_wait3A_56 = arith.constant 0 : i32
      %dma_wait3A_57 = tpu.memref_slice %arg4[%arg1, %dma_wait3A_55, %dma_wait3A_56] : memref<16x79x128xi32, #tpu.memory_space<hbm>> -> memref<1x79x128xi32, #tpu.memory_space<hbm>>
      %dma_wait3A_58 = tpu.memref_squeeze %dma_wait3A_57 : memref<1x79x128xi32, #tpu.memory_space<hbm>> -> memref<79x128xi32, #tpu.memory_space<hbm>>
      %dma_wait3A_59 = arith.constant 0 : i32
      %dma_wait3A_60 = arith.constant 0 : i32
      %dma_wait3A_61 = tpu.memref_slice %arg4[%arg1, %dma_wait3A_59, %dma_wait3A_60] : memref<16x79x128xi32, #tpu.memory_space<hbm>> -> memref<1x79x128xi32, #tpu.memory_space<hbm>>
      %dma_wait3A_62 = tpu.memref_squeeze %dma_wait3A_61 : memref<1x79x128xi32, #tpu.memory_space<hbm>> -> memref<79x128xi32, #tpu.memory_space<hbm>>
      tpu.wait_dma2 semaphore(%run_scoped3A_46 : memref<!tpu.dma_semaphore, #tpu.memory_space<semaphore_mem>>) src(%dma_wait3A_62 : memref<79x128xi32, #tpu.memory_space<hbm>>) dst(%arg7 : memref<79x128xi32, #tpu.memory_space<vmem>>)
      tpu.yield
    }) : () -> ()
    %mul3A_1 = arith.constant 1 : i32
    %mul3A_2 = arith.muli %arg0, %mul3A_1 : i32
    %add3A = arith.constant 0 : i32
    %add3A_3 = arith.addi %mul3A_2, %add3A : i32
    %scan3A = arith.constant 0 : i32
    %scan3A_4 = arith.constant 0 : i32
    %scan3A_5 = arith.constant 1024 : i32
    %scan3A_6 = arith.addi %scan3A_4, %scan3A_5 : i32
    %scan3A_7 = arith.constant 1 : i32
    scf.for %scan3A_46 = %scan3A_4 to %scan3A_6 step %scan3A_7  : i32 {
      %jit3A = arith.constant 8 : i32
      %div3A = arith.divsi %scan3A_46, %jit3A : i32
      %sign3A = arith.constant 0 : i32
      %sign3A_47 = arith.cmpi sgt, %scan3A_46, %sign3A : i32
      %sign3A_48 = arith.extui %sign3A_47 : i1 to i32
      %sign3A_49 = arith.constant 0 : i32
      %sign3A_50 = arith.cmpi slt, %scan3A_46, %sign3A_49 : i32
      %sign3A_51 = arith.extui %sign3A_50 : i1 to i32
      %sign3A_52 = arith.subi %sign3A_48, %sign3A_51 : i32
      %sign3A_53 = arith.constant 0 : i32
      %sign3A_54 = arith.cmpi sgt, %jit3A, %sign3A_53 : i32
      %sign3A_55 = arith.extui %sign3A_54 : i1 to i32
      %sign3A_56 = arith.constant 0 : i32
      %sign3A_57 = arith.cmpi slt, %jit3A, %sign3A_56 : i32
      %sign3A_58 = arith.extui %sign3A_57 : i1 to i32
      %sign3A_59 = arith.subi %sign3A_55, %sign3A_58 : i32
      %ne3A = arith.cmpi ne, %sign3A_52, %sign3A_59 : i32
      %rem3A = arith.remsi %scan3A_46, %jit3A : i32
      %ne3A_60 = arith.constant 0 : i32
      %ne3A_61 = arith.cmpi ne, %rem3A, %ne3A_60 : i32
      %and3A = arith.andi %ne3A, %ne3A_61 : i1
      %sub3A = arith.constant 1 : i32
      %sub3A_62 = arith.subi %div3A, %sub3A : i32
      %select_n3A = arith.select %and3A, %sub3A_62, %div3A : i32
      %jit3A_63 = arith.constant 8 : i32
      %eq3A = arith.constant 0 : i32
      %eq3A_64 = arith.cmpi eq, %jit3A_63, %eq3A : i32
      %jit3A_65 = arith.constant 1 : i32
      %select_n3A_66 = arith.select %eq3A_64, %jit3A_65, %jit3A_63 : i32
      %rem3A_67 = arith.remsi %scan3A_46, %select_n3A_66 : i32
      %ne3A_68 = arith.constant 0 : i32
      %ne3A_69 = arith.cmpi ne, %rem3A_67, %ne3A_68 : i32
      %lt3A = arith.constant 0 : i32
      %lt3A_70 = arith.cmpi slt, %rem3A_67, %lt3A : i32
      %lt3A_71 = arith.constant 0 : i32
      %lt3A_72 = arith.cmpi slt, %select_n3A_66, %lt3A_71 : i32
      %ne3A_73 = arith.xori %lt3A_70, %lt3A_72 : i1
      %and3A_74 = arith.andi %ne3A_73, %ne3A_69 : i1
      %add3A_75 = arith.addi %rem3A_67, %select_n3A_66 : i32
      %select_n3A_76 = arith.select %and3A_74, %add3A_75, %rem3A_67 : i32
      %broadcast_in_dim3A = arith.constant 0.000000e+00 : f32
      %broadcast_in_dim3A_77 = vector.broadcast %broadcast_in_dim3A : f32 to vector<16xf32>
      %mul3A_78 = arith.constant 16 : i32
      %mul3A_79 = arith.muli %select_n3A_76, %mul3A_78 : i32
      %swap3A = arith.index_cast %select_n3A : i32 to index
      %swap3A_80 = arith.index_cast %mul3A_79 : i32 to index
      %swap3A_81 = tpu.vector_load %arg8[%swap3A, %swap3A_80] {strides = array<i32>} : memref<128x128xf32, #tpu.memory_space<vmem>>, vector<1x16xf32>,
      %swap3A_82 = vector.shape_cast %swap3A_81 : vector<1x16xf32> to vector<16xf32>
      %swap3A_83 = vector.shape_cast %broadcast_in_dim3A_77 : vector<16xf32> to vector<1x16xf32>
      tpu.vector_store %arg8[%swap3A, %swap3A_80], %swap3A_83 {strides = array<i32>} : memref<128x128xf32, #tpu.memory_space<vmem>>, vector<1x16xf32>,
    }
    %scan3A_8 = arith.constant 1024 : i32
    %add3A_9 = arith.constant 0 : i32
    %add3A_10 = arith.addi %mul3A_0, %add3A_9 : i32
    "tpu.region"() ({
      %run_scoped3A_46 = tpu.sem_alloc : memref<!tpu.dma_semaphore, #tpu.memory_space<semaphore_mem>>
      %dma_start3A_47 = arith.constant 0 : i32
      %dma_start3A_48 = tpu.memref_slice %arg9[%add3A_10, %dma_start3A_47] : memref<10240x128xf32, #tpu.memory_space<vmem_shared>> -> memref<128x128xf32, #tpu.memory_space<vmem_shared>>
      %dma_start3A_49 = arith.constant 0 : i32
      %dma_start3A_50 = tpu.memref_slice %arg9[%add3A_10, %dma_start3A_49] : memref<10240x128xf32, #tpu.memory_space<vmem_shared>> -> memref<128x128xf32, #tpu.memory_space<vmem_shared>>
      tpu.enqueue_dma source(%arg8 : memref<128x128xf32, #tpu.memory_space<vmem>>) target(%dma_start3A_50 : memref<128x128xf32, #tpu.memory_space<vmem_shared>>) target_semaphore(%run_scoped3A_46 : memref<!tpu.dma_semaphore, #tpu.memory_space<semaphore_mem>>)
      %dma_wait3A_51 = arith.constant 0 : i32
      %dma_wait3A_52 = tpu.memref_slice %arg9[%add3A_10, %dma_wait3A_51] : memref<10240x128xf32, #tpu.memory_space<vmem_shared>> -> memref<128x128xf32, #tpu.memory_space<vmem_shared>>
      %dma_wait3A_53 = arith.constant 0 : i32
      %dma_wait3A_54 = tpu.memref_slice %arg9[%add3A_10, %dma_wait3A_53] : memref<10240x128xf32, #tpu.memory_space<vmem_shared>> -> memref<128x128xf32, #tpu.memory_space<vmem_shared>>
      tpu.wait_dma2 semaphore(%run_scoped3A_46 : memref<!tpu.dma_semaphore, #tpu.memory_space<semaphore_mem>>) src(%arg8 : memref<128x128xf32, #tpu.memory_space<vmem>>) dst(%dma_wait3A_54 : memref<128x128xf32, #tpu.memory_space<vmem_shared>>)
      tpu.yield
    }) : () -> ()
    %add3A_11 = arith.constant 128 : i32
    %add3A_12 = arith.addi %mul3A_0, %add3A_11 : i32
    "tpu.region"() ({
      %run_scoped3A_46 = tpu.sem_alloc : memref<!tpu.dma_semaphore, #tpu.memory_space<semaphore_mem>>
      %dma_start3A_47 = arith.constant 0 : i32
      %dma_start3A_48 = tpu.memref_slice %arg9[%add3A_12, %dma_start3A_47] : memref<10240x128xf32, #tpu.memory_space<vmem_shared>> -> memref<128x128xf32, #tpu.memory_space<vmem_shared>>
      %dma_start3A_49 = arith.constant 0 : i32
      %dma_start3A_50 = tpu.memref_slice %arg9[%add3A_12, %dma_start3A_49] : memref<10240x128xf32, #tpu.memory_space<vmem_shared>> -> memref<128x128xf32, #tpu.memory_space<vmem_shared>>
      tpu.enqueue_dma source(%arg8 : memref<128x128xf32, #tpu.memory_space<vmem>>) target(%dma_start3A_50 : memref<128x128xf32, #tpu.memory_space<vmem_shared>>) target_semaphore(%run_scoped3A_46 : memref<!tpu.dma_semaphore, #tpu.memory_space<semaphore_mem>>)
      %dma_wait3A_51 = arith.constant 0 : i32
      %dma_wait3A_52 = tpu.memref_slice %arg9[%add3A_12, %dma_wait3A_51] : memref<10240x128xf32, #tpu.memory_space<vmem_shared>> -> memref<128x128xf32, #tpu.memory_space<vmem_shared>>
      %dma_wait3A_53 = arith.constant 0 : i32
      %dma_wait3A_54 = tpu.memref_slice %arg9[%add3A_12, %dma_wait3A_53] : memref<10240x128xf32, #tpu.memory_space<vmem_shared>> -> memref<128x128xf32, #tpu.memory_space<vmem_shared>>
      tpu.wait_dma2 semaphore(%run_scoped3A_46 : memref<!tpu.dma_semaphore, #tpu.memory_space<semaphore_mem>>) src(%arg8 : memref<128x128xf32, #tpu.memory_space<vmem>>) dst(%dma_wait3A_54 : memref<128x128xf32, #tpu.memory_space<vmem_shared>>)
      tpu.yield
    }) : () -> ()
    %add3A_13 = arith.constant 256 : i32
    %add3A_14 = arith.addi %mul3A_0, %add3A_13 : i32
    "tpu.region"() ({
      %run_scoped3A_46 = tpu.sem_alloc : memref<!tpu.dma_semaphore, #tpu.memory_space<semaphore_mem>>
      %dma_start3A_47 = arith.constant 0 : i32
      %dma_start3A_48 = tpu.memref_slice %arg9[%add3A_14, %dma_start3A_47] : memref<10240x128xf32, #tpu.memory_space<vmem_shared>> -> memref<128x128xf32, #tpu.memory_space<vmem_shared>>
      %dma_start3A_49 = arith.constant 0 : i32
      %dma_start3A_50 = tpu.memref_slice %arg9[%add3A_14, %dma_start3A_49] : memref<10240x128xf32, #tpu.memory_space<vmem_shared>> -> memref<128x128xf32, #tpu.memory_space<vmem_shared>>
      tpu.enqueue_dma source(%arg8 : memref<128x128xf32, #tpu.memory_space<vmem>>) target(%dma_start3A_50 : memref<128x128xf32, #tpu.memory_space<vmem_shared>>) target_semaphore(%run_scoped3A_46 : memref<!tpu.dma_semaphore, #tpu.memory_space<semaphore_mem>>)
      %dma_wait3A_51 = arith.constant 0 : i32
      %dma_wait3A_52 = tpu.memref_slice %arg9[%add3A_14, %dma_wait3A_51] : memref<10240x128xf32, #tpu.memory_space<vmem_shared>> -> memref<128x128xf32, #tpu.memory_space<vmem_shared>>
      %dma_wait3A_53 = arith.constant 0 : i32
      %dma_wait3A_54 = tpu.memref_slice %arg9[%add3A_14, %dma_wait3A_53] : memref<10240x128xf32, #tpu.memory_space<vmem_shared>> -> memref<128x128xf32, #tpu.memory_space<vmem_shared>>
      tpu.wait_dma2 semaphore(%run_scoped3A_46 : memref<!tpu.dma_semaphore, #tpu.memory_space<semaphore_mem>>) src(%arg8 : memref<128x128xf32, #tpu.memory_space<vmem>>) dst(%dma_wait3A_54 : memref<128x128xf32, #tpu.memory_space<vmem_shared>>)
      tpu.yield
    }) : () -> ()
    %add3A_15 = arith.constant 384 : i32
    %add3A_16 = arith.addi %mul3A_0, %add3A_15 : i32
    "tpu.region"() ({
      %run_scoped3A_46 = tpu.sem_alloc : memref<!tpu.dma_semaphore, #tpu.memory_space<semaphore_mem>>
      %dma_start3A_47 = arith.constant 0 : i32
      %dma_start3A_48 = tpu.memref_slice %arg9[%add3A_16, %dma_start3A_47] : memref<10240x128xf32, #tpu.memory_space<vmem_shared>> -> memref<128x128xf32, #tpu.memory_space<vmem_shared>>
      %dma_start3A_49 = arith.constant 0 : i32
      %dma_start3A_50 = tpu.memref_slice %arg9[%add3A_16, %dma_start3A_49] : memref<10240x128xf32, #tpu.memory_space<vmem_shared>> -> memref<128x128xf32, #tpu.memory_space<vmem_shared>>
      tpu.enqueue_dma source(%arg8 : memref<128x128xf32, #tpu.memory_space<vmem>>) target(%dma_start3A_50 : memref<128x128xf32, #tpu.memory_space<vmem_shared>>) target_semaphore(%run_scoped3A_46 : memref<!tpu.dma_semaphore, #tpu.memory_space<semaphore_mem>>)
      %dma_wait3A_51 = arith.constant 0 : i32
      %dma_wait3A_52 = tpu.memref_slice %arg9[%add3A_16, %dma_wait3A_51] : memref<10240x128xf32, #tpu.memory_space<vmem_shared>> -> memref<128x128xf32, #tpu.memory_space<vmem_shared>>
      %dma_wait3A_53 = arith.constant 0 : i32
      %dma_wait3A_54 = tpu.memref_slice %arg9[%add3A_16, %dma_wait3A_53] : memref<10240x128xf32, #tpu.memory_space<vmem_shared>> -> memref<128x128xf32, #tpu.memory_space<vmem_shared>>
      tpu.wait_dma2 semaphore(%run_scoped3A_46 : memref<!tpu.dma_semaphore, #tpu.memory_space<semaphore_mem>>) src(%arg8 : memref<128x128xf32, #tpu.memory_space<vmem>>) dst(%dma_wait3A_54 : memref<128x128xf32, #tpu.memory_space<vmem_shared>>)
      tpu.yield
    }) : () -> ()
    %add3A_17 = arith.constant 512 : i32
    %add3A_18 = arith.addi %mul3A_0, %add3A_17 : i32
    "tpu.region"() ({
      %run_scoped3A_46 = tpu.sem_alloc : memref<!tpu.dma_semaphore, #tpu.memory_space<semaphore_mem>>
      %dma_start3A_47 = arith.constant 0 : i32
      %dma_start3A_48 = tpu.memref_slice %arg9[%add3A_18, %dma_start3A_47] : memref<10240x128xf32, #tpu.memory_space<vmem_shared>> -> memref<128x128xf32, #tpu.memory_space<vmem_shared>>
      %dma_start3A_49 = arith.constant 0 : i32
      %dma_start3A_50 = tpu.memref_slice %arg9[%add3A_18, %dma_start3A_49] : memref<10240x128xf32, #tpu.memory_space<vmem_shared>> -> memref<128x128xf32, #tpu.memory_space<vmem_shared>>
      tpu.enqueue_dma source(%arg8 : memref<128x128xf32, #tpu.memory_space<vmem>>) target(%dma_start3A_50 : memref<128x128xf32, #tpu.memory_space<vmem_shared>>) target_semaphore(%run_scoped3A_46 : memref<!tpu.dma_semaphore, #tpu.memory_space<semaphore_mem>>)
      %dma_wait3A_51 = arith.constant 0 : i32
      %dma_wait3A_52 = tpu.memref_slice %arg9[%add3A_18, %dma_wait3A_51] : memref<10240x128xf32, #tpu.memory_space<vmem_shared>> -> memref<128x128xf32, #tpu.memory_space<vmem_shared>>
      %dma_wait3A_53 = arith.constant 0 : i32
      %dma_wait3A_54 = tpu.memref_slice %arg9[%add3A_18, %dma_wait3A_53] : memref<10240x128xf32, #tpu.memory_space<vmem_shared>> -> memref<128x128xf32, #tpu.memory_space<vmem_shared>>
      tpu.wait_dma2 semaphore(%run_scoped3A_46 : memref<!tpu.dma_semaphore, #tpu.memory_space<semaphore_mem>>) src(%arg8 : memref<128x128xf32, #tpu.memory_space<vmem>>) dst(%dma_wait3A_54 : memref<128x128xf32, #tpu.memory_space<vmem_shared>>)
      tpu.yield
    }) : () -> ()
    %barrier3A = arith.constant 0 : index
    tpu.barrier barrier_id(%barrier3A)
    %dma_start3A = arith.constant 0 : i32
    %dma_start3A_19 = arith.constant 0 : i32
    %dma_start3A_20 = tpu.memref_slice %arg6[%dma_start3A, %dma_start3A_19] : memref<79x128xi32, #tpu.memory_space<vmem>> -> memref<1x128xi32, #tpu.memory_space<vmem>>
    %dma_start3A_21 = tpu.memref_squeeze %dma_start3A_20 : memref<1x128xi32, #tpu.memory_space<vmem>> -> memref<128xi32, #tpu.memory_space<vmem>>
    %dma_start3A_22 = arith.constant 0 : i32
    %dma_start3A_23 = arith.constant 0 : i32
    %dma_start3A_24 = tpu.memref_slice %arg2[%add3A_3, %dma_start3A_22, %dma_start3A_23] : memref<2x10000x128xf32, #tpu.memory_space<hbm>> -> memref<1x10000x128xf32, #tpu.memory_space<hbm>>
    %dma_start3A_25 = tpu.memref_squeeze %dma_start3A_24 : memref<1x10000x128xf32, #tpu.memory_space<hbm>> -> memref<10000x128xf32, #tpu.memory_space<hbm>>
    %dma_start3A_26 = arith.constant 0 : i32
    %dma_start3A_27 = arith.constant 0 : i32
    %dma_start3A_28 = tpu.memref_slice %dma_start3A_25[%dma_start3A_26, %dma_start3A_27] : memref<10000x128xf32, #tpu.memory_space<hbm>> -> memref<10000x128xf32, #tpu.memory_space<hbm>>
    tpu.enqueue_indirect_dma source(%dma_start3A_28 : memref<10000x128xf32, #tpu.memory_space<hbm>>) target(%arg8 : memref<128x128xf32, #tpu.memory_space<vmem>>) offsets(%dma_start3A_21 : memref<128xi32, #tpu.memory_space<vmem>>) semaphore(%arg10 : memref<!tpu.dma_semaphore, #tpu.memory_space<semaphore_mem>>)
    %scan3A_29 = arith.constant 0 : i32
    %scan3A_30 = arith.constant 0 : i32
    %scan3A_31 = arith.constant 78 : i32
    %scan3A_32 = arith.addi %scan3A_30, %scan3A_31 : i32
    %scan3A_33 = arith.constant 1 : i32
    scf.for %scan3A_46 = %scan3A_30 to %scan3A_32 step %scan3A_33  : i32 {
      %dma_wait3A_47 = arith.constant 0 : i32
      %dma_wait3A_48 = tpu.memref_slice %arg6[%scan3A_46, %dma_wait3A_47] : memref<79x128xi32, #tpu.memory_space<vmem>> -> memref<1x128xi32, #tpu.memory_space<vmem>>
      %dma_wait3A_49 = tpu.memref_squeeze %dma_wait3A_48 : memref<1x128xi32, #tpu.memory_space<vmem>> -> memref<128xi32, #tpu.memory_space<vmem>>
      %dma_wait3A_50 = arith.constant 0 : i32
      %dma_wait3A_51 = arith.constant 0 : i32
      %dma_wait3A_52 = tpu.memref_slice %arg2[%add3A_3, %dma_wait3A_50, %dma_wait3A_51] : memref<2x10000x128xf32, #tpu.memory_space<hbm>> -> memref<1x10000x128xf32, #tpu.memory_space<hbm>>
      %dma_wait3A_53 = tpu.memref_squeeze %dma_wait3A_52 : memref<1x10000x128xf32, #tpu.memory_space<hbm>> -> memref<10000x128xf32, #tpu.memory_space<hbm>>
      %dma_wait3A_54 = arith.constant 0 : i32
      %dma_wait3A_55 = arith.constant 0 : i32
      %dma_wait3A_56 = tpu.memref_slice %dma_wait3A_53[%dma_wait3A_54, %dma_wait3A_55] : memref<10000x128xf32, #tpu.memory_space<hbm>> -> memref<10000x128xf32, #tpu.memory_space<hbm>>
      tpu.wait_indirect_dma semaphore(%arg10 : memref<!tpu.dma_semaphore, #tpu.memory_space<semaphore_mem>>) src(%dma_wait3A_56 : memref<10000x128xf32, #tpu.memory_space<hbm>>) dst(%arg8 : memref<128x128xf32, #tpu.memory_space<vmem>>)
      "tpu.region"() ({
        %run_scoped3A_69 = tpu.sem_alloc : memref<!tpu.dma_semaphore, #tpu.memory_space<semaphore_mem>>
        %dma_start3A_70 = arith.constant 0 : i32
        %dma_start3A_71 = tpu.memref_slice %arg7[%scan3A_46, %dma_start3A_70] : memref<79x128xi32, #tpu.memory_space<vmem>> -> memref<1x128xi32, #tpu.memory_space<vmem>>
        %dma_start3A_72 = tpu.memref_squeeze %dma_start3A_71 : memref<1x128xi32, #tpu.memory_space<vmem>> -> memref<128xi32, #tpu.memory_space<vmem>>
        %dma_start3A_73 = arith.constant 0 : i32
        %dma_start3A_74 = arith.constant 0 : i32
        %dma_start3A_75 = tpu.memref_slice %arg9[%dma_start3A_73, %dma_start3A_74] : memref<10240x128xf32, #tpu.memory_space<vmem_shared>> -> memref<10240x128xf32, #tpu.memory_space<vmem_shared>>
        tpu.enqueue_indirect_dma source(%arg8 : memref<128x128xf32, #tpu.memory_space<vmem>>) target(%dma_start3A_75 : memref<10240x128xf32, #tpu.memory_space<vmem_shared>>) offsets(%dma_start3A_72 : memref<128xi32, #tpu.memory_space<vmem>>) semaphore(%run_scoped3A_69 : memref<!tpu.dma_semaphore, #tpu.memory_space<semaphore_mem>>) {add = true}
        %dma_wait3A_76 = arith.constant 0 : i32
        %dma_wait3A_77 = tpu.memref_slice %arg7[%scan3A_46, %dma_wait3A_76] : memref<79x128xi32, #tpu.memory_space<vmem>> -> memref<1x128xi32, #tpu.memory_space<vmem>>
        %dma_wait3A_78 = tpu.memref_squeeze %dma_wait3A_77 : memref<1x128xi32, #tpu.memory_space<vmem>> -> memref<128xi32, #tpu.memory_space<vmem>>
        %dma_wait3A_79 = arith.constant 0 : i32
        %dma_wait3A_80 = arith.constant 0 : i32
        %dma_wait3A_81 = tpu.memref_slice %arg9[%dma_wait3A_79, %dma_wait3A_80] : memref<10240x128xf32, #tpu.memory_space<vmem_shared>> -> memref<10240x128xf32, #tpu.memory_space<vmem_shared>>
        tpu.wait_indirect_dma semaphore(%run_scoped3A_69 : memref<!tpu.dma_semaphore, #tpu.memory_space<semaphore_mem>>) src(%arg8 : memref<128x128xf32, #tpu.memory_space<vmem>>) dst(%dma_wait3A_81 : memref<10240x128xf32, #tpu.memory_space<vmem_shared>>)
        tpu.yield
      }) : () -> ()
      %add3A_57 = arith.constant 1 : i32
      %add3A_58 = arith.addi %scan3A_46, %add3A_57 : i32
      %dma_start3A_59 = arith.constant 0 : i32
      %dma_start3A_60 = tpu.memref_slice %arg6[%add3A_58, %dma_start3A_59] : memref<79x128xi32, #tpu.memory_space<vmem>> -> memref<1x128xi32, #tpu.memory_space<vmem>>
      %dma_start3A_61 = tpu.memref_squeeze %dma_start3A_60 : memref<1x128xi32, #tpu.memory_space<vmem>> -> memref<128xi32, #tpu.memory_space<vmem>>
      %dma_start3A_62 = arith.constant 0 : i32
      %dma_start3A_63 = arith.constant 0 : i32
      %dma_start3A_64 = tpu.memref_slice %arg2[%add3A_3, %dma_start3A_62, %dma_start3A_63] : memref<2x10000x128xf32, #tpu.memory_space<hbm>> -> memref<1x10000x128xf32, #tpu.memory_space<hbm>>
      %dma_start3A_65 = tpu.memref_squeeze %dma_start3A_64 : memref<1x10000x128xf32, #tpu.memory_space<hbm>> -> memref<10000x128xf32, #tpu.memory_space<hbm>>
      %dma_start3A_66 = arith.constant 0 : i32
      %dma_start3A_67 = arith.constant 0 : i32
      %dma_start3A_68 = tpu.memref_slice %dma_start3A_65[%dma_start3A_66, %dma_start3A_67] : memref<10000x128xf32, #tpu.memory_space<hbm>> -> memref<10000x128xf32, #tpu.memory_space<hbm>>
      tpu.enqueue_indirect_dma source(%dma_start3A_68 : memref<10000x128xf32, #tpu.memory_space<hbm>>) target(%arg8 : memref<128x128xf32, #tpu.memory_space<vmem>>) offsets(%dma_start3A_61 : memref<128xi32, #tpu.memory_space<vmem>>) semaphore(%arg10 : memref<!tpu.dma_semaphore, #tpu.memory_space<semaphore_mem>>)
    }
    %scan3A_34 = arith.constant 78 : i32
    %dma_wait3A = arith.constant 78 : i32
    %dma_wait3A_35 = arith.constant 0 : i32
    %dma_wait3A_36 = tpu.memref_slice %arg6[%dma_wait3A, %dma_wait3A_35] : memref<79x128xi32, #tpu.memory_space<vmem>> -> memref<1x128xi32, #tpu.memory_space<vmem>>
    %dma_wait3A_37 = tpu.memref_squeeze %dma_wait3A_36 : memref<1x128xi32, #tpu.memory_space<vmem>> -> memref<128xi32, #tpu.memory_space<vmem>>
    %dma_wait3A_38 = arith.constant 0 : i32
    %dma_wait3A_39 = arith.constant 0 : i32
    %dma_wait3A_40 = tpu.memref_slice %arg2[%add3A_3, %dma_wait3A_38, %dma_wait3A_39] : memref<2x10000x128xf32, #tpu.memory_space<hbm>> -> memref<1x10000x128xf32, #tpu.memory_space<hbm>>
    %dma_wait3A_41 = tpu.memref_squeeze %dma_wait3A_40 : memref<1x10000x128xf32, #tpu.memory_space<hbm>> -> memref<10000x128xf32, #tpu.memory_space<hbm>>
    %dma_wait3A_42 = arith.constant 0 : i32
    %dma_wait3A_43 = arith.constant 0 : i32
    %dma_wait3A_44 = tpu.memref_slice %dma_wait3A_41[%dma_wait3A_42, %dma_wait3A_43] : memref<10000x128xf32, #tpu.memory_space<hbm>> -> memref<10000x128xf32, #tpu.memory_space<hbm>>
    tpu.wait_indirect_dma semaphore(%arg10 : memref<!tpu.dma_semaphore, #tpu.memory_space<semaphore_mem>>) src(%dma_wait3A_44 : memref<10000x128xf32, #tpu.memory_space<hbm>>) dst(%arg8 : memref<128x128xf32, #tpu.memory_space<vmem>>)
    %run_scoped3A = arith.constant 78 : i32
    "tpu.region"() ({
      %run_scoped3A_46 = tpu.sem_alloc : memref<!tpu.dma_semaphore, #tpu.memory_space<semaphore_mem>>
      %dma_start3A_47 = arith.constant 0 : i32
      %dma_start3A_48 = tpu.memref_slice %arg7[%run_scoped3A, %dma_start3A_47] : memref<79x128xi32, #tpu.memory_space<vmem>> -> memref<1x128xi32, #tpu.memory_space<vmem>>
      %dma_start3A_49 = tpu.memref_squeeze %dma_start3A_48 : memref<1x128xi32, #tpu.memory_space<vmem>> -> memref<128xi32, #tpu.memory_space<vmem>>
      %dma_start3A_50 = arith.constant 0 : i32
      %dma_start3A_51 = arith.constant 0 : i32
      %dma_start3A_52 = tpu.memref_slice %arg9[%dma_start3A_50, %dma_start3A_51] : memref<10240x128xf32, #tpu.memory_space<vmem_shared>> -> memref<10240x128xf32, #tpu.memory_space<vmem_shared>>
      tpu.enqueue_indirect_dma source(%arg8 : memref<128x128xf32, #tpu.memory_space<vmem>>) target(%dma_start3A_52 : memref<10240x128xf32, #tpu.memory_space<vmem_shared>>) offsets(%dma_start3A_49 : memref<128xi32, #tpu.memory_space<vmem>>) semaphore(%run_scoped3A_46 : memref<!tpu.dma_semaphore, #tpu.memory_space<semaphore_mem>>) {add = true}
      %dma_wait3A_53 = arith.constant 0 : i32
      %dma_wait3A_54 = tpu.memref_slice %arg7[%run_scoped3A, %dma_wait3A_53] : memref<79x128xi32, #tpu.memory_space<vmem>> -> memref<1x128xi32, #tpu.memory_space<vmem>>
      %dma_wait3A_55 = tpu.memref_squeeze %dma_wait3A_54 : memref<1x128xi32, #tpu.memory_space<vmem>> -> memref<128xi32, #tpu.memory_space<vmem>>
      %dma_wait3A_56 = arith.constant 0 : i32
      %dma_wait3A_57 = arith.constant 0 : i32
      %dma_wait3A_58 = tpu.memref_slice %arg9[%dma_wait3A_56, %dma_wait3A_57] : memref<10240x128xf32, #tpu.memory_space<vmem_shared>> -> memref<10240x128xf32, #tpu.memory_space<vmem_shared>>
      tpu.wait_indirect_dma semaphore(%run_scoped3A_46 : memref<!tpu.dma_semaphore, #tpu.memory_space<semaphore_mem>>) src(%arg8 : memref<128x128xf32, #tpu.memory_space<vmem>>) dst(%dma_wait3A_58 : memref<10240x128xf32, #tpu.memory_space<vmem_shared>>)
      tpu.yield
    }) : () -> ()
    %barrier3A_45 = arith.constant 0 : index
    tpu.barrier barrier_id(%barrier3A_45)
    "tpu.region"() ({
      %run_scoped3A_46 = tpu.sem_alloc : memref<!tpu.dma_semaphore, #tpu.memory_space<semaphore_mem>>
      %dma_start3A_47 = arith.constant 0 : i32
      %dma_start3A_48 = arith.constant 0 : i32
      %dma_start3A_49 = tpu.memref_slice %arg5[%add3A_3, %dma_start3A_47, %dma_start3A_48] : memref<2x10240x128xf32, #tpu.memory_space<hbm>> -> memref<1x10240x128xf32, #tpu.memory_space<hbm>>
      %dma_start3A_50 = tpu.memref_squeeze %dma_start3A_49 : memref<1x10240x128xf32, #tpu.memory_space<hbm>> -> memref<10240x128xf32, #tpu.memory_space<hbm>>
      %dma_start3A_51 = arith.constant 0 : i32
      %dma_start3A_52 = tpu.memref_slice %dma_start3A_50[%mul3A_0, %dma_start3A_51] : memref<10240x128xf32, #tpu.memory_space<hbm>> -> memref<640x128xf32, #tpu.memory_space<hbm>>
      %dma_start3A_53 = arith.constant 0 : i32
      %dma_start3A_54 = tpu.memref_slice %arg9[%mul3A_0, %dma_start3A_53] : memref<10240x128xf32, #tpu.memory_space<vmem_shared>> -> memref<640x128xf32, #tpu.memory_space<vmem_shared>>
      tpu.enqueue_dma source(%dma_start3A_54 : memref<640x128xf32, #tpu.memory_space<vmem_shared>>) target(%dma_start3A_52 : memref<640x128xf32, #tpu.memory_space<hbm>>) target_semaphore(%run_scoped3A_46 : memref<!tpu.dma_semaphore, #tpu.memory_space<semaphore_mem>>)
      %dma_wait3A_55 = arith.constant 0 : i32
      %dma_wait3A_56 = arith.constant 0 : i32
      %dma_wait3A_57 = tpu.memref_slice %arg5[%add3A_3, %dma_wait3A_55, %dma_wait3A_56] : memref<2x10240x128xf32, #tpu.memory_space<hbm>> -> memref<1x10240x128xf32, #tpu.memory_space<hbm>>
      %dma_wait3A_58 = tpu.memref_squeeze %dma_wait3A_57 : memref<1x10240x128xf32, #tpu.memory_space<hbm>> -> memref<10240x128xf32, #tpu.memory_space<hbm>>
      %dma_wait3A_59 = arith.constant 0 : i32
      %dma_wait3A_60 = tpu.memref_slice %dma_wait3A_58[%mul3A_0, %dma_wait3A_59] : memref<10240x128xf32, #tpu.memory_space<hbm>> -> memref<640x128xf32, #tpu.memory_space<hbm>>
      %dma_wait3A_61 = arith.constant 0 : i32
      %dma_wait3A_62 = tpu.memref_slice %arg9[%mul3A_0, %dma_wait3A_61] : memref<10240x128xf32, #tpu.memory_space<vmem_shared>> -> memref<640x128xf32, #tpu.memory_space<vmem_shared>>
      tpu.wait_dma2 semaphore(%run_scoped3A_46 : memref<!tpu.dma_semaphore, #tpu.memory_space<semaphore_mem>>) src(%dma_wait3A_62 : memref<640x128xf32, #tpu.memory_space<vmem_shared>>) dst(%dma_wait3A_60 : memref<640x128xf32, #tpu.memory_space<hbm>>)
      tpu.yield
    }) : () -> ()
    return
  }
}

#map = affine_map<(d0, d1) -> (0, 0, 0)>
module attributes {stable_mosaic.version = 14 : i64} {
  func.func @prop_kernel(%arg0: i32, %arg1: i32, %arg2: memref<4x10000x128xf32, #tpu.memory_space<hbm>>, %arg3: memref<16x79x128xi32, #tpu.memory_space<hbm>>, %arg4: memref<16x79x128xi32, #tpu.memory_space<hbm>>, %arg5: memref<4x10240x128xf32, #tpu.memory_space<hbm>>, %arg6: memref<79x128xi32, #tpu.memory_space<vmem>>, %arg7: memref<79x128xi32, #tpu.memory_space<vmem>>, %arg8: memref<128x128xf32, #tpu.memory_space<vmem>>, %arg9: memref<10240x128xf32, #tpu.memory_space<vmem_shared>>, %arg10: memref<!tpu.dma_semaphore, #tpu.memory_space<semaphore_mem>>) attributes {dimension_semantics = [#tpu.dimension_semantics<core_parallel>, #tpu.dimension_semantics<subcore_parallel>], iteration_bounds = array<i64: 2, 16>, scalar_prefetch = 0 : i64, scratch_operands = 5 : i64, tpu.core_type = #tpu.core_type<sc_vector_subcore>, window_params = [{transform_indices = #map}, {transform_indices = #map}, {transform_indices = #map}, {transform_indices = #map}]} {
    %mul3A = arith.constant 640 : i32
    %mul3A_0 = arith.muli %arg1, %mul3A : i32
    "tpu.region"() ({
      %run_scoped3A_98 = tpu.sem_alloc : memref<!tpu.dma_semaphore, #tpu.memory_space<semaphore_mem>>
      %dma_start3A_99 = arith.constant 0 : i32
      %dma_start3A_100 = arith.constant 0 : i32
      %dma_start3A_101 = tpu.memref_slice %arg3[%arg1, %dma_start3A_99, %dma_start3A_100] : memref<16x79x128xi32, #tpu.memory_space<hbm>> -> memref<1x79x128xi32, #tpu.memory_space<hbm>>
      %dma_start3A_102 = tpu.memref_squeeze %dma_start3A_101 : memref<1x79x128xi32, #tpu.memory_space<hbm>> -> memref<79x128xi32, #tpu.memory_space<hbm>>
      %dma_start3A_103 = arith.constant 0 : i32
      %dma_start3A_104 = arith.constant 0 : i32
      %dma_start3A_105 = tpu.memref_slice %arg3[%arg1, %dma_start3A_103, %dma_start3A_104] : memref<16x79x128xi32, #tpu.memory_space<hbm>> -> memref<1x79x128xi32, #tpu.memory_space<hbm>>
      %dma_start3A_106 = tpu.memref_squeeze %dma_start3A_105 : memref<1x79x128xi32, #tpu.memory_space<hbm>> -> memref<79x128xi32, #tpu.memory_space<hbm>>
      tpu.enqueue_dma source(%dma_start3A_106 : memref<79x128xi32, #tpu.memory_space<hbm>>) target(%arg6 : memref<79x128xi32, #tpu.memory_space<vmem>>) target_semaphore(%run_scoped3A_98 : memref<!tpu.dma_semaphore, #tpu.memory_space<semaphore_mem>>)
      %dma_wait3A_107 = arith.constant 0 : i32
      %dma_wait3A_108 = arith.constant 0 : i32
      %dma_wait3A_109 = tpu.memref_slice %arg3[%arg1, %dma_wait3A_107, %dma_wait3A_108] : memref<16x79x128xi32, #tpu.memory_space<hbm>> -> memref<1x79x128xi32, #tpu.memory_space<hbm>>
      %dma_wait3A_110 = tpu.memref_squeeze %dma_wait3A_109 : memref<1x79x128xi32, #tpu.memory_space<hbm>> -> memref<79x128xi32, #tpu.memory_space<hbm>>
      %dma_wait3A_111 = arith.constant 0 : i32
      %dma_wait3A_112 = arith.constant 0 : i32
      %dma_wait3A_113 = tpu.memref_slice %arg3[%arg1, %dma_wait3A_111, %dma_wait3A_112] : memref<16x79x128xi32, #tpu.memory_space<hbm>> -> memref<1x79x128xi32, #tpu.memory_space<hbm>>
      %dma_wait3A_114 = tpu.memref_squeeze %dma_wait3A_113 : memref<1x79x128xi32, #tpu.memory_space<hbm>> -> memref<79x128xi32, #tpu.memory_space<hbm>>
      tpu.wait_dma2 semaphore(%run_scoped3A_98 : memref<!tpu.dma_semaphore, #tpu.memory_space<semaphore_mem>>) src(%dma_wait3A_114 : memref<79x128xi32, #tpu.memory_space<hbm>>) dst(%arg6 : memref<79x128xi32, #tpu.memory_space<vmem>>)
      tpu.yield
    }) : () -> ()
    "tpu.region"() ({
      %run_scoped3A_98 = tpu.sem_alloc : memref<!tpu.dma_semaphore, #tpu.memory_space<semaphore_mem>>
      %dma_start3A_99 = arith.constant 0 : i32
      %dma_start3A_100 = arith.constant 0 : i32
      %dma_start3A_101 = tpu.memref_slice %arg4[%arg1, %dma_start3A_99, %dma_start3A_100] : memref<16x79x128xi32, #tpu.memory_space<hbm>> -> memref<1x79x128xi32, #tpu.memory_space<hbm>>
      %dma_start3A_102 = tpu.memref_squeeze %dma_start3A_101 : memref<1x79x128xi32, #tpu.memory_space<hbm>> -> memref<79x128xi32, #tpu.memory_space<hbm>>
      %dma_start3A_103 = arith.constant 0 : i32
      %dma_start3A_104 = arith.constant 0 : i32
      %dma_start3A_105 = tpu.memref_slice %arg4[%arg1, %dma_start3A_103, %dma_start3A_104] : memref<16x79x128xi32, #tpu.memory_space<hbm>> -> memref<1x79x128xi32, #tpu.memory_space<hbm>>
      %dma_start3A_106 = tpu.memref_squeeze %dma_start3A_105 : memref<1x79x128xi32, #tpu.memory_space<hbm>> -> memref<79x128xi32, #tpu.memory_space<hbm>>
      tpu.enqueue_dma source(%dma_start3A_106 : memref<79x128xi32, #tpu.memory_space<hbm>>) target(%arg7 : memref<79x128xi32, #tpu.memory_space<vmem>>) target_semaphore(%run_scoped3A_98 : memref<!tpu.dma_semaphore, #tpu.memory_space<semaphore_mem>>)
      %dma_wait3A_107 = arith.constant 0 : i32
      %dma_wait3A_108 = arith.constant 0 : i32
      %dma_wait3A_109 = tpu.memref_slice %arg4[%arg1, %dma_wait3A_107, %dma_wait3A_108] : memref<16x79x128xi32, #tpu.memory_space<hbm>> -> memref<1x79x128xi32, #tpu.memory_space<hbm>>
      %dma_wait3A_110 = tpu.memref_squeeze %dma_wait3A_109 : memref<1x79x128xi32, #tpu.memory_space<hbm>> -> memref<79x128xi32, #tpu.memory_space<hbm>>
      %dma_wait3A_111 = arith.constant 0 : i32
      %dma_wait3A_112 = arith.constant 0 : i32
      %dma_wait3A_113 = tpu.memref_slice %arg4[%arg1, %dma_wait3A_111, %dma_wait3A_112] : memref<16x79x128xi32, #tpu.memory_space<hbm>> -> memref<1x79x128xi32, #tpu.memory_space<hbm>>
      %dma_wait3A_114 = tpu.memref_squeeze %dma_wait3A_113 : memref<1x79x128xi32, #tpu.memory_space<hbm>> -> memref<79x128xi32, #tpu.memory_space<hbm>>
      tpu.wait_dma2 semaphore(%run_scoped3A_98 : memref<!tpu.dma_semaphore, #tpu.memory_space<semaphore_mem>>) src(%dma_wait3A_114 : memref<79x128xi32, #tpu.memory_space<hbm>>) dst(%arg7 : memref<79x128xi32, #tpu.memory_space<vmem>>)
      tpu.yield
    }) : () -> ()
    %mul3A_1 = arith.constant 2 : i32
    %mul3A_2 = arith.muli %arg0, %mul3A_1 : i32
    %add3A = arith.constant 0 : i32
    %add3A_3 = arith.addi %mul3A_2, %add3A : i32
    %scan3A = arith.constant 0 : i32
    %scan3A_4 = arith.constant 0 : i32
    %scan3A_5 = arith.constant 1024 : i32
    %scan3A_6 = arith.addi %scan3A_4, %scan3A_5 : i32
    %scan3A_7 = arith.constant 1 : i32
    scf.for %scan3A_98 = %scan3A_4 to %scan3A_6 step %scan3A_7  : i32 {
      %jit3A = arith.constant 8 : i32
      %div3A = arith.divsi %scan3A_98, %jit3A : i32
      %sign3A = arith.constant 0 : i32
      %sign3A_99 = arith.cmpi sgt, %scan3A_98, %sign3A : i32
      %sign3A_100 = arith.extui %sign3A_99 : i1 to i32
      %sign3A_101 = arith.constant 0 : i32
      %sign3A_102 = arith.cmpi slt, %scan3A_98, %sign3A_101 : i32
      %sign3A_103 = arith.extui %sign3A_102 : i1 to i32
      %sign3A_104 = arith.subi %sign3A_100, %sign3A_103 : i32
      %sign3A_105 = arith.constant 0 : i32
      %sign3A_106 = arith.cmpi sgt, %jit3A, %sign3A_105 : i32
      %sign3A_107 = arith.extui %sign3A_106 : i1 to i32
      %sign3A_108 = arith.constant 0 : i32
      %sign3A_109 = arith.cmpi slt, %jit3A, %sign3A_108 : i32
      %sign3A_110 = arith.extui %sign3A_109 : i1 to i32
      %sign3A_111 = arith.subi %sign3A_107, %sign3A_110 : i32
      %ne3A = arith.cmpi ne, %sign3A_104, %sign3A_111 : i32
      %rem3A = arith.remsi %scan3A_98, %jit3A : i32
      %ne3A_112 = arith.constant 0 : i32
      %ne3A_113 = arith.cmpi ne, %rem3A, %ne3A_112 : i32
      %and3A = arith.andi %ne3A, %ne3A_113 : i1
      %sub3A = arith.constant 1 : i32
      %sub3A_114 = arith.subi %div3A, %sub3A : i32
      %select_n3A = arith.select %and3A, %sub3A_114, %div3A : i32
      %jit3A_115 = arith.constant 8 : i32
      %eq3A = arith.constant 0 : i32
      %eq3A_116 = arith.cmpi eq, %jit3A_115, %eq3A : i32
      %jit3A_117 = arith.constant 1 : i32
      %select_n3A_118 = arith.select %eq3A_116, %jit3A_117, %jit3A_115 : i32
      %rem3A_119 = arith.remsi %scan3A_98, %select_n3A_118 : i32
      %ne3A_120 = arith.constant 0 : i32
      %ne3A_121 = arith.cmpi ne, %rem3A_119, %ne3A_120 : i32
      %lt3A = arith.constant 0 : i32
      %lt3A_122 = arith.cmpi slt, %rem3A_119, %lt3A : i32
      %lt3A_123 = arith.constant 0 : i32
      %lt3A_124 = arith.cmpi slt, %select_n3A_118, %lt3A_123 : i32
      %ne3A_125 = arith.xori %lt3A_122, %lt3A_124 : i1
      %and3A_126 = arith.andi %ne3A_125, %ne3A_121 : i1
      %add3A_127 = arith.addi %rem3A_119, %select_n3A_118 : i32
      %select_n3A_128 = arith.select %and3A_126, %add3A_127, %rem3A_119 : i32
      %broadcast_in_dim3A = arith.constant 0.000000e+00 : f32
      %broadcast_in_dim3A_129 = vector.broadcast %broadcast_in_dim3A : f32 to vector<16xf32>
      %mul3A_130 = arith.constant 16 : i32
      %mul3A_131 = arith.muli %select_n3A_128, %mul3A_130 : i32
      %swap3A = arith.index_cast %select_n3A : i32 to index
      %swap3A_132 = arith.index_cast %mul3A_131 : i32 to index
      %swap3A_133 = tpu.vector_load %arg8[%swap3A, %swap3A_132] {strides = array<i32>} : memref<128x128xf32, #tpu.memory_space<vmem>>, vector<1x16xf32>,
      %swap3A_134 = vector.shape_cast %swap3A_133 : vector<1x16xf32> to vector<16xf32>
      %swap3A_135 = vector.shape_cast %broadcast_in_dim3A_129 : vector<16xf32> to vector<1x16xf32>
      tpu.vector_store %arg8[%swap3A, %swap3A_132], %swap3A_135 {strides = array<i32>} : memref<128x128xf32, #tpu.memory_space<vmem>>, vector<1x16xf32>,
    }
    %scan3A_8 = arith.constant 1024 : i32
    %add3A_9 = arith.constant 0 : i32
    %add3A_10 = arith.addi %mul3A_0, %add3A_9 : i32
    "tpu.region"() ({
      %run_scoped3A_98 = tpu.sem_alloc : memref<!tpu.dma_semaphore, #tpu.memory_space<semaphore_mem>>
      %dma_start3A_99 = arith.constant 0 : i32
      %dma_start3A_100 = tpu.memref_slice %arg9[%add3A_10, %dma_start3A_99] : memref<10240x128xf32, #tpu.memory_space<vmem_shared>> -> memref<128x128xf32, #tpu.memory_space<vmem_shared>>
      %dma_start3A_101 = arith.constant 0 : i32
      %dma_start3A_102 = tpu.memref_slice %arg9[%add3A_10, %dma_start3A_101] : memref<10240x128xf32, #tpu.memory_space<vmem_shared>> -> memref<128x128xf32, #tpu.memory_space<vmem_shared>>
      tpu.enqueue_dma source(%arg8 : memref<128x128xf32, #tpu.memory_space<vmem>>) target(%dma_start3A_102 : memref<128x128xf32, #tpu.memory_space<vmem_shared>>) target_semaphore(%run_scoped3A_98 : memref<!tpu.dma_semaphore, #tpu.memory_space<semaphore_mem>>)
      %dma_wait3A_103 = arith.constant 0 : i32
      %dma_wait3A_104 = tpu.memref_slice %arg9[%add3A_10, %dma_wait3A_103] : memref<10240x128xf32, #tpu.memory_space<vmem_shared>> -> memref<128x128xf32, #tpu.memory_space<vmem_shared>>
      %dma_wait3A_105 = arith.constant 0 : i32
      %dma_wait3A_106 = tpu.memref_slice %arg9[%add3A_10, %dma_wait3A_105] : memref<10240x128xf32, #tpu.memory_space<vmem_shared>> -> memref<128x128xf32, #tpu.memory_space<vmem_shared>>
      tpu.wait_dma2 semaphore(%run_scoped3A_98 : memref<!tpu.dma_semaphore, #tpu.memory_space<semaphore_mem>>) src(%arg8 : memref<128x128xf32, #tpu.memory_space<vmem>>) dst(%dma_wait3A_106 : memref<128x128xf32, #tpu.memory_space<vmem_shared>>)
      tpu.yield
    }) : () -> ()
    %add3A_11 = arith.constant 128 : i32
    %add3A_12 = arith.addi %mul3A_0, %add3A_11 : i32
    "tpu.region"() ({
      %run_scoped3A_98 = tpu.sem_alloc : memref<!tpu.dma_semaphore, #tpu.memory_space<semaphore_mem>>
      %dma_start3A_99 = arith.constant 0 : i32
      %dma_start3A_100 = tpu.memref_slice %arg9[%add3A_12, %dma_start3A_99] : memref<10240x128xf32, #tpu.memory_space<vmem_shared>> -> memref<128x128xf32, #tpu.memory_space<vmem_shared>>
      %dma_start3A_101 = arith.constant 0 : i32
      %dma_start3A_102 = tpu.memref_slice %arg9[%add3A_12, %dma_start3A_101] : memref<10240x128xf32, #tpu.memory_space<vmem_shared>> -> memref<128x128xf32, #tpu.memory_space<vmem_shared>>
      tpu.enqueue_dma source(%arg8 : memref<128x128xf32, #tpu.memory_space<vmem>>) target(%dma_start3A_102 : memref<128x128xf32, #tpu.memory_space<vmem_shared>>) target_semaphore(%run_scoped3A_98 : memref<!tpu.dma_semaphore, #tpu.memory_space<semaphore_mem>>)
      %dma_wait3A_103 = arith.constant 0 : i32
      %dma_wait3A_104 = tpu.memref_slice %arg9[%add3A_12, %dma_wait3A_103] : memref<10240x128xf32, #tpu.memory_space<vmem_shared>> -> memref<128x128xf32, #tpu.memory_space<vmem_shared>>
      %dma_wait3A_105 = arith.constant 0 : i32
      %dma_wait3A_106 = tpu.memref_slice %arg9[%add3A_12, %dma_wait3A_105] : memref<10240x128xf32, #tpu.memory_space<vmem_shared>> -> memref<128x128xf32, #tpu.memory_space<vmem_shared>>
      tpu.wait_dma2 semaphore(%run_scoped3A_98 : memref<!tpu.dma_semaphore, #tpu.memory_space<semaphore_mem>>) src(%arg8 : memref<128x128xf32, #tpu.memory_space<vmem>>) dst(%dma_wait3A_106 : memref<128x128xf32, #tpu.memory_space<vmem_shared>>)
      tpu.yield
    }) : () -> ()
    %add3A_13 = arith.constant 256 : i32
    %add3A_14 = arith.addi %mul3A_0, %add3A_13 : i32
    "tpu.region"() ({
      %run_scoped3A_98 = tpu.sem_alloc : memref<!tpu.dma_semaphore, #tpu.memory_space<semaphore_mem>>
      %dma_start3A_99 = arith.constant 0 : i32
      %dma_start3A_100 = tpu.memref_slice %arg9[%add3A_14, %dma_start3A_99] : memref<10240x128xf32, #tpu.memory_space<vmem_shared>> -> memref<128x128xf32, #tpu.memory_space<vmem_shared>>
      %dma_start3A_101 = arith.constant 0 : i32
      %dma_start3A_102 = tpu.memref_slice %arg9[%add3A_14, %dma_start3A_101] : memref<10240x128xf32, #tpu.memory_space<vmem_shared>> -> memref<128x128xf32, #tpu.memory_space<vmem_shared>>
      tpu.enqueue_dma source(%arg8 : memref<128x128xf32, #tpu.memory_space<vmem>>) target(%dma_start3A_102 : memref<128x128xf32, #tpu.memory_space<vmem_shared>>) target_semaphore(%run_scoped3A_98 : memref<!tpu.dma_semaphore, #tpu.memory_space<semaphore_mem>>)
      %dma_wait3A_103 = arith.constant 0 : i32
      %dma_wait3A_104 = tpu.memref_slice %arg9[%add3A_14, %dma_wait3A_103] : memref<10240x128xf32, #tpu.memory_space<vmem_shared>> -> memref<128x128xf32, #tpu.memory_space<vmem_shared>>
      %dma_wait3A_105 = arith.constant 0 : i32
      %dma_wait3A_106 = tpu.memref_slice %arg9[%add3A_14, %dma_wait3A_105] : memref<10240x128xf32, #tpu.memory_space<vmem_shared>> -> memref<128x128xf32, #tpu.memory_space<vmem_shared>>
      tpu.wait_dma2 semaphore(%run_scoped3A_98 : memref<!tpu.dma_semaphore, #tpu.memory_space<semaphore_mem>>) src(%arg8 : memref<128x128xf32, #tpu.memory_space<vmem>>) dst(%dma_wait3A_106 : memref<128x128xf32, #tpu.memory_space<vmem_shared>>)
      tpu.yield
    }) : () -> ()
    %add3A_15 = arith.constant 384 : i32
    %add3A_16 = arith.addi %mul3A_0, %add3A_15 : i32
    "tpu.region"() ({
      %run_scoped3A_98 = tpu.sem_alloc : memref<!tpu.dma_semaphore, #tpu.memory_space<semaphore_mem>>
      %dma_start3A_99 = arith.constant 0 : i32
      %dma_start3A_100 = tpu.memref_slice %arg9[%add3A_16, %dma_start3A_99] : memref<10240x128xf32, #tpu.memory_space<vmem_shared>> -> memref<128x128xf32, #tpu.memory_space<vmem_shared>>
      %dma_start3A_101 = arith.constant 0 : i32
      %dma_start3A_102 = tpu.memref_slice %arg9[%add3A_16, %dma_start3A_101] : memref<10240x128xf32, #tpu.memory_space<vmem_shared>> -> memref<128x128xf32, #tpu.memory_space<vmem_shared>>
      tpu.enqueue_dma source(%arg8 : memref<128x128xf32, #tpu.memory_space<vmem>>) target(%dma_start3A_102 : memref<128x128xf32, #tpu.memory_space<vmem_shared>>) target_semaphore(%run_scoped3A_98 : memref<!tpu.dma_semaphore, #tpu.memory_space<semaphore_mem>>)
      %dma_wait3A_103 = arith.constant 0 : i32
      %dma_wait3A_104 = tpu.memref_slice %arg9[%add3A_16, %dma_wait3A_103] : memref<10240x128xf32, #tpu.memory_space<vmem_shared>> -> memref<128x128xf32, #tpu.memory_space<vmem_shared>>
      %dma_wait3A_105 = arith.constant 0 : i32
      %dma_wait3A_106 = tpu.memref_slice %arg9[%add3A_16, %dma_wait3A_105] : memref<10240x128xf32, #tpu.memory_space<vmem_shared>> -> memref<128x128xf32, #tpu.memory_space<vmem_shared>>
      tpu.wait_dma2 semaphore(%run_scoped3A_98 : memref<!tpu.dma_semaphore, #tpu.memory_space<semaphore_mem>>) src(%arg8 : memref<128x128xf32, #tpu.memory_space<vmem>>) dst(%dma_wait3A_106 : memref<128x128xf32, #tpu.memory_space<vmem_shared>>)
      tpu.yield
    }) : () -> ()
    %add3A_17 = arith.constant 512 : i32
    %add3A_18 = arith.addi %mul3A_0, %add3A_17 : i32
    "tpu.region"() ({
      %run_scoped3A_98 = tpu.sem_alloc : memref<!tpu.dma_semaphore, #tpu.memory_space<semaphore_mem>>
      %dma_start3A_99 = arith.constant 0 : i32
      %dma_start3A_100 = tpu.memref_slice %arg9[%add3A_18, %dma_start3A_99] : memref<10240x128xf32, #tpu.memory_space<vmem_shared>> -> memref<128x128xf32, #tpu.memory_space<vmem_shared>>
      %dma_start3A_101 = arith.constant 0 : i32
      %dma_start3A_102 = tpu.memref_slice %arg9[%add3A_18, %dma_start3A_101] : memref<10240x128xf32, #tpu.memory_space<vmem_shared>> -> memref<128x128xf32, #tpu.memory_space<vmem_shared>>
      tpu.enqueue_dma source(%arg8 : memref<128x128xf32, #tpu.memory_space<vmem>>) target(%dma_start3A_102 : memref<128x128xf32, #tpu.memory_space<vmem_shared>>) target_semaphore(%run_scoped3A_98 : memref<!tpu.dma_semaphore, #tpu.memory_space<semaphore_mem>>)
      %dma_wait3A_103 = arith.constant 0 : i32
      %dma_wait3A_104 = tpu.memref_slice %arg9[%add3A_18, %dma_wait3A_103] : memref<10240x128xf32, #tpu.memory_space<vmem_shared>> -> memref<128x128xf32, #tpu.memory_space<vmem_shared>>
      %dma_wait3A_105 = arith.constant 0 : i32
      %dma_wait3A_106 = tpu.memref_slice %arg9[%add3A_18, %dma_wait3A_105] : memref<10240x128xf32, #tpu.memory_space<vmem_shared>> -> memref<128x128xf32, #tpu.memory_space<vmem_shared>>
      tpu.wait_dma2 semaphore(%run_scoped3A_98 : memref<!tpu.dma_semaphore, #tpu.memory_space<semaphore_mem>>) src(%arg8 : memref<128x128xf32, #tpu.memory_space<vmem>>) dst(%dma_wait3A_106 : memref<128x128xf32, #tpu.memory_space<vmem_shared>>)
      tpu.yield
    }) : () -> ()
    %barrier3A = arith.constant 0 : index
    tpu.barrier barrier_id(%barrier3A)
    %dma_start3A = arith.constant 0 : i32
    %dma_start3A_19 = arith.constant 0 : i32
    %dma_start3A_20 = tpu.memref_slice %arg6[%dma_start3A, %dma_start3A_19] : memref<79x128xi32, #tpu.memory_space<vmem>> -> memref<1x128xi32, #tpu.memory_space<vmem>>
    %dma_start3A_21 = tpu.memref_squeeze %dma_start3A_20 : memref<1x128xi32, #tpu.memory_space<vmem>> -> memref<128xi32, #tpu.memory_space<vmem>>
    %dma_start3A_22 = arith.constant 0 : i32
    %dma_start3A_23 = arith.constant 0 : i32
    %dma_start3A_24 = tpu.memref_slice %arg2[%add3A_3, %dma_start3A_22, %dma_start3A_23] : memref<4x10000x128xf32, #tpu.memory_space<hbm>> -> memref<1x10000x128xf32, #tpu.memory_space<hbm>>
    %dma_start3A_25 = tpu.memref_squeeze %dma_start3A_24 : memref<1x10000x128xf32, #tpu.memory_space<hbm>> -> memref<10000x128xf32, #tpu.memory_space<hbm>>
    %dma_start3A_26 = arith.constant 0 : i32
    %dma_start3A_27 = arith.constant 0 : i32
    %dma_start3A_28 = tpu.memref_slice %dma_start3A_25[%dma_start3A_26, %dma_start3A_27] : memref<10000x128xf32, #tpu.memory_space<hbm>> -> memref<10000x128xf32, #tpu.memory_space<hbm>>
    tpu.enqueue_indirect_dma source(%dma_start3A_28 : memref<10000x128xf32, #tpu.memory_space<hbm>>) target(%arg8 : memref<128x128xf32, #tpu.memory_space<vmem>>) offsets(%dma_start3A_21 : memref<128xi32, #tpu.memory_space<vmem>>) semaphore(%arg10 : memref<!tpu.dma_semaphore, #tpu.memory_space<semaphore_mem>>)
    %scan3A_29 = arith.constant 0 : i32
    %scan3A_30 = arith.constant 0 : i32
    %scan3A_31 = arith.constant 78 : i32
    %scan3A_32 = arith.addi %scan3A_30, %scan3A_31 : i32
    %scan3A_33 = arith.constant 1 : i32
    scf.for %scan3A_98 = %scan3A_30 to %scan3A_32 step %scan3A_33  : i32 {
      %dma_wait3A_99 = arith.constant 0 : i32
      %dma_wait3A_100 = tpu.memref_slice %arg6[%scan3A_98, %dma_wait3A_99] : memref<79x128xi32, #tpu.memory_space<vmem>> -> memref<1x128xi32, #tpu.memory_space<vmem>>
      %dma_wait3A_101 = tpu.memref_squeeze %dma_wait3A_100 : memref<1x128xi32, #tpu.memory_space<vmem>> -> memref<128xi32, #tpu.memory_space<vmem>>
      %dma_wait3A_102 = arith.constant 0 : i32
      %dma_wait3A_103 = arith.constant 0 : i32
      %dma_wait3A_104 = tpu.memref_slice %arg2[%add3A_3, %dma_wait3A_102, %dma_wait3A_103] : memref<4x10000x128xf32, #tpu.memory_space<hbm>> -> memref<1x10000x128xf32, #tpu.memory_space<hbm>>
      %dma_wait3A_105 = tpu.memref_squeeze %dma_wait3A_104 : memref<1x10000x128xf32, #tpu.memory_space<hbm>> -> memref<10000x128xf32, #tpu.memory_space<hbm>>
      %dma_wait3A_106 = arith.constant 0 : i32
      %dma_wait3A_107 = arith.constant 0 : i32
      %dma_wait3A_108 = tpu.memref_slice %dma_wait3A_105[%dma_wait3A_106, %dma_wait3A_107] : memref<10000x128xf32, #tpu.memory_space<hbm>> -> memref<10000x128xf32, #tpu.memory_space<hbm>>
      tpu.wait_indirect_dma semaphore(%arg10 : memref<!tpu.dma_semaphore, #tpu.memory_space<semaphore_mem>>) src(%dma_wait3A_108 : memref<10000x128xf32, #tpu.memory_space<hbm>>) dst(%arg8 : memref<128x128xf32, #tpu.memory_space<vmem>>)
      "tpu.region"() ({
        %run_scoped3A_121 = tpu.sem_alloc : memref<!tpu.dma_semaphore, #tpu.memory_space<semaphore_mem>>
        %dma_start3A_122 = arith.constant 0 : i32
        %dma_start3A_123 = tpu.memref_slice %arg7[%scan3A_98, %dma_start3A_122] : memref<79x128xi32, #tpu.memory_space<vmem>> -> memref<1x128xi32, #tpu.memory_space<vmem>>
        %dma_start3A_124 = tpu.memref_squeeze %dma_start3A_123 : memref<1x128xi32, #tpu.memory_space<vmem>> -> memref<128xi32, #tpu.memory_space<vmem>>
        %dma_start3A_125 = arith.constant 0 : i32
        %dma_start3A_126 = arith.constant 0 : i32
        %dma_start3A_127 = tpu.memref_slice %arg9[%dma_start3A_125, %dma_start3A_126] : memref<10240x128xf32, #tpu.memory_space<vmem_shared>> -> memref<10240x128xf32, #tpu.memory_space<vmem_shared>>
        tpu.enqueue_indirect_dma source(%arg8 : memref<128x128xf32, #tpu.memory_space<vmem>>) target(%dma_start3A_127 : memref<10240x128xf32, #tpu.memory_space<vmem_shared>>) offsets(%dma_start3A_124 : memref<128xi32, #tpu.memory_space<vmem>>) semaphore(%run_scoped3A_121 : memref<!tpu.dma_semaphore, #tpu.memory_space<semaphore_mem>>) {add = true}
        %dma_wait3A_128 = arith.constant 0 : i32
        %dma_wait3A_129 = tpu.memref_slice %arg7[%scan3A_98, %dma_wait3A_128] : memref<79x128xi32, #tpu.memory_space<vmem>> -> memref<1x128xi32, #tpu.memory_space<vmem>>
        %dma_wait3A_130 = tpu.memref_squeeze %dma_wait3A_129 : memref<1x128xi32, #tpu.memory_space<vmem>> -> memref<128xi32, #tpu.memory_space<vmem>>
        %dma_wait3A_131 = arith.constant 0 : i32
        %dma_wait3A_132 = arith.constant 0 : i32
        %dma_wait3A_133 = tpu.memref_slice %arg9[%dma_wait3A_131, %dma_wait3A_132] : memref<10240x128xf32, #tpu.memory_space<vmem_shared>> -> memref<10240x128xf32, #tpu.memory_space<vmem_shared>>
        tpu.wait_indirect_dma semaphore(%run_scoped3A_121 : memref<!tpu.dma_semaphore, #tpu.memory_space<semaphore_mem>>) src(%arg8 : memref<128x128xf32, #tpu.memory_space<vmem>>) dst(%dma_wait3A_133 : memref<10240x128xf32, #tpu.memory_space<vmem_shared>>)
        tpu.yield
      }) : () -> ()
      %add3A_109 = arith.constant 1 : i32
      %add3A_110 = arith.addi %scan3A_98, %add3A_109 : i32
      %dma_start3A_111 = arith.constant 0 : i32
      %dma_start3A_112 = tpu.memref_slice %arg6[%add3A_110, %dma_start3A_111] : memref<79x128xi32, #tpu.memory_space<vmem>> -> memref<1x128xi32, #tpu.memory_space<vmem>>
      %dma_start3A_113 = tpu.memref_squeeze %dma_start3A_112 : memref<1x128xi32, #tpu.memory_space<vmem>> -> memref<128xi32, #tpu.memory_space<vmem>>
      %dma_start3A_114 = arith.constant 0 : i32
      %dma_start3A_115 = arith.constant 0 : i32
      %dma_start3A_116 = tpu.memref_slice %arg2[%add3A_3, %dma_start3A_114, %dma_start3A_115] : memref<4x10000x128xf32, #tpu.memory_space<hbm>> -> memref<1x10000x128xf32, #tpu.memory_space<hbm>>
      %dma_start3A_117 = tpu.memref_squeeze %dma_start3A_116 : memref<1x10000x128xf32, #tpu.memory_space<hbm>> -> memref<10000x128xf32, #tpu.memory_space<hbm>>
      %dma_start3A_118 = arith.constant 0 : i32
      %dma_start3A_119 = arith.constant 0 : i32
      %dma_start3A_120 = tpu.memref_slice %dma_start3A_117[%dma_start3A_118, %dma_start3A_119] : memref<10000x128xf32, #tpu.memory_space<hbm>> -> memref<10000x128xf32, #tpu.memory_space<hbm>>
      tpu.enqueue_indirect_dma source(%dma_start3A_120 : memref<10000x128xf32, #tpu.memory_space<hbm>>) target(%arg8 : memref<128x128xf32, #tpu.memory_space<vmem>>) offsets(%dma_start3A_113 : memref<128xi32, #tpu.memory_space<vmem>>) semaphore(%arg10 : memref<!tpu.dma_semaphore, #tpu.memory_space<semaphore_mem>>)
    }
    %scan3A_34 = arith.constant 78 : i32
    %dma_wait3A = arith.constant 78 : i32
    %dma_wait3A_35 = arith.constant 0 : i32
    %dma_wait3A_36 = tpu.memref_slice %arg6[%dma_wait3A, %dma_wait3A_35] : memref<79x128xi32, #tpu.memory_space<vmem>> -> memref<1x128xi32, #tpu.memory_space<vmem>>
    %dma_wait3A_37 = tpu.memref_squeeze %dma_wait3A_36 : memref<1x128xi32, #tpu.memory_space<vmem>> -> memref<128xi32, #tpu.memory_space<vmem>>
    %dma_wait3A_38 = arith.constant 0 : i32
    %dma_wait3A_39 = arith.constant 0 : i32
    %dma_wait3A_40 = tpu.memref_slice %arg2[%add3A_3, %dma_wait3A_38, %dma_wait3A_39] : memref<4x10000x128xf32, #tpu.memory_space<hbm>> -> memref<1x10000x128xf32, #tpu.memory_space<hbm>>
    %dma_wait3A_41 = tpu.memref_squeeze %dma_wait3A_40 : memref<1x10000x128xf32, #tpu.memory_space<hbm>> -> memref<10000x128xf32, #tpu.memory_space<hbm>>
    %dma_wait3A_42 = arith.constant 0 : i32
    %dma_wait3A_43 = arith.constant 0 : i32
    %dma_wait3A_44 = tpu.memref_slice %dma_wait3A_41[%dma_wait3A_42, %dma_wait3A_43] : memref<10000x128xf32, #tpu.memory_space<hbm>> -> memref<10000x128xf32, #tpu.memory_space<hbm>>
    tpu.wait_indirect_dma semaphore(%arg10 : memref<!tpu.dma_semaphore, #tpu.memory_space<semaphore_mem>>) src(%dma_wait3A_44 : memref<10000x128xf32, #tpu.memory_space<hbm>>) dst(%arg8 : memref<128x128xf32, #tpu.memory_space<vmem>>)
    %run_scoped3A = arith.constant 78 : i32
    "tpu.region"() ({
      %run_scoped3A_98 = tpu.sem_alloc : memref<!tpu.dma_semaphore, #tpu.memory_space<semaphore_mem>>
      %dma_start3A_99 = arith.constant 0 : i32
      %dma_start3A_100 = tpu.memref_slice %arg7[%run_scoped3A, %dma_start3A_99] : memref<79x128xi32, #tpu.memory_space<vmem>> -> memref<1x128xi32, #tpu.memory_space<vmem>>
      %dma_start3A_101 = tpu.memref_squeeze %dma_start3A_100 : memref<1x128xi32, #tpu.memory_space<vmem>> -> memref<128xi32, #tpu.memory_space<vmem>>
      %dma_start3A_102 = arith.constant 0 : i32
      %dma_start3A_103 = arith.constant 0 : i32
      %dma_start3A_104 = tpu.memref_slice %arg9[%dma_start3A_102, %dma_start3A_103] : memref<10240x128xf32, #tpu.memory_space<vmem_shared>> -> memref<10240x128xf32, #tpu.memory_space<vmem_shared>>
      tpu.enqueue_indirect_dma source(%arg8 : memref<128x128xf32, #tpu.memory_space<vmem>>) target(%dma_start3A_104 : memref<10240x128xf32, #tpu.memory_space<vmem_shared>>) offsets(%dma_start3A_101 : memref<128xi32, #tpu.memory_space<vmem>>) semaphore(%run_scoped3A_98 : memref<!tpu.dma_semaphore, #tpu.memory_space<semaphore_mem>>) {add = true}
      %dma_wait3A_105 = arith.constant 0 : i32
      %dma_wait3A_106 = tpu.memref_slice %arg7[%run_scoped3A, %dma_wait3A_105] : memref<79x128xi32, #tpu.memory_space<vmem>> -> memref<1x128xi32, #tpu.memory_space<vmem>>
      %dma_wait3A_107 = tpu.memref_squeeze %dma_wait3A_106 : memref<1x128xi32, #tpu.memory_space<vmem>> -> memref<128xi32, #tpu.memory_space<vmem>>
      %dma_wait3A_108 = arith.constant 0 : i32
      %dma_wait3A_109 = arith.constant 0 : i32
      %dma_wait3A_110 = tpu.memref_slice %arg9[%dma_wait3A_108, %dma_wait3A_109] : memref<10240x128xf32, #tpu.memory_space<vmem_shared>> -> memref<10240x128xf32, #tpu.memory_space<vmem_shared>>
      tpu.wait_indirect_dma semaphore(%run_scoped3A_98 : memref<!tpu.dma_semaphore, #tpu.memory_space<semaphore_mem>>) src(%arg8 : memref<128x128xf32, #tpu.memory_space<vmem>>) dst(%dma_wait3A_110 : memref<10240x128xf32, #tpu.memory_space<vmem_shared>>)
      tpu.yield
    }) : () -> ()
    %barrier3A_45 = arith.constant 0 : index
    tpu.barrier barrier_id(%barrier3A_45)
    "tpu.region"() ({
      %run_scoped3A_98 = tpu.sem_alloc : memref<!tpu.dma_semaphore, #tpu.memory_space<semaphore_mem>>
      %dma_start3A_99 = arith.constant 0 : i32
      %dma_start3A_100 = arith.constant 0 : i32
      %dma_start3A_101 = tpu.memref_slice %arg5[%add3A_3, %dma_start3A_99, %dma_start3A_100] : memref<4x10240x128xf32, #tpu.memory_space<hbm>> -> memref<1x10240x128xf32, #tpu.memory_space<hbm>>
      %dma_start3A_102 = tpu.memref_squeeze %dma_start3A_101 : memref<1x10240x128xf32, #tpu.memory_space<hbm>> -> memref<10240x128xf32, #tpu.memory_space<hbm>>
      %dma_start3A_103 = arith.constant 0 : i32
      %dma_start3A_104 = tpu.memref_slice %dma_start3A_102[%mul3A_0, %dma_start3A_103] : memref<10240x128xf32, #tpu.memory_space<hbm>> -> memref<640x128xf32, #tpu.memory_space<hbm>>
      %dma_start3A_105 = arith.constant 0 : i32
      %dma_start3A_106 = tpu.memref_slice %arg9[%mul3A_0, %dma_start3A_105] : memref<10240x128xf32, #tpu.memory_space<vmem_shared>> -> memref<640x128xf32, #tpu.memory_space<vmem_shared>>
      tpu.enqueue_dma source(%dma_start3A_106 : memref<640x128xf32, #tpu.memory_space<vmem_shared>>) target(%dma_start3A_104 : memref<640x128xf32, #tpu.memory_space<hbm>>) target_semaphore(%run_scoped3A_98 : memref<!tpu.dma_semaphore, #tpu.memory_space<semaphore_mem>>)
      %dma_wait3A_107 = arith.constant 0 : i32
      %dma_wait3A_108 = arith.constant 0 : i32
      %dma_wait3A_109 = tpu.memref_slice %arg5[%add3A_3, %dma_wait3A_107, %dma_wait3A_108] : memref<4x10240x128xf32, #tpu.memory_space<hbm>> -> memref<1x10240x128xf32, #tpu.memory_space<hbm>>
      %dma_wait3A_110 = tpu.memref_squeeze %dma_wait3A_109 : memref<1x10240x128xf32, #tpu.memory_space<hbm>> -> memref<10240x128xf32, #tpu.memory_space<hbm>>
      %dma_wait3A_111 = arith.constant 0 : i32
      %dma_wait3A_112 = tpu.memref_slice %dma_wait3A_110[%mul3A_0, %dma_wait3A_111] : memref<10240x128xf32, #tpu.memory_space<hbm>> -> memref<640x128xf32, #tpu.memory_space<hbm>>
      %dma_wait3A_113 = arith.constant 0 : i32
      %dma_wait3A_114 = tpu.memref_slice %arg9[%mul3A_0, %dma_wait3A_113] : memref<10240x128xf32, #tpu.memory_space<vmem_shared>> -> memref<640x128xf32, #tpu.memory_space<vmem_shared>>
      tpu.wait_dma2 semaphore(%run_scoped3A_98 : memref<!tpu.dma_semaphore, #tpu.memory_space<semaphore_mem>>) src(%dma_wait3A_114 : memref<640x128xf32, #tpu.memory_space<vmem_shared>>) dst(%dma_wait3A_112 : memref<640x128xf32, #tpu.memory_space<hbm>>)
      tpu.yield
    }) : () -> ()
    %barrier3A_46 = arith.constant 0 : index
    tpu.barrier barrier_id(%barrier3A_46)
    %mul3A_47 = arith.constant 2 : i32
    %mul3A_48 = arith.muli %arg0, %mul3A_47 : i32
    %add3A_49 = arith.constant 1 : i32
    %add3A_50 = arith.addi %mul3A_48, %add3A_49 : i32
    %scan3A_51 = arith.constant 0 : i32
    %scan3A_52 = arith.constant 0 : i32
    %scan3A_53 = arith.constant 1024 : i32
    %scan3A_54 = arith.addi %scan3A_52, %scan3A_53 : i32
    %scan3A_55 = arith.constant 1 : i32
    scf.for %scan3A_98 = %scan3A_52 to %scan3A_54 step %scan3A_55  : i32 {
      %jit3A = arith.constant 8 : i32
      %div3A = arith.divsi %scan3A_98, %jit3A : i32
      %sign3A = arith.constant 0 : i32
      %sign3A_99 = arith.cmpi sgt, %scan3A_98, %sign3A : i32
      %sign3A_100 = arith.extui %sign3A_99 : i1 to i32
      %sign3A_101 = arith.constant 0 : i32
      %sign3A_102 = arith.cmpi slt, %scan3A_98, %sign3A_101 : i32
      %sign3A_103 = arith.extui %sign3A_102 : i1 to i32
      %sign3A_104 = arith.subi %sign3A_100, %sign3A_103 : i32
      %sign3A_105 = arith.constant 0 : i32
      %sign3A_106 = arith.cmpi sgt, %jit3A, %sign3A_105 : i32
      %sign3A_107 = arith.extui %sign3A_106 : i1 to i32
      %sign3A_108 = arith.constant 0 : i32
      %sign3A_109 = arith.cmpi slt, %jit3A, %sign3A_108 : i32
      %sign3A_110 = arith.extui %sign3A_109 : i1 to i32
      %sign3A_111 = arith.subi %sign3A_107, %sign3A_110 : i32
      %ne3A = arith.cmpi ne, %sign3A_104, %sign3A_111 : i32
      %rem3A = arith.remsi %scan3A_98, %jit3A : i32
      %ne3A_112 = arith.constant 0 : i32
      %ne3A_113 = arith.cmpi ne, %rem3A, %ne3A_112 : i32
      %and3A = arith.andi %ne3A, %ne3A_113 : i1
      %sub3A = arith.constant 1 : i32
      %sub3A_114 = arith.subi %div3A, %sub3A : i32
      %select_n3A = arith.select %and3A, %sub3A_114, %div3A : i32
      %jit3A_115 = arith.constant 8 : i32
      %eq3A = arith.constant 0 : i32
      %eq3A_116 = arith.cmpi eq, %jit3A_115, %eq3A : i32
      %jit3A_117 = arith.constant 1 : i32
      %select_n3A_118 = arith.select %eq3A_116, %jit3A_117, %jit3A_115 : i32
      %rem3A_119 = arith.remsi %scan3A_98, %select_n3A_118 : i32
      %ne3A_120 = arith.constant 0 : i32
      %ne3A_121 = arith.cmpi ne, %rem3A_119, %ne3A_120 : i32
      %lt3A = arith.constant 0 : i32
      %lt3A_122 = arith.cmpi slt, %rem3A_119, %lt3A : i32
      %lt3A_123 = arith.constant 0 : i32
      %lt3A_124 = arith.cmpi slt, %select_n3A_118, %lt3A_123 : i32
      %ne3A_125 = arith.xori %lt3A_122, %lt3A_124 : i1
      %and3A_126 = arith.andi %ne3A_125, %ne3A_121 : i1
      %add3A_127 = arith.addi %rem3A_119, %select_n3A_118 : i32
      %select_n3A_128 = arith.select %and3A_126, %add3A_127, %rem3A_119 : i32
      %broadcast_in_dim3A = arith.constant 0.000000e+00 : f32
      %broadcast_in_dim3A_129 = vector.broadcast %broadcast_in_dim3A : f32 to vector<16xf32>
      %mul3A_130 = arith.constant 16 : i32
      %mul3A_131 = arith.muli %select_n3A_128, %mul3A_130 : i32
      %swap3A = arith.index_cast %select_n3A : i32 to index
      %swap3A_132 = arith.index_cast %mul3A_131 : i32 to index
      %swap3A_133 = tpu.vector_load %arg8[%swap3A, %swap3A_132] {strides = array<i32>} : memref<128x128xf32, #tpu.memory_space<vmem>>, vector<1x16xf32>,
      %swap3A_134 = vector.shape_cast %swap3A_133 : vector<1x16xf32> to vector<16xf32>
      %swap3A_135 = vector.shape_cast %broadcast_in_dim3A_129 : vector<16xf32> to vector<1x16xf32>
      tpu.vector_store %arg8[%swap3A, %swap3A_132], %swap3A_135 {strides = array<i32>} : memref<128x128xf32, #tpu.memory_space<vmem>>, vector<1x16xf32>,
    }
    %scan3A_56 = arith.constant 1024 : i32
    %add3A_57 = arith.constant 0 : i32
    %add3A_58 = arith.addi %mul3A_0, %add3A_57 : i32
    "tpu.region"() ({
      %run_scoped3A_98 = tpu.sem_alloc : memref<!tpu.dma_semaphore, #tpu.memory_space<semaphore_mem>>
      %dma_start3A_99 = arith.constant 0 : i32
      %dma_start3A_100 = tpu.memref_slice %arg9[%add3A_58, %dma_start3A_99] : memref<10240x128xf32, #tpu.memory_space<vmem_shared>> -> memref<128x128xf32, #tpu.memory_space<vmem_shared>>
      %dma_start3A_101 = arith.constant 0 : i32
      %dma_start3A_102 = tpu.memref_slice %arg9[%add3A_58, %dma_start3A_101] : memref<10240x128xf32, #tpu.memory_space<vmem_shared>> -> memref<128x128xf32, #tpu.memory_space<vmem_shared>>
      tpu.enqueue_dma source(%arg8 : memref<128x128xf32, #tpu.memory_space<vmem>>) target(%dma_start3A_102 : memref<128x128xf32, #tpu.memory_space<vmem_shared>>) target_semaphore(%run_scoped3A_98 : memref<!tpu.dma_semaphore, #tpu.memory_space<semaphore_mem>>)
      %dma_wait3A_103 = arith.constant 0 : i32
      %dma_wait3A_104 = tpu.memref_slice %arg9[%add3A_58, %dma_wait3A_103] : memref<10240x128xf32, #tpu.memory_space<vmem_shared>> -> memref<128x128xf32, #tpu.memory_space<vmem_shared>>
      %dma_wait3A_105 = arith.constant 0 : i32
      %dma_wait3A_106 = tpu.memref_slice %arg9[%add3A_58, %dma_wait3A_105] : memref<10240x128xf32, #tpu.memory_space<vmem_shared>> -> memref<128x128xf32, #tpu.memory_space<vmem_shared>>
      tpu.wait_dma2 semaphore(%run_scoped3A_98 : memref<!tpu.dma_semaphore, #tpu.memory_space<semaphore_mem>>) src(%arg8 : memref<128x128xf32, #tpu.memory_space<vmem>>) dst(%dma_wait3A_106 : memref<128x128xf32, #tpu.memory_space<vmem_shared>>)
      tpu.yield
    }) : () -> ()
    %add3A_59 = arith.constant 128 : i32
    %add3A_60 = arith.addi %mul3A_0, %add3A_59 : i32
    "tpu.region"() ({
      %run_scoped3A_98 = tpu.sem_alloc : memref<!tpu.dma_semaphore, #tpu.memory_space<semaphore_mem>>
      %dma_start3A_99 = arith.constant 0 : i32
      %dma_start3A_100 = tpu.memref_slice %arg9[%add3A_60, %dma_start3A_99] : memref<10240x128xf32, #tpu.memory_space<vmem_shared>> -> memref<128x128xf32, #tpu.memory_space<vmem_shared>>
      %dma_start3A_101 = arith.constant 0 : i32
      %dma_start3A_102 = tpu.memref_slice %arg9[%add3A_60, %dma_start3A_101] : memref<10240x128xf32, #tpu.memory_space<vmem_shared>> -> memref<128x128xf32, #tpu.memory_space<vmem_shared>>
      tpu.enqueue_dma source(%arg8 : memref<128x128xf32, #tpu.memory_space<vmem>>) target(%dma_start3A_102 : memref<128x128xf32, #tpu.memory_space<vmem_shared>>) target_semaphore(%run_scoped3A_98 : memref<!tpu.dma_semaphore, #tpu.memory_space<semaphore_mem>>)
      %dma_wait3A_103 = arith.constant 0 : i32
      %dma_wait3A_104 = tpu.memref_slice %arg9[%add3A_60, %dma_wait3A_103] : memref<10240x128xf32, #tpu.memory_space<vmem_shared>> -> memref<128x128xf32, #tpu.memory_space<vmem_shared>>
      %dma_wait3A_105 = arith.constant 0 : i32
      %dma_wait3A_106 = tpu.memref_slice %arg9[%add3A_60, %dma_wait3A_105] : memref<10240x128xf32, #tpu.memory_space<vmem_shared>> -> memref<128x128xf32, #tpu.memory_space<vmem_shared>>
      tpu.wait_dma2 semaphore(%run_scoped3A_98 : memref<!tpu.dma_semaphore, #tpu.memory_space<semaphore_mem>>) src(%arg8 : memref<128x128xf32, #tpu.memory_space<vmem>>) dst(%dma_wait3A_106 : memref<128x128xf32, #tpu.memory_space<vmem_shared>>)
      tpu.yield
    }) : () -> ()
    %add3A_61 = arith.constant 256 : i32
    %add3A_62 = arith.addi %mul3A_0, %add3A_61 : i32
    "tpu.region"() ({
      %run_scoped3A_98 = tpu.sem_alloc : memref<!tpu.dma_semaphore, #tpu.memory_space<semaphore_mem>>
      %dma_start3A_99 = arith.constant 0 : i32
      %dma_start3A_100 = tpu.memref_slice %arg9[%add3A_62, %dma_start3A_99] : memref<10240x128xf32, #tpu.memory_space<vmem_shared>> -> memref<128x128xf32, #tpu.memory_space<vmem_shared>>
      %dma_start3A_101 = arith.constant 0 : i32
      %dma_start3A_102 = tpu.memref_slice %arg9[%add3A_62, %dma_start3A_101] : memref<10240x128xf32, #tpu.memory_space<vmem_shared>> -> memref<128x128xf32, #tpu.memory_space<vmem_shared>>
      tpu.enqueue_dma source(%arg8 : memref<128x128xf32, #tpu.memory_space<vmem>>) target(%dma_start3A_102 : memref<128x128xf32, #tpu.memory_space<vmem_shared>>) target_semaphore(%run_scoped3A_98 : memref<!tpu.dma_semaphore, #tpu.memory_space<semaphore_mem>>)
      %dma_wait3A_103 = arith.constant 0 : i32
      %dma_wait3A_104 = tpu.memref_slice %arg9[%add3A_62, %dma_wait3A_103] : memref<10240x128xf32, #tpu.memory_space<vmem_shared>> -> memref<128x128xf32, #tpu.memory_space<vmem_shared>>
      %dma_wait3A_105 = arith.constant 0 : i32
      %dma_wait3A_106 = tpu.memref_slice %arg9[%add3A_62, %dma_wait3A_105] : memref<10240x128xf32, #tpu.memory_space<vmem_shared>> -> memref<128x128xf32, #tpu.memory_space<vmem_shared>>
      tpu.wait_dma2 semaphore(%run_scoped3A_98 : memref<!tpu.dma_semaphore, #tpu.memory_space<semaphore_mem>>) src(%arg8 : memref<128x128xf32, #tpu.memory_space<vmem>>) dst(%dma_wait3A_106 : memref<128x128xf32, #tpu.memory_space<vmem_shared>>)
      tpu.yield
    }) : () -> ()
    %add3A_63 = arith.constant 384 : i32
    %add3A_64 = arith.addi %mul3A_0, %add3A_63 : i32
    "tpu.region"() ({
      %run_scoped3A_98 = tpu.sem_alloc : memref<!tpu.dma_semaphore, #tpu.memory_space<semaphore_mem>>
      %dma_start3A_99 = arith.constant 0 : i32
      %dma_start3A_100 = tpu.memref_slice %arg9[%add3A_64, %dma_start3A_99] : memref<10240x128xf32, #tpu.memory_space<vmem_shared>> -> memref<128x128xf32, #tpu.memory_space<vmem_shared>>
      %dma_start3A_101 = arith.constant 0 : i32
      %dma_start3A_102 = tpu.memref_slice %arg9[%add3A_64, %dma_start3A_101] : memref<10240x128xf32, #tpu.memory_space<vmem_shared>> -> memref<128x128xf32, #tpu.memory_space<vmem_shared>>
      tpu.enqueue_dma source(%arg8 : memref<128x128xf32, #tpu.memory_space<vmem>>) target(%dma_start3A_102 : memref<128x128xf32, #tpu.memory_space<vmem_shared>>) target_semaphore(%run_scoped3A_98 : memref<!tpu.dma_semaphore, #tpu.memory_space<semaphore_mem>>)
      %dma_wait3A_103 = arith.constant 0 : i32
      %dma_wait3A_104 = tpu.memref_slice %arg9[%add3A_64, %dma_wait3A_103] : memref<10240x128xf32, #tpu.memory_space<vmem_shared>> -> memref<128x128xf32, #tpu.memory_space<vmem_shared>>
      %dma_wait3A_105 = arith.constant 0 : i32
      %dma_wait3A_106 = tpu.memref_slice %arg9[%add3A_64, %dma_wait3A_105] : memref<10240x128xf32, #tpu.memory_space<vmem_shared>> -> memref<128x128xf32, #tpu.memory_space<vmem_shared>>
      tpu.wait_dma2 semaphore(%run_scoped3A_98 : memref<!tpu.dma_semaphore, #tpu.memory_space<semaphore_mem>>) src(%arg8 : memref<128x128xf32, #tpu.memory_space<vmem>>) dst(%dma_wait3A_106 : memref<128x128xf32, #tpu.memory_space<vmem_shared>>)
      tpu.yield
    }) : () -> ()
    %add3A_65 = arith.constant 512 : i32
    %add3A_66 = arith.addi %mul3A_0, %add3A_65 : i32
    "tpu.region"() ({
      %run_scoped3A_98 = tpu.sem_alloc : memref<!tpu.dma_semaphore, #tpu.memory_space<semaphore_mem>>
      %dma_start3A_99 = arith.constant 0 : i32
      %dma_start3A_100 = tpu.memref_slice %arg9[%add3A_66, %dma_start3A_99] : memref<10240x128xf32, #tpu.memory_space<vmem_shared>> -> memref<128x128xf32, #tpu.memory_space<vmem_shared>>
      %dma_start3A_101 = arith.constant 0 : i32
      %dma_start3A_102 = tpu.memref_slice %arg9[%add3A_66, %dma_start3A_101] : memref<10240x128xf32, #tpu.memory_space<vmem_shared>> -> memref<128x128xf32, #tpu.memory_space<vmem_shared>>
      tpu.enqueue_dma source(%arg8 : memref<128x128xf32, #tpu.memory_space<vmem>>) target(%dma_start3A_102 : memref<128x128xf32, #tpu.memory_space<vmem_shared>>) target_semaphore(%run_scoped3A_98 : memref<!tpu.dma_semaphore, #tpu.memory_space<semaphore_mem>>)
      %dma_wait3A_103 = arith.constant 0 : i32
      %dma_wait3A_104 = tpu.memref_slice %arg9[%add3A_66, %dma_wait3A_103] : memref<10240x128xf32, #tpu.memory_space<vmem_shared>> -> memref<128x128xf32, #tpu.memory_space<vmem_shared>>
      %dma_wait3A_105 = arith.constant 0 : i32
      %dma_wait3A_106 = tpu.memref_slice %arg9[%add3A_66, %dma_wait3A_105] : memref<10240x128xf32, #tpu.memory_space<vmem_shared>> -> memref<128x128xf32, #tpu.memory_space<vmem_shared>>
      tpu.wait_dma2 semaphore(%run_scoped3A_98 : memref<!tpu.dma_semaphore, #tpu.memory_space<semaphore_mem>>) src(%arg8 : memref<128x128xf32, #tpu.memory_space<vmem>>) dst(%dma_wait3A_106 : memref<128x128xf32, #tpu.memory_space<vmem_shared>>)
      tpu.yield
    }) : () -> ()
    %barrier3A_67 = arith.constant 0 : index
    tpu.barrier barrier_id(%barrier3A_67)
    %dma_start3A_68 = arith.constant 0 : i32
    %dma_start3A_69 = arith.constant 0 : i32
    %dma_start3A_70 = tpu.memref_slice %arg6[%dma_start3A_68, %dma_start3A_69] : memref<79x128xi32, #tpu.memory_space<vmem>> -> memref<1x128xi32, #tpu.memory_space<vmem>>
    %dma_start3A_71 = tpu.memref_squeeze %dma_start3A_70 : memref<1x128xi32, #tpu.memory_space<vmem>> -> memref<128xi32, #tpu.memory_space<vmem>>
    %dma_start3A_72 = arith.constant 0 : i32
    %dma_start3A_73 = arith.constant 0 : i32
    %dma_start3A_74 = tpu.memref_slice %arg2[%add3A_50, %dma_start3A_72, %dma_start3A_73] : memref<4x10000x128xf32, #tpu.memory_space<hbm>> -> memref<1x10000x128xf32, #tpu.memory_space<hbm>>
    %dma_start3A_75 = tpu.memref_squeeze %dma_start3A_74 : memref<1x10000x128xf32, #tpu.memory_space<hbm>> -> memref<10000x128xf32, #tpu.memory_space<hbm>>
    %dma_start3A_76 = arith.constant 0 : i32
    %dma_start3A_77 = arith.constant 0 : i32
    %dma_start3A_78 = tpu.memref_slice %dma_start3A_75[%dma_start3A_76, %dma_start3A_77] : memref<10000x128xf32, #tpu.memory_space<hbm>> -> memref<10000x128xf32, #tpu.memory_space<hbm>>
    tpu.enqueue_indirect_dma source(%dma_start3A_78 : memref<10000x128xf32, #tpu.memory_space<hbm>>) target(%arg8 : memref<128x128xf32, #tpu.memory_space<vmem>>) offsets(%dma_start3A_71 : memref<128xi32, #tpu.memory_space<vmem>>) semaphore(%arg10 : memref<!tpu.dma_semaphore, #tpu.memory_space<semaphore_mem>>)
    %scan3A_79 = arith.constant 0 : i32
    %scan3A_80 = arith.constant 0 : i32
    %scan3A_81 = arith.constant 78 : i32
    %scan3A_82 = arith.addi %scan3A_80, %scan3A_81 : i32
    %scan3A_83 = arith.constant 1 : i32
    scf.for %scan3A_98 = %scan3A_80 to %scan3A_82 step %scan3A_83  : i32 {
      %dma_wait3A_99 = arith.constant 0 : i32
      %dma_wait3A_100 = tpu.memref_slice %arg6[%scan3A_98, %dma_wait3A_99] : memref<79x128xi32, #tpu.memory_space<vmem>> -> memref<1x128xi32, #tpu.memory_space<vmem>>
      %dma_wait3A_101 = tpu.memref_squeeze %dma_wait3A_100 : memref<1x128xi32, #tpu.memory_space<vmem>> -> memref<128xi32, #tpu.memory_space<vmem>>
      %dma_wait3A_102 = arith.constant 0 : i32
      %dma_wait3A_103 = arith.constant 0 : i32
      %dma_wait3A_104 = tpu.memref_slice %arg2[%add3A_50, %dma_wait3A_102, %dma_wait3A_103] : memref<4x10000x128xf32, #tpu.memory_space<hbm>> -> memref<1x10000x128xf32, #tpu.memory_space<hbm>>
      %dma_wait3A_105 = tpu.memref_squeeze %dma_wait3A_104 : memref<1x10000x128xf32, #tpu.memory_space<hbm>> -> memref<10000x128xf32, #tpu.memory_space<hbm>>
      %dma_wait3A_106 = arith.constant 0 : i32
      %dma_wait3A_107 = arith.constant 0 : i32
      %dma_wait3A_108 = tpu.memref_slice %dma_wait3A_105[%dma_wait3A_106, %dma_wait3A_107] : memref<10000x128xf32, #tpu.memory_space<hbm>> -> memref<10000x128xf32, #tpu.memory_space<hbm>>
      tpu.wait_indirect_dma semaphore(%arg10 : memref<!tpu.dma_semaphore, #tpu.memory_space<semaphore_mem>>) src(%dma_wait3A_108 : memref<10000x128xf32, #tpu.memory_space<hbm>>) dst(%arg8 : memref<128x128xf32, #tpu.memory_space<vmem>>)
      "tpu.region"() ({
        %run_scoped3A_121 = tpu.sem_alloc : memref<!tpu.dma_semaphore, #tpu.memory_space<semaphore_mem>>
        %dma_start3A_122 = arith.constant 0 : i32
        %dma_start3A_123 = tpu.memref_slice %arg7[%scan3A_98, %dma_start3A_122] : memref<79x128xi32, #tpu.memory_space<vmem>> -> memref<1x128xi32, #tpu.memory_space<vmem>>
        %dma_start3A_124 = tpu.memref_squeeze %dma_start3A_123 : memref<1x128xi32, #tpu.memory_space<vmem>> -> memref<128xi32, #tpu.memory_space<vmem>>
        %dma_start3A_125 = arith.constant 0 : i32
        %dma_start3A_126 = arith.constant 0 : i32
        %dma_start3A_127 = tpu.memref_slice %arg9[%dma_start3A_125, %dma_start3A_126] : memref<10240x128xf32, #tpu.memory_space<vmem_shared>> -> memref<10240x128xf32, #tpu.memory_space<vmem_shared>>
        tpu.enqueue_indirect_dma source(%arg8 : memref<128x128xf32, #tpu.memory_space<vmem>>) target(%dma_start3A_127 : memref<10240x128xf32, #tpu.memory_space<vmem_shared>>) offsets(%dma_start3A_124 : memref<128xi32, #tpu.memory_space<vmem>>) semaphore(%run_scoped3A_121 : memref<!tpu.dma_semaphore, #tpu.memory_space<semaphore_mem>>) {add = true}
        %dma_wait3A_128 = arith.constant 0 : i32
        %dma_wait3A_129 = tpu.memref_slice %arg7[%scan3A_98, %dma_wait3A_128] : memref<79x128xi32, #tpu.memory_space<vmem>> -> memref<1x128xi32, #tpu.memory_space<vmem>>
        %dma_wait3A_130 = tpu.memref_squeeze %dma_wait3A_129 : memref<1x128xi32, #tpu.memory_space<vmem>> -> memref<128xi32, #tpu.memory_space<vmem>>
        %dma_wait3A_131 = arith.constant 0 : i32
        %dma_wait3A_132 = arith.constant 0 : i32
        %dma_wait3A_133 = tpu.memref_slice %arg9[%dma_wait3A_131, %dma_wait3A_132] : memref<10240x128xf32, #tpu.memory_space<vmem_shared>> -> memref<10240x128xf32, #tpu.memory_space<vmem_shared>>
        tpu.wait_indirect_dma semaphore(%run_scoped3A_121 : memref<!tpu.dma_semaphore, #tpu.memory_space<semaphore_mem>>) src(%arg8 : memref<128x128xf32, #tpu.memory_space<vmem>>) dst(%dma_wait3A_133 : memref<10240x128xf32, #tpu.memory_space<vmem_shared>>)
        tpu.yield
      }) : () -> ()
      %add3A_109 = arith.constant 1 : i32
      %add3A_110 = arith.addi %scan3A_98, %add3A_109 : i32
      %dma_start3A_111 = arith.constant 0 : i32
      %dma_start3A_112 = tpu.memref_slice %arg6[%add3A_110, %dma_start3A_111] : memref<79x128xi32, #tpu.memory_space<vmem>> -> memref<1x128xi32, #tpu.memory_space<vmem>>
      %dma_start3A_113 = tpu.memref_squeeze %dma_start3A_112 : memref<1x128xi32, #tpu.memory_space<vmem>> -> memref<128xi32, #tpu.memory_space<vmem>>
      %dma_start3A_114 = arith.constant 0 : i32
      %dma_start3A_115 = arith.constant 0 : i32
      %dma_start3A_116 = tpu.memref_slice %arg2[%add3A_50, %dma_start3A_114, %dma_start3A_115] : memref<4x10000x128xf32, #tpu.memory_space<hbm>> -> memref<1x10000x128xf32, #tpu.memory_space<hbm>>
      %dma_start3A_117 = tpu.memref_squeeze %dma_start3A_116 : memref<1x10000x128xf32, #tpu.memory_space<hbm>> -> memref<10000x128xf32, #tpu.memory_space<hbm>>
      %dma_start3A_118 = arith.constant 0 : i32
      %dma_start3A_119 = arith.constant 0 : i32
      %dma_start3A_120 = tpu.memref_slice %dma_start3A_117[%dma_start3A_118, %dma_start3A_119] : memref<10000x128xf32, #tpu.memory_space<hbm>> -> memref<10000x128xf32, #tpu.memory_space<hbm>>
      tpu.enqueue_indirect_dma source(%dma_start3A_120 : memref<10000x128xf32, #tpu.memory_space<hbm>>) target(%arg8 : memref<128x128xf32, #tpu.memory_space<vmem>>) offsets(%dma_start3A_113 : memref<128xi32, #tpu.memory_space<vmem>>) semaphore(%arg10 : memref<!tpu.dma_semaphore, #tpu.memory_space<semaphore_mem>>)
    }
    %scan3A_84 = arith.constant 78 : i32
    %dma_wait3A_85 = arith.constant 78 : i32
    %dma_wait3A_86 = arith.constant 0 : i32
    %dma_wait3A_87 = tpu.memref_slice %arg6[%dma_wait3A_85, %dma_wait3A_86] : memref<79x128xi32, #tpu.memory_space<vmem>> -> memref<1x128xi32, #tpu.memory_space<vmem>>
    %dma_wait3A_88 = tpu.memref_squeeze %dma_wait3A_87 : memref<1x128xi32, #tpu.memory_space<vmem>> -> memref<128xi32, #tpu.memory_space<vmem>>
    %dma_wait3A_89 = arith.constant 0 : i32
    %dma_wait3A_90 = arith.constant 0 : i32
    %dma_wait3A_91 = tpu.memref_slice %arg2[%add3A_50, %dma_wait3A_89, %dma_wait3A_90] : memref<4x10000x128xf32, #tpu.memory_space<hbm>> -> memref<1x10000x128xf32, #tpu.memory_space<hbm>>
    %dma_wait3A_92 = tpu.memref_squeeze %dma_wait3A_91 : memref<1x10000x128xf32, #tpu.memory_space<hbm>> -> memref<10000x128xf32, #tpu.memory_space<hbm>>
    %dma_wait3A_93 = arith.constant 0 : i32
    %dma_wait3A_94 = arith.constant 0 : i32
    %dma_wait3A_95 = tpu.memref_slice %dma_wait3A_92[%dma_wait3A_93, %dma_wait3A_94] : memref<10000x128xf32, #tpu.memory_space<hbm>> -> memref<10000x128xf32, #tpu.memory_space<hbm>>
    tpu.wait_indirect_dma semaphore(%arg10 : memref<!tpu.dma_semaphore, #tpu.memory_space<semaphore_mem>>) src(%dma_wait3A_95 : memref<10000x128xf32, #tpu.memory_space<hbm>>) dst(%arg8 : memref<128x128xf32, #tpu.memory_space<vmem>>)
    %run_scoped3A_96 = arith.constant 78 : i32
    "tpu.region"() ({
      %run_scoped3A_98 = tpu.sem_alloc : memref<!tpu.dma_semaphore, #tpu.memory_space<semaphore_mem>>
      %dma_start3A_99 = arith.constant 0 : i32
      %dma_start3A_100 = tpu.memref_slice %arg7[%run_scoped3A_96, %dma_start3A_99] : memref<79x128xi32, #tpu.memory_space<vmem>> -> memref<1x128xi32, #tpu.memory_space<vmem>>
      %dma_start3A_101 = tpu.memref_squeeze %dma_start3A_100 : memref<1x128xi32, #tpu.memory_space<vmem>> -> memref<128xi32, #tpu.memory_space<vmem>>
      %dma_start3A_102 = arith.constant 0 : i32
      %dma_start3A_103 = arith.constant 0 : i32
      %dma_start3A_104 = tpu.memref_slice %arg9[%dma_start3A_102, %dma_start3A_103] : memref<10240x128xf32, #tpu.memory_space<vmem_shared>> -> memref<10240x128xf32, #tpu.memory_space<vmem_shared>>
      tpu.enqueue_indirect_dma source(%arg8 : memref<128x128xf32, #tpu.memory_space<vmem>>) target(%dma_start3A_104 : memref<10240x128xf32, #tpu.memory_space<vmem_shared>>) offsets(%dma_start3A_101 : memref<128xi32, #tpu.memory_space<vmem>>) semaphore(%run_scoped3A_98 : memref<!tpu.dma_semaphore, #tpu.memory_space<semaphore_mem>>) {add = true}
      %dma_wait3A_105 = arith.constant 0 : i32
      %dma_wait3A_106 = tpu.memref_slice %arg7[%run_scoped3A_96, %dma_wait3A_105] : memref<79x128xi32, #tpu.memory_space<vmem>> -> memref<1x128xi32, #tpu.memory_space<vmem>>
      %dma_wait3A_107 = tpu.memref_squeeze %dma_wait3A_106 : memref<1x128xi32, #tpu.memory_space<vmem>> -> memref<128xi32, #tpu.memory_space<vmem>>
      %dma_wait3A_108 = arith.constant 0 : i32
      %dma_wait3A_109 = arith.constant 0 : i32
      %dma_wait3A_110 = tpu.memref_slice %arg9[%dma_wait3A_108, %dma_wait3A_109] : memref<10240x128xf32, #tpu.memory_space<vmem_shared>> -> memref<10240x128xf32, #tpu.memory_space<vmem_shared>>
      tpu.wait_indirect_dma semaphore(%run_scoped3A_98 : memref<!tpu.dma_semaphore, #tpu.memory_space<semaphore_mem>>) src(%arg8 : memref<128x128xf32, #tpu.memory_space<vmem>>) dst(%dma_wait3A_110 : memref<10240x128xf32, #tpu.memory_space<vmem_shared>>)
      tpu.yield
    }) : () -> ()
    %barrier3A_97 = arith.constant 0 : index
    tpu.barrier barrier_id(%barrier3A_97)
    "tpu.region"() ({
      %run_scoped3A_98 = tpu.sem_alloc : memref<!tpu.dma_semaphore, #tpu.memory_space<semaphore_mem>>
      %dma_start3A_99 = arith.constant 0 : i32
      %dma_start3A_100 = arith.constant 0 : i32
      %dma_start3A_101 = tpu.memref_slice %arg5[%add3A_50, %dma_start3A_99, %dma_start3A_100] : memref<4x10240x128xf32, #tpu.memory_space<hbm>> -> memref<1x10240x128xf32, #tpu.memory_space<hbm>>
      %dma_start3A_102 = tpu.memref_squeeze %dma_start3A_101 : memref<1x10240x128xf32, #tpu.memory_space<hbm>> -> memref<10240x128xf32, #tpu.memory_space<hbm>>
      %dma_start3A_103 = arith.constant 0 : i32
      %dma_start3A_104 = tpu.memref_slice %dma_start3A_102[%mul3A_0, %dma_start3A_103] : memref<10240x128xf32, #tpu.memory_space<hbm>> -> memref<640x128xf32, #tpu.memory_space<hbm>>
      %dma_start3A_105 = arith.constant 0 : i32
      %dma_start3A_106 = tpu.memref_slice %arg9[%mul3A_0, %dma_start3A_105] : memref<10240x128xf32, #tpu.memory_space<vmem_shared>> -> memref<640x128xf32, #tpu.memory_space<vmem_shared>>
      tpu.enqueue_dma source(%dma_start3A_106 : memref<640x128xf32, #tpu.memory_space<vmem_shared>>) target(%dma_start3A_104 : memref<640x128xf32, #tpu.memory_space<hbm>>) target_semaphore(%run_scoped3A_98 : memref<!tpu.dma_semaphore, #tpu.memory_space<semaphore_mem>>)
      %dma_wait3A_107 = arith.constant 0 : i32
      %dma_wait3A_108 = arith.constant 0 : i32
      %dma_wait3A_109 = tpu.memref_slice %arg5[%add3A_50, %dma_wait3A_107, %dma_wait3A_108] : memref<4x10240x128xf32, #tpu.memory_space<hbm>> -> memref<1x10240x128xf32, #tpu.memory_space<hbm>>
      %dma_wait3A_110 = tpu.memref_squeeze %dma_wait3A_109 : memref<1x10240x128xf32, #tpu.memory_space<hbm>> -> memref<10240x128xf32, #tpu.memory_space<hbm>>
      %dma_wait3A_111 = arith.constant 0 : i32
      %dma_wait3A_112 = tpu.memref_slice %dma_wait3A_110[%mul3A_0, %dma_wait3A_111] : memref<10240x128xf32, #tpu.memory_space<hbm>> -> memref<640x128xf32, #tpu.memory_space<hbm>>
      %dma_wait3A_113 = arith.constant 0 : i32
      %dma_wait3A_114 = tpu.memref_slice %arg9[%mul3A_0, %dma_wait3A_113] : memref<10240x128xf32, #tpu.memory_space<vmem_shared>> -> memref<640x128xf32, #tpu.memory_space<vmem_shared>>
      tpu.wait_dma2 semaphore(%run_scoped3A_98 : memref<!tpu.dma_semaphore, #tpu.memory_space<semaphore_mem>>) src(%dma_wait3A_114 : memref<640x128xf32, #tpu.memory_space<vmem_shared>>) dst(%dma_wait3A_112 : memref<640x128xf32, #tpu.memory_space<hbm>>)
      tpu.yield
    }) : () -> ()
    return
  }
}

module attributes {stable_mosaic.version = 14 : i64} {
  func.func @body(%arg0: i32, %arg1: memref<2000x256xf32, #tpu.memory_space<vmem>>, %arg2: memref<2000x1xf32, #tpu.memory_space<vmem>>, %arg3: memref<2x2000x128xf32, #tpu.memory_space<vmem>>) attributes {dimension_semantics = [#tpu.dimension_semantics<arbitrary>], iteration_bounds = array<i64: 5>, scalar_prefetch = 0 : i64, scratch_operands = 0 : i64, tpu.core_type = #tpu.core_type<tc>, window_params = [{transform_indices = @transform_0, window_bounds = array<i64: 2000, 256>}, {transform_indices = @transform_1, window_bounds = array<i64: 2000, 1>}, {transform_indices = @transform_2, window_bounds = array<i64: 2, 2000, 128>}]} {
    %get3A = arith.constant 0 : index
    %get3A_0 = arith.constant 0 : index
    %get3A_1 = vector.load %arg1[%get3A, %get3A_0] : memref<2000x256xf32, #tpu.memory_space<vmem>>, vector<2000x256xf32>
    %get3A_2 = arith.constant 0 : index
    %get3A_3 = arith.constant 0 : index
    %get3A_4 = vector.load %arg2[%get3A_2, %get3A_3] : memref<2000x1xf32, #tpu.memory_space<vmem>>, vector<2000x1xf32>
    %mul3A = vector.broadcast %get3A_4 : vector<2000x1xf32> to vector<2000x256xf32>
    %mul3A_5 = arith.mulf %get3A_1, %mul3A : vector<2000x256xf32>
    %slice3A = vector.extract_strided_slice %mul3A_5 {offsets = [0, 0], sizes = [2000, 128], strides = [1, 1]} : vector<2000x256xf32> to vector<2000x128xf32>
    %swap3A = arith.constant 0 : index
    %swap3A_6 = arith.constant 0 : index
    %swap3A_7 = arith.constant 0 : index
    %swap3A_8 = vector.load %arg3[%swap3A, %swap3A_6, %swap3A_7] : memref<2x2000x128xf32, #tpu.memory_space<vmem>>, vector<1x2000x128xf32>
    %swap3A_9 = vector.shape_cast %swap3A_8 : vector<1x2000x128xf32> to vector<2000x128xf32>
    %swap3A_10 = vector.shape_cast %slice3A : vector<2000x128xf32> to vector<1x2000x128xf32>
    tpu.vector_store %arg3[%swap3A, %swap3A_6, %swap3A_7], %swap3A_10 {strides = array<i32>} : memref<2x2000x128xf32, #tpu.memory_space<vmem>>, vector<1x2000x128xf32>,
    %slice3A_11 = vector.extract_strided_slice %mul3A_5 {offsets = [0, 128], sizes = [2000, 128], strides = [1, 1]} : vector<2000x256xf32> to vector<2000x128xf32>
    %swap3A_12 = arith.constant 1 : index
    %swap3A_13 = arith.constant 0 : index
    %swap3A_14 = arith.constant 0 : index
    %swap3A_15 = vector.load %arg3[%swap3A_12, %swap3A_13, %swap3A_14] : memref<2x2000x128xf32, #tpu.memory_space<vmem>>, vector<1x2000x128xf32>
    %swap3A_16 = vector.shape_cast %swap3A_15 : vector<1x2000x128xf32> to vector<2000x128xf32>
    %swap3A_17 = vector.shape_cast %slice3A_11 : vector<2000x128xf32> to vector<1x2000x128xf32>
    tpu.vector_store %arg3[%swap3A_12, %swap3A_13, %swap3A_14], %swap3A_17 {strides = array<i32>} : memref<2x2000x128xf32, #tpu.memory_space<vmem>>, vector<1x2000x128xf32>,
    return
  }
  func.func @transform_0(%arg0: i32) -> (i32, i32) {
    %c0_i32 = arith.constant 0 : i32
    %c0_i32_0 = arith.constant 0 : i32
    return %arg0, %c0_i32 : i32, i32
  }
  func.func @transform_1(%arg0: i32) -> (i32, i32) {
    %c0_i32 = arith.constant 0 : i32
    %c0_i32_0 = arith.constant 0 : i32
    return %arg0, %c0_i32 : i32, i32
  }
  func.func @transform_2(%arg0: i32) -> (i32, i32, i32) {
    %c0_i32 = arith.constant 0 : i32
    %c0_i32_0 = arith.constant 0 : i32
    %c0_i32_1 = arith.constant 0 : i32
    return %c0_i32, %arg0, %c0_i32_0 : i32, i32, i32
  }
}

module attributes {stable_mosaic.version = 14 : i64} {
  func.func @body(%arg0: i32, %arg1: memref<2x2000x128xf32, #tpu.memory_space<vmem>>, %arg2: memref<2x2000x128xf32, #tpu.memory_space<vmem>>, %arg3: memref<2000x1xf32, #tpu.memory_space<vmem>>, %arg4: memref<1x512xf32, #tpu.memory_space<vmem>>, %arg5: memref<256x512xf32, #tpu.memory_space<vmem>>, %arg6: memref<512x512xf32, #tpu.memory_space<vmem>>, %arg7: memref<4x2000x128xf32, #tpu.memory_space<vmem>>) attributes {dimension_semantics = [#tpu.dimension_semantics<arbitrary>], iteration_bounds = array<i64: 5>, scalar_prefetch = 0 : i64, scratch_operands = 0 : i64, tpu.core_type = #tpu.core_type<tc>, window_params = [{transform_indices = @transform_0, window_bounds = array<i64: 2, 2000, 128>}, {transform_indices = @transform_1, window_bounds = array<i64: 2, 2000, 128>}, {transform_indices = @transform_2, window_bounds = array<i64: 2000, 1>}, {pipeline_mode = #tpu.pipeline_mode<synchronous>, transform_indices = @transform_3, window_bounds = array<i64: 1, 512>}, {pipeline_mode = #tpu.pipeline_mode<synchronous>, transform_indices = @transform_4, window_bounds = array<i64: 256, 512>}, {pipeline_mode = #tpu.pipeline_mode<synchronous>, transform_indices = @transform_5, window_bounds = array<i64: 512, 512>}, {transform_indices = @transform_6, window_bounds = array<i64: 4, 2000, 128>}]} {
    %get3A = arith.constant 0 : index
    %get3A_0 = arith.constant 0 : index
    %get3A_1 = arith.constant 0 : index
    %get3A_2 = vector.load %arg1[%get3A, %get3A_0, %get3A_1] : memref<2x2000x128xf32, #tpu.memory_space<vmem>>, vector<1x2000x128xf32>
    %get3A_3 = vector.shape_cast %get3A_2 : vector<1x2000x128xf32> to vector<2000x128xf32>
    %get3A_4 = arith.constant 1 : index
    %get3A_5 = arith.constant 0 : index
    %get3A_6 = arith.constant 0 : index
    %get3A_7 = vector.load %arg1[%get3A_4, %get3A_5, %get3A_6] : memref<2x2000x128xf32, #tpu.memory_space<vmem>>, vector<1x2000x128xf32>
    %get3A_8 = vector.shape_cast %get3A_7 : vector<1x2000x128xf32> to vector<2000x128xf32>
    %concatenate3A = tpu.concatenate %get3A_3, %get3A_8 in 1 : vector<2000x128xf32>, vector<2000x128xf32> -> vector<2000x256xf32>
    %get3A_9 = arith.constant 0 : index
    %get3A_10 = arith.constant 0 : index
    %get3A_11 = arith.constant 0 : index
    %get3A_12 = vector.load %arg2[%get3A_9, %get3A_10, %get3A_11] : memref<2x2000x128xf32, #tpu.memory_space<vmem>>, vector<1x2000x128xf32>
    %get3A_13 = vector.shape_cast %get3A_12 : vector<1x2000x128xf32> to vector<2000x128xf32>
    %get3A_14 = arith.constant 1 : index
    %get3A_15 = arith.constant 0 : index
    %get3A_16 = arith.constant 0 : index
    %get3A_17 = vector.load %arg2[%get3A_14, %get3A_15, %get3A_16] : memref<2x2000x128xf32, #tpu.memory_space<vmem>>, vector<1x2000x128xf32>
    %get3A_18 = vector.shape_cast %get3A_17 : vector<1x2000x128xf32> to vector<2000x128xf32>
    %concatenate3A_19 = tpu.concatenate %get3A_13, %get3A_18 in 1 : vector<2000x128xf32>, vector<2000x128xf32> -> vector<2000x256xf32>
    %add3A = arith.addf %concatenate3A, %concatenate3A_19 : vector<2000x256xf32>
    %get3A_20 = arith.constant 0 : index
    %get3A_21 = arith.constant 0 : index
    %get3A_22 = vector.load %arg3[%get3A_20, %get3A_21] : memref<2000x1xf32, #tpu.memory_space<vmem>>, vector<2000x1xf32>
    %mul3A = vector.broadcast %get3A_22 : vector<2000x1xf32> to vector<2000x256xf32>
    %mul3A_23 = arith.mulf %add3A, %mul3A : vector<2000x256xf32>
    %get3A_24 = arith.constant 0 : index
    %get3A_25 = arith.constant 0 : index
    %get3A_26 = vector.load %arg5[%get3A_24, %get3A_25] : memref<256x512xf32, #tpu.memory_space<vmem>>, vector<256x512xf32>
    %dot_general3A = arith.constant dense<0.000000e+00> : vector<2000x512xf32>
    %dot_general3A_27 = tpu.matmul %mul3A_23, %get3A_26, %dot_general3A {dimension_numbers = #tpu.dot_dimension_numbers<[1], [0], [0], [1], [0, 0, 1, 1], [], []>, transpose_lhs_hint = false} : vector<2000x256xf32>, vector<256x512xf32>, vector<2000x512xf32> -> vector<2000x512xf32>
    %get3A_28 = arith.constant 0 : index
    %get3A_29 = arith.constant 0 : index
    %get3A_30 = vector.load %arg4[%get3A_28, %get3A_29] : memref<1x512xf32, #tpu.memory_space<vmem>>, vector<1x512xf32>
    %add3A_31 = vector.broadcast %get3A_30 : vector<1x512xf32> to vector<2000x512xf32>
    %add3A_32 = arith.addf %dot_general3A_27, %add3A_31 : vector<2000x512xf32>
    %tanh3A = math.tanh %add3A_32 : vector<2000x512xf32>
    %get3A_33 = arith.constant 0 : index
    %get3A_34 = arith.constant 0 : index
    %get3A_35 = vector.load %arg3[%get3A_33, %get3A_34] : memref<2000x1xf32, #tpu.memory_space<vmem>>, vector<2000x1xf32>
    %mul3A_36 = vector.broadcast %get3A_35 : vector<2000x1xf32> to vector<2000x512xf32>
    %mul3A_37 = arith.mulf %tanh3A, %mul3A_36 : vector<2000x512xf32>
    %get3A_38 = arith.constant 0 : index
    %get3A_39 = arith.constant 0 : index
    %get3A_40 = vector.load %arg6[%get3A_38, %get3A_39] : memref<512x512xf32, #tpu.memory_space<vmem>>, vector<512x512xf32>
    %dot_general3A_41 = arith.constant dense<0.000000e+00> : vector<2000x512xf32>
    %dot_general3A_42 = tpu.matmul %mul3A_37, %get3A_40, %dot_general3A_41 {dimension_numbers = #tpu.dot_dimension_numbers<[1], [0], [0], [1], [0, 0, 1, 1], [], []>, transpose_lhs_hint = false} : vector<2000x512xf32>, vector<512x512xf32>, vector<2000x512xf32> -> vector<2000x512xf32>
    %slice3A = vector.extract_strided_slice %dot_general3A_42 {offsets = [0, 0], sizes = [2000, 128], strides = [1, 1]} : vector<2000x512xf32> to vector<2000x128xf32>
    %swap3A = arith.constant 0 : index
    %swap3A_43 = arith.constant 0 : index
    %swap3A_44 = arith.constant 0 : index
    %swap3A_45 = vector.load %arg7[%swap3A, %swap3A_43, %swap3A_44] : memref<4x2000x128xf32, #tpu.memory_space<vmem>>, vector<1x2000x128xf32>
    %swap3A_46 = vector.shape_cast %swap3A_45 : vector<1x2000x128xf32> to vector<2000x128xf32>
    %swap3A_47 = vector.shape_cast %slice3A : vector<2000x128xf32> to vector<1x2000x128xf32>
    tpu.vector_store %arg7[%swap3A, %swap3A_43, %swap3A_44], %swap3A_47 {strides = array<i32>} : memref<4x2000x128xf32, #tpu.memory_space<vmem>>, vector<1x2000x128xf32>,
    %slice3A_48 = vector.extract_strided_slice %dot_general3A_42 {offsets = [0, 128], sizes = [2000, 128], strides = [1, 1]} : vector<2000x512xf32> to vector<2000x128xf32>
    %swap3A_49 = arith.constant 1 : index
    %swap3A_50 = arith.constant 0 : index
    %swap3A_51 = arith.constant 0 : index
    %swap3A_52 = vector.load %arg7[%swap3A_49, %swap3A_50, %swap3A_51] : memref<4x2000x128xf32, #tpu.memory_space<vmem>>, vector<1x2000x128xf32>
    %swap3A_53 = vector.shape_cast %swap3A_52 : vector<1x2000x128xf32> to vector<2000x128xf32>
    %swap3A_54 = vector.shape_cast %slice3A_48 : vector<2000x128xf32> to vector<1x2000x128xf32>
    tpu.vector_store %arg7[%swap3A_49, %swap3A_50, %swap3A_51], %swap3A_54 {strides = array<i32>} : memref<4x2000x128xf32, #tpu.memory_space<vmem>>, vector<1x2000x128xf32>,
    %slice3A_55 = vector.extract_strided_slice %dot_general3A_42 {offsets = [0, 256], sizes = [2000, 128], strides = [1, 1]} : vector<2000x512xf32> to vector<2000x128xf32>
    %swap3A_56 = arith.constant 2 : index
    %swap3A_57 = arith.constant 0 : index
    %swap3A_58 = arith.constant 0 : index
    %swap3A_59 = vector.load %arg7[%swap3A_56, %swap3A_57, %swap3A_58] : memref<4x2000x128xf32, #tpu.memory_space<vmem>>, vector<1x2000x128xf32>
    %swap3A_60 = vector.shape_cast %swap3A_59 : vector<1x2000x128xf32> to vector<2000x128xf32>
    %swap3A_61 = vector.shape_cast %slice3A_55 : vector<2000x128xf32> to vector<1x2000x128xf32>
    tpu.vector_store %arg7[%swap3A_56, %swap3A_57, %swap3A_58], %swap3A_61 {strides = array<i32>} : memref<4x2000x128xf32, #tpu.memory_space<vmem>>, vector<1x2000x128xf32>,
    %slice3A_62 = vector.extract_strided_slice %dot_general3A_42 {offsets = [0, 384], sizes = [2000, 128], strides = [1, 1]} : vector<2000x512xf32> to vector<2000x128xf32>
    %swap3A_63 = arith.constant 3 : index
    %swap3A_64 = arith.constant 0 : index
    %swap3A_65 = arith.constant 0 : index
    %swap3A_66 = vector.load %arg7[%swap3A_63, %swap3A_64, %swap3A_65] : memref<4x2000x128xf32, #tpu.memory_space<vmem>>, vector<1x2000x128xf32>
    %swap3A_67 = vector.shape_cast %swap3A_66 : vector<1x2000x128xf32> to vector<2000x128xf32>
    %swap3A_68 = vector.shape_cast %slice3A_62 : vector<2000x128xf32> to vector<1x2000x128xf32>
    tpu.vector_store %arg7[%swap3A_63, %swap3A_64, %swap3A_65], %swap3A_68 {strides = array<i32>} : memref<4x2000x128xf32, #tpu.memory_space<vmem>>, vector<1x2000x128xf32>,
    return
  }
  func.func @transform_0(%arg0: i32) -> (i32, i32, i32) {
    %c0_i32 = arith.constant 0 : i32
    %c0_i32_0 = arith.constant 0 : i32
    %c0_i32_1 = arith.constant 0 : i32
    return %c0_i32, %arg0, %c0_i32_0 : i32, i32, i32
  }
  func.func @transform_1(%arg0: i32) -> (i32, i32, i32) {
    %c0_i32 = arith.constant 0 : i32
    %c0_i32_0 = arith.constant 0 : i32
    %c0_i32_1 = arith.constant 0 : i32
    return %c0_i32, %arg0, %c0_i32_0 : i32, i32, i32
  }
  func.func @transform_2(%arg0: i32) -> (i32, i32) {
    %c0_i32 = arith.constant 0 : i32
    %c0_i32_0 = arith.constant 0 : i32
    return %arg0, %c0_i32 : i32, i32
  }
  func.func @transform_3(%arg0: i32) -> (i32, i32) {
    %c0_i32 = arith.constant 0 : i32
    %c0_i32_0 = arith.constant 0 : i32
    %c0_i32_1 = arith.constant 0 : i32
    return %c0_i32, %c0_i32_0 : i32, i32
  }
  func.func @transform_4(%arg0: i32) -> (i32, i32) {
    %c0_i32 = arith.constant 0 : i32
    %c0_i32_0 = arith.constant 0 : i32
    %c0_i32_1 = arith.constant 0 : i32
    return %c0_i32, %c0_i32_0 : i32, i32
  }
  func.func @transform_5(%arg0: i32) -> (i32, i32) {
    %c0_i32 = arith.constant 0 : i32
    %c0_i32_0 = arith.constant 0 : i32
    %c0_i32_1 = arith.constant 0 : i32
    return %c0_i32, %c0_i32_0 : i32, i32
  }
  func.func @transform_6(%arg0: i32) -> (i32, i32, i32) {
    %c0_i32 = arith.constant 0 : i32
    %c0_i32_0 = arith.constant 0 : i32
    %c0_i32_1 = arith.constant 0 : i32
    return %c0_i32, %arg0, %c0_i32_0 : i32, i32, i32
  }
}

module attributes {stable_mosaic.version = 14 : i64} {
  func.func @body(%arg0: i32, %arg1: memref<4x2000x128xf32, #tpu.memory_space<vmem>>, %arg2: memref<4x2000x128xf32, #tpu.memory_space<vmem>>, %arg3: memref<2000x1xf32, #tpu.memory_space<vmem>>, %arg4: memref<1x512xf32, #tpu.memory_space<vmem>>, %arg5: memref<512x256xf32, #tpu.memory_space<vmem>>, %arg6: memref<2x2000x128xf32, #tpu.memory_space<vmem>>) attributes {dimension_semantics = [#tpu.dimension_semantics<arbitrary>], iteration_bounds = array<i64: 5>, scalar_prefetch = 0 : i64, scratch_operands = 0 : i64, tpu.core_type = #tpu.core_type<tc>, window_params = [{transform_indices = @transform_0, window_bounds = array<i64: 4, 2000, 128>}, {transform_indices = @transform_1, window_bounds = array<i64: 4, 2000, 128>}, {transform_indices = @transform_2, window_bounds = array<i64: 2000, 1>}, {pipeline_mode = #tpu.pipeline_mode<synchronous>, transform_indices = @transform_3, window_bounds = array<i64: 1, 512>}, {pipeline_mode = #tpu.pipeline_mode<synchronous>, transform_indices = @transform_4, window_bounds = array<i64: 512, 256>}, {transform_indices = @transform_5, window_bounds = array<i64: 2, 2000, 128>}]} {
    %get3A = arith.constant 0 : index
    %get3A_0 = arith.constant 0 : index
    %get3A_1 = arith.constant 0 : index
    %get3A_2 = vector.load %arg1[%get3A, %get3A_0, %get3A_1] : memref<4x2000x128xf32, #tpu.memory_space<vmem>>, vector<1x2000x128xf32>
    %get3A_3 = vector.shape_cast %get3A_2 : vector<1x2000x128xf32> to vector<2000x128xf32>
    %get3A_4 = arith.constant 1 : index
    %get3A_5 = arith.constant 0 : index
    %get3A_6 = arith.constant 0 : index
    %get3A_7 = vector.load %arg1[%get3A_4, %get3A_5, %get3A_6] : memref<4x2000x128xf32, #tpu.memory_space<vmem>>, vector<1x2000x128xf32>
    %get3A_8 = vector.shape_cast %get3A_7 : vector<1x2000x128xf32> to vector<2000x128xf32>
    %get3A_9 = arith.constant 2 : index
    %get3A_10 = arith.constant 0 : index
    %get3A_11 = arith.constant 0 : index
    %get3A_12 = vector.load %arg1[%get3A_9, %get3A_10, %get3A_11] : memref<4x2000x128xf32, #tpu.memory_space<vmem>>, vector<1x2000x128xf32>
    %get3A_13 = vector.shape_cast %get3A_12 : vector<1x2000x128xf32> to vector<2000x128xf32>
    %get3A_14 = arith.constant 3 : index
    %get3A_15 = arith.constant 0 : index
    %get3A_16 = arith.constant 0 : index
    %get3A_17 = vector.load %arg1[%get3A_14, %get3A_15, %get3A_16] : memref<4x2000x128xf32, #tpu.memory_space<vmem>>, vector<1x2000x128xf32>
    %get3A_18 = vector.shape_cast %get3A_17 : vector<1x2000x128xf32> to vector<2000x128xf32>
    %concatenate3A = tpu.concatenate %get3A_3, %get3A_8, %get3A_13, %get3A_18 in 1 : vector<2000x128xf32>, vector<2000x128xf32>, vector<2000x128xf32>, vector<2000x128xf32> -> vector<2000x512xf32>
    %get3A_19 = arith.constant 0 : index
    %get3A_20 = arith.constant 0 : index
    %get3A_21 = arith.constant 0 : index
    %get3A_22 = vector.load %arg2[%get3A_19, %get3A_20, %get3A_21] : memref<4x2000x128xf32, #tpu.memory_space<vmem>>, vector<1x2000x128xf32>
    %get3A_23 = vector.shape_cast %get3A_22 : vector<1x2000x128xf32> to vector<2000x128xf32>
    %get3A_24 = arith.constant 1 : index
    %get3A_25 = arith.constant 0 : index
    %get3A_26 = arith.constant 0 : index
    %get3A_27 = vector.load %arg2[%get3A_24, %get3A_25, %get3A_26] : memref<4x2000x128xf32, #tpu.memory_space<vmem>>, vector<1x2000x128xf32>
    %get3A_28 = vector.shape_cast %get3A_27 : vector<1x2000x128xf32> to vector<2000x128xf32>
    %get3A_29 = arith.constant 2 : index
    %get3A_30 = arith.constant 0 : index
    %get3A_31 = arith.constant 0 : index
    %get3A_32 = vector.load %arg2[%get3A_29, %get3A_30, %get3A_31] : memref<4x2000x128xf32, #tpu.memory_space<vmem>>, vector<1x2000x128xf32>
    %get3A_33 = vector.shape_cast %get3A_32 : vector<1x2000x128xf32> to vector<2000x128xf32>
    %get3A_34 = arith.constant 3 : index
    %get3A_35 = arith.constant 0 : index
    %get3A_36 = arith.constant 0 : index
    %get3A_37 = vector.load %arg2[%get3A_34, %get3A_35, %get3A_36] : memref<4x2000x128xf32, #tpu.memory_space<vmem>>, vector<1x2000x128xf32>
    %get3A_38 = vector.shape_cast %get3A_37 : vector<1x2000x128xf32> to vector<2000x128xf32>
    %concatenate3A_39 = tpu.concatenate %get3A_23, %get3A_28, %get3A_33, %get3A_38 in 1 : vector<2000x128xf32>, vector<2000x128xf32>, vector<2000x128xf32>, vector<2000x128xf32> -> vector<2000x512xf32>
    %add3A = arith.addf %concatenate3A, %concatenate3A_39 : vector<2000x512xf32>
    %get3A_40 = arith.constant 0 : index
    %get3A_41 = arith.constant 0 : index
    %get3A_42 = vector.load %arg3[%get3A_40, %get3A_41] : memref<2000x1xf32, #tpu.memory_space<vmem>>, vector<2000x1xf32>
    %mul3A = vector.broadcast %get3A_42 : vector<2000x1xf32> to vector<2000x512xf32>
    %mul3A_43 = arith.mulf %add3A, %mul3A : vector<2000x512xf32>
    %get3A_44 = arith.constant 0 : index
    %get3A_45 = arith.constant 0 : index
    %get3A_46 = vector.load %arg4[%get3A_44, %get3A_45] : memref<1x512xf32, #tpu.memory_space<vmem>>, vector<1x512xf32>
    %add3A_47 = vector.broadcast %get3A_46 : vector<1x512xf32> to vector<2000x512xf32>
    %add3A_48 = arith.addf %mul3A_43, %add3A_47 : vector<2000x512xf32>
    %tanh3A = math.tanh %add3A_48 : vector<2000x512xf32>
    %get3A_49 = arith.constant 0 : index
    %get3A_50 = arith.constant 0 : index
    %get3A_51 = vector.load %arg3[%get3A_49, %get3A_50] : memref<2000x1xf32, #tpu.memory_space<vmem>>, vector<2000x1xf32>
    %mul3A_52 = vector.broadcast %get3A_51 : vector<2000x1xf32> to vector<2000x512xf32>
    %mul3A_53 = arith.mulf %tanh3A, %mul3A_52 : vector<2000x512xf32>
    %get3A_54 = arith.constant 0 : index
    %get3A_55 = arith.constant 0 : index
    %get3A_56 = vector.load %arg5[%get3A_54, %get3A_55] : memref<512x256xf32, #tpu.memory_space<vmem>>, vector<512x256xf32>
    %dot_general3A = arith.constant dense<0.000000e+00> : vector<2000x256xf32>
    %dot_general3A_57 = tpu.matmul %mul3A_53, %get3A_56, %dot_general3A {dimension_numbers = #tpu.dot_dimension_numbers<[1], [0], [0], [1], [0, 0, 1, 1], [], []>, transpose_lhs_hint = false} : vector<2000x512xf32>, vector<512x256xf32>, vector<2000x256xf32> -> vector<2000x256xf32>
    %slice3A = vector.extract_strided_slice %dot_general3A_57 {offsets = [0, 0], sizes = [2000, 128], strides = [1, 1]} : vector<2000x256xf32> to vector<2000x128xf32>
    %swap3A = arith.constant 0 : index
    %swap3A_58 = arith.constant 0 : index
    %swap3A_59 = arith.constant 0 : index
    %swap3A_60 = vector.load %arg6[%swap3A, %swap3A_58, %swap3A_59] : memref<2x2000x128xf32, #tpu.memory_space<vmem>>, vector<1x2000x128xf32>
    %swap3A_61 = vector.shape_cast %swap3A_60 : vector<1x2000x128xf32> to vector<2000x128xf32>
    %swap3A_62 = vector.shape_cast %slice3A : vector<2000x128xf32> to vector<1x2000x128xf32>
    tpu.vector_store %arg6[%swap3A, %swap3A_58, %swap3A_59], %swap3A_62 {strides = array<i32>} : memref<2x2000x128xf32, #tpu.memory_space<vmem>>, vector<1x2000x128xf32>,
    %slice3A_63 = vector.extract_strided_slice %dot_general3A_57 {offsets = [0, 128], sizes = [2000, 128], strides = [1, 1]} : vector<2000x256xf32> to vector<2000x128xf32>
    %swap3A_64 = arith.constant 1 : index
    %swap3A_65 = arith.constant 0 : index
    %swap3A_66 = arith.constant 0 : index
    %swap3A_67 = vector.load %arg6[%swap3A_64, %swap3A_65, %swap3A_66] : memref<2x2000x128xf32, #tpu.memory_space<vmem>>, vector<1x2000x128xf32>
    %swap3A_68 = vector.shape_cast %swap3A_67 : vector<1x2000x128xf32> to vector<2000x128xf32>
    %swap3A_69 = vector.shape_cast %slice3A_63 : vector<2000x128xf32> to vector<1x2000x128xf32>
    tpu.vector_store %arg6[%swap3A_64, %swap3A_65, %swap3A_66], %swap3A_69 {strides = array<i32>} : memref<2x2000x128xf32, #tpu.memory_space<vmem>>, vector<1x2000x128xf32>,
    return
  }
  func.func @transform_0(%arg0: i32) -> (i32, i32, i32) {
    %c0_i32 = arith.constant 0 : i32
    %c0_i32_0 = arith.constant 0 : i32
    %c0_i32_1 = arith.constant 0 : i32
    return %c0_i32, %arg0, %c0_i32_0 : i32, i32, i32
  }
  func.func @transform_1(%arg0: i32) -> (i32, i32, i32) {
    %c0_i32 = arith.constant 0 : i32
    %c0_i32_0 = arith.constant 0 : i32
    %c0_i32_1 = arith.constant 0 : i32
    return %c0_i32, %arg0, %c0_i32_0 : i32, i32, i32
  }
  func.func @transform_2(%arg0: i32) -> (i32, i32) {
    %c0_i32 = arith.constant 0 : i32
    %c0_i32_0 = arith.constant 0 : i32
    return %arg0, %c0_i32 : i32, i32
  }
  func.func @transform_3(%arg0: i32) -> (i32, i32) {
    %c0_i32 = arith.constant 0 : i32
    %c0_i32_0 = arith.constant 0 : i32
    %c0_i32_1 = arith.constant 0 : i32
    return %c0_i32, %c0_i32_0 : i32, i32
  }
  func.func @transform_4(%arg0: i32) -> (i32, i32) {
    %c0_i32 = arith.constant 0 : i32
    %c0_i32_0 = arith.constant 0 : i32
    %c0_i32_1 = arith.constant 0 : i32
    return %c0_i32, %c0_i32_0 : i32, i32
  }
  func.func @transform_5(%arg0: i32) -> (i32, i32, i32) {
    %c0_i32 = arith.constant 0 : i32
    %c0_i32_0 = arith.constant 0 : i32
    %c0_i32_1 = arith.constant 0 : i32
    return %c0_i32, %arg0, %c0_i32_0 : i32, i32, i32
  }
}

module attributes {stable_mosaic.version = 14 : i64} {
  func.func @body(%arg0: i32, %arg1: memref<2x2000x128xf32, #tpu.memory_space<vmem>>, %arg2: memref<2x2000x128xf32, #tpu.memory_space<vmem>>, %arg3: memref<2000x1xf32, #tpu.memory_space<vmem>>, %arg4: memref<1x256xf32, #tpu.memory_space<vmem>>, %arg5: memref<2000x256xf32, #tpu.memory_space<vmem>>) attributes {dimension_semantics = [#tpu.dimension_semantics<arbitrary>], iteration_bounds = array<i64: 5>, scalar_prefetch = 0 : i64, scratch_operands = 0 : i64, tpu.core_type = #tpu.core_type<tc>, window_params = [{transform_indices = @transform_0, window_bounds = array<i64: 2, 2000, 128>}, {transform_indices = @transform_1, window_bounds = array<i64: 2, 2000, 128>}, {transform_indices = @transform_2, window_bounds = array<i64: 2000, 1>}, {pipeline_mode = #tpu.pipeline_mode<synchronous>, transform_indices = @transform_3, window_bounds = array<i64: 1, 256>}, {transform_indices = @transform_4, window_bounds = array<i64: 2000, 256>}]} {
    %get3A = arith.constant 0 : index
    %get3A_0 = arith.constant 0 : index
    %get3A_1 = arith.constant 0 : index
    %get3A_2 = vector.load %arg1[%get3A, %get3A_0, %get3A_1] : memref<2x2000x128xf32, #tpu.memory_space<vmem>>, vector<1x2000x128xf32>
    %get3A_3 = vector.shape_cast %get3A_2 : vector<1x2000x128xf32> to vector<2000x128xf32>
    %get3A_4 = arith.constant 1 : index
    %get3A_5 = arith.constant 0 : index
    %get3A_6 = arith.constant 0 : index
    %get3A_7 = vector.load %arg1[%get3A_4, %get3A_5, %get3A_6] : memref<2x2000x128xf32, #tpu.memory_space<vmem>>, vector<1x2000x128xf32>
    %get3A_8 = vector.shape_cast %get3A_7 : vector<1x2000x128xf32> to vector<2000x128xf32>
    %concatenate3A = tpu.concatenate %get3A_3, %get3A_8 in 1 : vector<2000x128xf32>, vector<2000x128xf32> -> vector<2000x256xf32>
    %get3A_9 = arith.constant 0 : index
    %get3A_10 = arith.constant 0 : index
    %get3A_11 = arith.constant 0 : index
    %get3A_12 = vector.load %arg2[%get3A_9, %get3A_10, %get3A_11] : memref<2x2000x128xf32, #tpu.memory_space<vmem>>, vector<1x2000x128xf32>
    %get3A_13 = vector.shape_cast %get3A_12 : vector<1x2000x128xf32> to vector<2000x128xf32>
    %get3A_14 = arith.constant 1 : index
    %get3A_15 = arith.constant 0 : index
    %get3A_16 = arith.constant 0 : index
    %get3A_17 = vector.load %arg2[%get3A_14, %get3A_15, %get3A_16] : memref<2x2000x128xf32, #tpu.memory_space<vmem>>, vector<1x2000x128xf32>
    %get3A_18 = vector.shape_cast %get3A_17 : vector<1x2000x128xf32> to vector<2000x128xf32>
    %concatenate3A_19 = tpu.concatenate %get3A_13, %get3A_18 in 1 : vector<2000x128xf32>, vector<2000x128xf32> -> vector<2000x256xf32>
    %add3A = arith.addf %concatenate3A, %concatenate3A_19 : vector<2000x256xf32>
    %get3A_20 = arith.constant 0 : index
    %get3A_21 = arith.constant 0 : index
    %get3A_22 = vector.load %arg3[%get3A_20, %get3A_21] : memref<2000x1xf32, #tpu.memory_space<vmem>>, vector<2000x1xf32>
    %mul3A = vector.broadcast %get3A_22 : vector<2000x1xf32> to vector<2000x256xf32>
    %mul3A_23 = arith.mulf %add3A, %mul3A : vector<2000x256xf32>
    %get3A_24 = arith.constant 0 : index
    %get3A_25 = arith.constant 0 : index
    %get3A_26 = vector.load %arg4[%get3A_24, %get3A_25] : memref<1x256xf32, #tpu.memory_space<vmem>>, vector<1x256xf32>
    %add3A_27 = vector.broadcast %get3A_26 : vector<1x256xf32> to vector<2000x256xf32>
    %add3A_28 = arith.addf %mul3A_23, %add3A_27 : vector<2000x256xf32>
    %swap3A = arith.constant 0 : index
    %swap3A_29 = arith.constant 0 : index
    %swap3A_30 = vector.load %arg5[%swap3A, %swap3A_29] : memref<2000x256xf32, #tpu.memory_space<vmem>>, vector<2000x256xf32>
    tpu.vector_store %arg5[%swap3A, %swap3A_29], %add3A_28 {strides = array<i32>} : memref<2000x256xf32, #tpu.memory_space<vmem>>, vector<2000x256xf32>,
    return
  }
  func.func @transform_0(%arg0: i32) -> (i32, i32, i32) {
    %c0_i32 = arith.constant 0 : i32
    %c0_i32_0 = arith.constant 0 : i32
    %c0_i32_1 = arith.constant 0 : i32
    return %c0_i32, %arg0, %c0_i32_0 : i32, i32, i32
  }
  func.func @transform_1(%arg0: i32) -> (i32, i32, i32) {
    %c0_i32 = arith.constant 0 : i32
    %c0_i32_0 = arith.constant 0 : i32
    %c0_i32_1 = arith.constant 0 : i32
    return %c0_i32, %arg0, %c0_i32_0 : i32, i32, i32
  }
  func.func @transform_2(%arg0: i32) -> (i32, i32) {
    %c0_i32 = arith.constant 0 : i32
    %c0_i32_0 = arith.constant 0 : i32
    return %arg0, %c0_i32 : i32, i32
  }
  func.func @transform_3(%arg0: i32) -> (i32, i32) {
    %c0_i32 = arith.constant 0 : i32
    %c0_i32_0 = arith.constant 0 : i32
    %c0_i32_1 = arith.constant 0 : i32
    return %c0_i32, %c0_i32_0 : i32, i32
  }
  func.func @transform_4(%arg0: i32) -> (i32, i32) {
    %c0_i32 = arith.constant 0 : i32
    %c0_i32_0 = arith.constant 0 : i32
    return %arg0, %c0_i32 : i32, i32
  }
}

</mosaic_0001>

<sc_bundles>
// kernel: kernel.10.cloned.1.call-start
scs
__scs_entry_jumppad:
0x0: {  	(pc) =	sbr.rel $0x88, $3  }
0x1: {  	(tag) =	ssettag $0x0;
	lr =	simm.s32 $0x1  }
0x2: {  	[smem:$0x3F99] =	sst lr;
	_ =	strace $0xD0000000  }
0x3: {  	_ = 	snop  }
0x4: {  	_ = 	snop  }
0x5: {  	_ = 	snop  }
0x6: {  	_ = 	snop  }
0x7: {  	_ = 	snop  }
__scs_overlays_trampoline_lowered:
0x8: {  	[smem:$0x3FA8] =	sst s0  }
0x9: {  	[smem:$0x3FA9] =	sst s1  }
0xa: {  	[smem:$0x3FAA] =	sst s2  }
0xb: {  	[smem:$0x3FAB] =	sst s3  }
0xc: {  	[smem:$0x3FAC] =	sst s4  }
0xd: {  	[smem:$0x3FAD] =	sst s5  }
0xe: {  	[smem:$0x3FAE] =	sst s6  }
0xf: {  	[smem:$0x3FAF] =	sst s7  }
0x10: {  	[smem:$0x3FB0] =	sst s8  }
0x11: {  	[smem:$0x3FB1] =	sst s9;
	s0 =	simm.s32 @!p0 $0x0  }
0x12: {  	s1 =	sld [smem:$0x3F97];
	s0 =	simm.s32 @p0 $0x1  }
0x13: {  	[smem:$0x3FB2] =	sst s0;
	s0 =	simm.s32 @!p1 $0x0  }
0x14: {  	s2 =	sld [smem:$0x3F96];
	s0 =	simm.s32 @p1 $0x1  }
0x15: {  	[smem:$0x3FB3] =	sst s0;
	s0 =	simm.s32 @!p2 $0x0  }
0x16: {  	s3 =	sld [smem:$0x3FDB];
	s0 =	simm.s32 @p2 $0x1  }
0x17: {  	s4 =	simm.s32 $0x1BF5;
	[smem:$0x3FB5] =	sst s0  }
0x18: {  	s0 =	sld [smem:$0x3F98];
	_ =	swait.ge [sflag:s4], $0x0  }
0x19: {  	s7 =	sld [smem:$0x3F99]  }
0x1a: {  	s8 =	sadd.s32 $0xFFFFE003, lr  }
0x1b: {  	s9 =	sadd.s32 $0xFFFFFEF7, lr;
	s5 =	simm.s32 $0xFFFFFFFF;
	p2 =	slt.u32 s8, $0xFFFFF086  }
0x1c: {  	p1 =	slt.u32 s9, $0xF7A;
	s5 =	simm.s32 @!p2 $0x0  }
0x1d: {  	s5 =	simm.s32 @p1 $0x1;
	p0 =	seq.s32 s7, s2  }
0x1e: {  	s7 =	smul.u32 @!p0 $0xF7A, s2;
	p2 =	seq.s32 @!p0 s5, $0x0  }
0x1f: {  	s9 =	smul.u32 $0xF7A, s1;
	s8 =	simm.s32 @!p0 $0x1BF5;
	p2 =	por !p2, p0  }
0x20: {  	[sflag:s8] =	ssyncset.s32 @!p0 $0xFFFFF086;
	s6 =	sadd.s32 @!p0 s3, s7;
	s7 =	simm.s32 @!p0 $0x108  }
0x21: {  	s3 =	sadd.s32 s3, s9;
	s6 =	sadd.s32 @!p0 $0x88, s6;
	s7 =	simm.s32 @p2 $0x1082  }
0x22: {  	[simem:s7], [sflag:s8] =	dma.local @!p0 [hbm:s6], $0xF7A  }
0x23: {  	s9 =	sor.u32 $0xD0000000, s2;
	s6 =	simm.s32 $0x108;
	_ =	swait.ge @!p0 [sflag:s8], $0x0  }
0x24: {  	s3 =	sadd.s32 $0x88, s3;
	s6 =	simm.s32 @!p1 $0x1082;
	[sflag:s4] =	ssyncset.s32 $0xFFFFF086  }
0x25: {  	[simem:s6], [sflag:s4] =	dma.local [hbm:s3], $0xF7A  }
0x26: {  	[smem:$0x3F99] =	sst s1;
	(tag) =	ssettag s2;
	_ =	strace s9  }
0x27: {  	s1 =	sld [smem:$0x3FA9]  }
0x28: {  	s2 =	sld [smem:$0x3FAA]  }
0x29: {  	s4 =	sld [smem:$0x3FAC]  }
0x2a: {  	p0 =	seq.s32 s5, $0x0;
	s5 =	sld [smem:$0x3FAD]  }
0x2b: {  	s6 =	sld [smem:$0x3FAE]  }
0x2c: {  	s7 =	sld [smem:$0x3FAF]  }
0x2d: {  	s3 =	simm.s32 $0x108;
	s8 =	sld [smem:$0x3FB0]  }
0x2e: {  	s3 =	simm.s32 @!p0 $0x1082;
	s9 =	sld [smem:$0x3FB1]  }
0x2f: {  	lr =	sadd.s32 s0, s3;
	s0 =	sld [smem:$0x3FA8]  }
0x30: {  	s3 =	sld [smem:$0x3FAB]  }
0x31: {  	[smem:$0x3FB4] =	sst s10  }
0x32: {  	s10 =	sld [smem:$0x3FB2];
	_ =	sdelay $0x3  }
0x33: {  	p0 =	seq.s32 s10, $0x1;
	s10 =	sld [smem:$0x3FB4];
	_ =	sdelay $0x3  }
0x34: {  	[smem:$0x3FB4] =	sst s10  }
0x35: {  	s10 =	sld [smem:$0x3FB3];
	_ =	sdelay $0x3  }
0x36: {  	p1 =	seq.s32 s10, $0x1;
	s10 =	sld [smem:$0x3FB4];
	_ =	sdelay $0x3  }
0x37: {  	[smem:$0x3FB4] =	sst s10  }
0x38: {  	s10 =	sld [smem:$0x3FB5]  }
0x39: {  	_ = 	snop;
	(pc) =	sbr.ind lr, $3  }
0x3a: {  	_ = 	snop  }
0x3b: {  	_ = 	snop  }
0x3c: {  	p2 =	seq.s32 s10, $0x1;
	s10 =	sld [smem:$0x3FB4]  }
0x3d: {  	_ =	shalt  }
0x3e: {  	_ =	shalt  }
0x3f: {  	_ =	shalt  }
0x40: {  	_ =	shalt  }
0x41: {  	_ =	shalt  }
0x42: {  	_ =	shalt  }
0x43: {  	_ =	shalt  }
0x44: {  	_ =	shalt  }
0x45: {  	_ =	shalt  }
0x46: {  	_ =	shalt  }
0x47: {  	_ =	shalt  }
0x48: {  	_ =	shalt  }
0x49: {  	_ =	shalt  }
0x4a: {  	_ =	shalt  }
0x4b: {  	_ =	shalt  }
0x4c: {  	_ =	shalt  }
0x4d: {  	_ =	shalt  }
0x4e: {  	_ =	shalt  }
0x4f: {  	_ =	shalt  }
0x50: {  	_ =	shalt  }
0x51: {  	_ =	shalt  }
0x52: {  	_ =	shalt  }
0x53: {  	_ =	shalt  }
0x54: {  	_ =	shalt  }
0x55: {  	_ =	shalt  }
0x56: {  	_ =	shalt  }
0x57: {  	_ =	shalt  }
0x58: {  	_ =	shalt  }
0x59: {  	_ =	shalt  }
0x5a: {  	_ =	shalt  }
0x5b: {  	_ =	shalt  }
0x5c: {  	_ =	shalt  }
0x5d: {  	_ =	shalt  }
0x5e: {  	_ =	shalt  }
0x5f: {  	_ =	shalt  }
0x60: {  	_ =	shalt  }
0x61: {  	_ =	shalt  }
0x62: {  	_ =	shalt  }
0x63: {  	_ =	shalt  }
0x64: {  	_ =	shalt  }
0x65: {  	_ =	shalt  }
0x66: {  	_ =	shalt  }
0x67: {  	_ =	shalt  }
0x68: {  	_ =	shalt  }
0x69: {  	_ =	shalt  }
0x6a: {  	_ =	shalt  }
0x6b: {  	_ =	shalt  }
0x6c: {  	_ =	shalt  }
0x6d: {  	_ =	shalt  }
0x6e: {  	_ =	shalt  }
0x6f: {  	_ =	shalt  }
0x70: {  	_ =	shalt  }
0x71: {  	_ =	shalt  }
0x72: {  	_ =	shalt  }
0x73: {  	_ =	shalt  }
0x74: {  	_ =	shalt  }
0x75: {  	_ =	shalt  }
0x76: {  	_ =	shalt  }
0x77: {  	_ =	shalt  }
0x78: {  	_ =	shalt  }
0x79: {  	_ =	shalt  }
0x7a: {  	_ =	shalt  }
0x7b: {  	_ =	shalt  }
0x7c: {  	_ =	shalt  }
0x7d: {  	_ =	shalt  }
0x7e: {  	_ =	shalt  }
0x7f: {  	_ =	shalt  }
0x80: {  	_ =	shalt  }
0x81: {  	_ =	shalt  }
0x82: {  	_ =	shalt  }
0x83: {  	_ =	shalt  }
0x84: {  	_ =	shalt  }
0x85: {  	_ =	shalt  }
0x86: {  	_ =	shalt  }
0x87: {  	_ =	shalt  }
.Lfunc_end0:
.L_simem_size_0:
called_computation_lowered:
.L_overlay_start_0:
0x88: {  	s2 =	sld [smem:$0x3FD9]  }
0x89: {  	s3 =	sld [smem:$0x3FFE];
	_ =	sdelay $0x1  }
0x8a: {  	s1 =	srdreg.scid  }
0x8b: {  	s0 =	sand.u32 $0x1, s1  }
0x8c: {  	s17 =	sshll.u32 s0, $0xA;
	s2 =	sadd.s32 s3, s2  }
0x8d: {  	s2 =	sadd.s32 s2, s17  }
0x8e: {  	[smem:$0x3FC0] =	sst s2  }
0x8f: {  	_ = 	snop  }
0x90: {  	s2 =	sld [smem:$0x3FD0];
	(tm) =	ssettm $0x1  }
0x91: {  	s18 =	sld [smem:$0x3FFB];
	_ =	sdelay $0x3  }
0x92: {  	_ =	strace s18  }
0x93: {  	s3 =	sld [smem:$0x3FFC];
	_ =	sdelay $0x3  }
0x94: {  	_ =	strace s3  }
0x95: {  	s3 =	sld [smem:$0x3FFD];
	_ =	sdelay $0x3  }
0x96: {  	_ =	strace s3  }
0x97: {  	_ =	strace $0x8FFFFFFF  }
0x98: {  	s19 =	sld [smem:$0x3FDB];
	_ =	sdelay $0x1  }
0x99: {  	s4 =	simm.s32 $_scs_section_size  }
0x9a: {  	s5 =	simm.s32 $_size__tile_overlayer_lowered;
	s6 =	simm.s32 $_tile_overlayer_lowered  }
0x9b: {  	s22 =	simm.s32 $0x1BFF;
	s21 =	sshll.u32 s6, $0x1;
	s3 =	sadd.s32 s4, s19  }
0x9c: {  	s7 =	simm.s32 $0x0;
	s20 =	sshll.u32 s5, $0x1;
	s5 =	sadd.s32 s21, s3  }
0x9d: {  	[timem:s7], [sflag:s22] =	dma.local [hbm:s5], s20  }
0x9e: {  	_ =	swait.ge [sflag:s22], s20  }
0x9f: {  	s4 =	ssub.s32 $0x0, s20;
	[sflag:s22] =	ssyncset.done $0x0  }
0xa0: {  	[sflag:s22] =	ssyncadd.s32 s4;
	_ =	sdelay $0x1  }
0xa1: {  	s23 =	simm.s32 $0x1B8B  }
0xa2: {  	_ =	swait.ge [sflag:s23], $0x1  }
0xa3: {  	[sflag:s23] =	ssyncset.done $0x0  }
0xa4: {  	s25 =	simm.s32 $0x1B8E;
	s24 =	sld [smem:$0x3FFE];
	[sflag:s23] =	ssyncadd.s32 $0xFFFFFFFF  }
0xa5: {  	s26 =	simm.s32 $execute0_lowered;
	[smem:$0x3FD2] =	sst s25  }
0xa6: {  	s5 =	sshll.u32 s26, $0x1;
	_ =	strace $0x80000046;
	[dreg:$0x1] =	wrdreg $0xFFFFFFFF  }
0xa7: {  	s28 =	simm.s32 $_size_execute0_lowered;
	s3 =	sadd.s32 s3, s5;
	[dreg:$0x0] =	wrdreg $0x0  }
0xa8: {  	s5 =	sshll.u32 s28, $0x1;
	[dreg:$0x2] =	wrdreg s3  }
0xa9: {  	[dreg:$0x3] =	wrdreg s5  }
0xaa: {  	[dreg:$0x4] =	wrdreg $0xC0  }
0xab: {  	_ =	task [dreg:s7], $0x5FFFF  }
0xac: {  	[dreg:$0x1] =	wrdreg $0xFFFFFFFF  }
0xad: {  	[dreg:$0x0] =	wrdreg $0x60  }
0xae: {  	[dreg:$0x2] =	wrdreg s24  }
0xaf: {  	[dreg:$0x3] =	wrdreg s2  }
0xb0: {  	[dreg:$0x4] =	wrdreg $0x2B000  }
0xb1: {  	[dreg:$0x5] =	wrdreg $0x9  }
0xb2: {  	_ =	task.clear_ibuf [dreg:s7], $0x6FFFF;
	_ =	strace $0x90000046  }
0xb3: {  	s29 =	simm.s32 $0x9;
	_ =	strace $0x80000048  }
0xb4: {  	_ =	swait.ge [sflag:s29], $0x1  }
0xb5: {  	[sflag:s29] =	ssyncadd.s32 $0xFFFFFFFF  }
0xb6: {  	_ =	strace $0x90000048  }
0xb7: {  	_ =	sfence  }
0xb8: {  	s30 =	sld [smem:$0x0];
	_ =	sdelay $0x2  }
0xb9: {  	s31 =	sshll.u32 s1, $0xD;
	s1 =	sshrl.u32 s1, $0x2  }
0xba: {  	s3 =	sand.u32 $0x4000, s31;
	s1 =	sadd.s32 s1, s30  }
0xbb: {  	s0 =	sor.u32 s3, s0;
	s1 =	sshll.u32 s1, $0x11  }
0xbc: {  	s0 =	sor.u32 s1, s0  }
0xbd: {  	s0 =	sadd.s32 $0x8F2B, s0  }
0xbe: {  	[sflag:s0] =	ssyncadd.remote.s32 $0x1  }
0xbf: {  	_ =	sfence.sel $0xFFFF  }
0xc0: {  	[dreg:$0x0] =	wrdreg $0xFFFFFFFF;
	(pc) =	sbr.abs _section_cstart, $3  }
0xc1: {  	[dreg:$0x1] =	wrdreg $0xFFFFFFFF  }
0xc2: {  	_ =	task.clear_ibuf [dreg:s7], $0x2FFFF;
	_ =	strace $0x9FFFFFFF  }
0xc3: {  	(tm) =	ssettm $0x7FFFFFFF  }
tec
execute0_lowered:
.L_overlay_start_1:
0x0: {  	(tag) =	ssettag $0x1  }
0x1: {  	s4 =	rddreg [dreg:$0x0]  }
0x2: {  	s7 =	rddreg [dreg:$0x1]  }
0x3: {  	s2 =	rddreg [dreg:$0x2];
	s3 =	srdreg.scid  }
0x4: {  	s0 =	rddreg [dreg:$0x3];
	s1 =	stileid.u32;
	s11 =	simm.s32 $0x80  }
0x5: {  	s12 =	simm.s32 $0x2800;
	s13 =	simm.s32 $0x0;
	s6 =	smul.u32 $0x500, s1  }
0x6: {  	s5 =	sand.u32 $0x1, s3;
	s3 =	simm.s32 $0x0;
	s9 =	smul.u32 $0xA00, s1  }
0x7: {  	s8 =	sshll.u32 s5, $0x4;
	s5 =	ssub.s32 $0x2, s5;
	[smem:$0x7FF] =	sst s3  }
0x8: {  	s8 =	sor.u32 s1, s8;
	s10 =	sshrl.u32 s5, $0x1;
	_ =	strace $0x80000047  }
0x9: {  	s4 =	sadd.s32 s6, s4;
	s30 =	sshrl.u32 s9, $0x2;
	s8 =	smul.u32 $0x140, s8  }
0xa: {  	s9 =	simm.s32 $0x1;
	s10 =	ssub.s32 s5, s10;
	s4 =	sadd.s32 $0x1C00, s4  }
0xb: {  	s5 =	sadd.s32 s30, s2;
	s31 =	sshrl.u32 s8, $0x3;
	s6 =	sadd.s32 s8, s2  }
0xc: {  	v0 =	vimm.f32 $1.000000000e+00;
	v1 =	vimm.f32 $0.0e+00;
	s8 =	smax.u32 s10, $0x1;
	s10 =	simm.s32 $0x2880;
	s7 =	sadd.s32 s7, s31  }
.LBB2_1:
0xd: {  	[tilespmem:$0x2800] =	vst v0  }
0xe: {  	[tilespmem:$0x2810] =	vst v0  }
0xf: {  	[tilespmem:$0x2820] =	vst v0  }
0x10: {  	[tilespmem:$0x2830] =	vst v0  }
0x11: {  	[tilespmem:$0x2840] =	vst v0  }
0x12: {  	[tilespmem:$0x2850] =	vst v0  }
0x13: {  	[tilespmem:$0x2860] =	vst v0  }
0x14: {  	[tilespmem:$0x2870] =	vst v0  }
0x15: {  	[tilespmem:$0x2880] =	vst v1  }
0x16: {  	[tilespmem:$0x2890] =	vst v1  }
0x17: {  	[tilespmem:$0x28A0] =	vst v1  }
0x18: {  	[tilespmem:$0x28B0] =	vst v1  }
0x19: {  	[tilespmem:$0x28C0] =	vst v1  }
0x1a: {  	[tilespmem:$0x28D0] =	vst v1  }
0x1b: {  	[tilespmem:$0x28E0] =	vst v1  }
0x1c: {  	[tilespmem:$0x28F0] =	vst v1  }
0x1d: {  	[tilespmem:$0x2900] =	vst v1  }
0x1e: {  	[tilespmem:$0x2910] =	vst v1  }
0x1f: {  	[tilespmem:$0x2920] =	vst v1  }
0x20: {  	[tilespmem:$0x2930] =	vst v1  }
0x21: {  	[tilespmem:$0x2940] =	vst v1  }
0x22: {  	[tilespmem:$0x2950] =	vst v1  }
0x23: {  	[tilespmem:$0x2960] =	vst v1  }
0x24: {  	[tilespmem:$0x2970] =	vst v1  }
0x25: {  	[tilespmem:$0x2980] =	vst v1  }
0x26: {  	[tilespmem:$0x2990] =	vst v1  }
0x27: {  	[tilespmem:$0x29A0] =	vst v1  }
0x28: {  	[tilespmem:$0x29B0] =	vst v1  }
0x29: {  	[tilespmem:$0x29C0] =	vst v1  }
0x2a: {  	[tilespmem:$0x29D0] =	vst v1  }
0x2b: {  	[tilespmem:$0x29E0] =	vst v1  }
0x2c: {  	[tilespmem:$0x29F0] =	vst v1  }
0x2d: {  	[tilespmem:$0x2A00] =	vst v1  }
0x2e: {  	[tilespmem:$0x2A10] =	vst v1  }
0x2f: {  	[tilespmem:$0x2A20] =	vst v1  }
0x30: {  	[tilespmem:$0x2A30] =	vst v1  }
0x31: {  	[tilespmem:$0x2A40] =	vst v1  }
0x32: {  	[tilespmem:$0x2A50] =	vst v1  }
0x33: {  	[tilespmem:$0x2A60] =	vst v1  }
0x34: {  	[tilespmem:$0x2A70] =	vst v1  }
0x35: {  	[tilespmem:$0x2A80] =	vst v1  }
0x36: {  	[tilespmem:$0x2A90] =	vst v1  }
0x37: {  	[tilespmem:$0x2AA0] =	vst v1  }
0x38: {  	[tilespmem:$0x2AB0] =	vst v1  }
0x39: {  	[tilespmem:$0x2AC0] =	vst v1  }
0x3a: {  	[tilespmem:$0x2AD0] =	vst v1  }
0x3b: {  	[tilespmem:$0x2AE0] =	vst v1  }
0x3c: {  	[tilespmem:$0x2AF0] =	vst v1  }
0x3d: {  	[tilespmem:s3], [sflag:$0x1] =	stream.linear.gather [hbm4b:s4+s3], $0x2780, $0x38;
	[tilespmem:$0x2D80] =	vst v63  }
0x3e: {  	_ =	swait.ge [sflag:s9], $0x2780  }
0x3f: {  	[sflag:s9] =	ssyncset.done $0x0  }
0x40: {  	[sflag:s9] =	ssyncadd.s32 $0xFFFFD880  }
0x41: {  	[spmem:s5] =	stream.linear.scatter [tilespmem:s10], [sflag:$0x1], $0x280, $0x38;
	[tilespmem:$0x2D80] =	vst v63  }
0x42: {  	_ =	swait.ge [sflag:s9], $0x280  }
0x43: {  	[sflag:s9] =	ssyncset.done $0x0  }
0x44: {  	[sflag:s9] =	ssyncadd.s32 $0xFFFFFD80  }
0x45: {  	s14 =	simm.s32 $0x0;
	[bflag:$0x0] =	sbarrier.arrive $0xFFFF  }
0x46: {  	[spmem:s2] =	stream.indirect.scatter.add.f32 [tilespmem:s12], [sflag:$0x1], $0x1, s14, s11, $0xb8;
	[tilespmem:$0x2D80] =	vst v63  }
0x47: {  	_ =	swait.ge [sflag:s9], $0x80  }
0x48: {  	s14 =	simm.s32 $0x200;
	[sflag:s9] =	ssyncset.done $0x0  }
.LBB2_2:
0x49: {  	s15 =	sshra.s32 s14, $0x2;
	[sflag:s9] =	ssyncadd.s32 $0xFFFFFF80;
	p0 =	sne.s32 s14, $0x9C00  }
0x4a: {  	[spmem:s2] =	stream.indirect.scatter.add.f32 [tilespmem:s12], [sflag:$0x1], $0x1, s15, s11, $0xb8;
	[tilespmem:$0x2D80] =	vst v63  }
.Ltmp0:
0x4b: {  	_ = 	snop;
	(pc) =	sbr.rel @p0 .LBB2_2-.Ltmp0, $4  }
0x4c: {  	_ = 	snop  }
0x4d: {  	s14 =	sadd.s32 $0x200, s14  }
0x4e: {  	_ =	swait.ge [sflag:s9], $0x80  }
0x4f: {  	[sflag:s9] =	ssyncset.done $0x0  }
0x50: {  	[sflag:s9] =	ssyncadd.s32 $0xFFFFFF80  }
0x51: {  	[bflag:$0x0] =	sbarrier.arrive $0xFFFF  }
0x52: {  	[tilespmem:s10], [sflag:$0x1] =	stream.linear.gather [spmem:s6], $0x140, $0x38;
	[tilespmem:$0x2D80] =	vst v63  }
0x53: {  	s13 =	sadd.s32 $0x1, s13;
	_ =	swait.ge [sflag:s9], $0x140  }
0x54: {  	p0 =	sne.s32 s13, s8;
	[sflag:s9] =	ssyncset.done $0x0  }
.Ltmp1:
0x55: {  	[sflag:s9] =	ssyncadd.s32 $0xFFFFFEC0;
	(pc) =	sbr.rel @p0 .LBB2_1-.Ltmp1, $4  }
0x56: {  	[hbm4b:s7+s3] =	stream.linear.scatter [tilespmem:s10], [sflag:$0x1], $0x140, $0x38;
	[tilespmem:$0x2D80] =	vst v63  }
0x57: {  	_ =	swait.ge [sflag:s9], $0x140  }
0x58: {  	[sflag:s9] =	ssyncset.done $0x0  }
0x59: {  	[sflag:s9] =	ssyncadd.s32 $0xFFFFFEC0  }
0x5a: {  	_ =	sfence.sel $0x180000  }
0x5b: {  	[bflag:$0x0] =	sbarrier.arrive $0xFFFF  }
0x5c: {  	p0 =	sne.s32 s1, $0x0;
	_ =	strace $0x90000047  }
0x5d: {  	s0 =	sadd.s32 @!p0 $0x100000, s0;
	[bflag:$0x2] =	sbarrier.arrive $0xFFFF  }
0x5e: {  	[sflag:s0] =	ssyncadd.tile.s32 @!p0 $0x1;
	_ =	shalt  }
.Lfunc_end2:
_tile_overlayer_lowered:
.L_overlay_start_2:
0x5f: {  	(tag) =	ssettag $0x2  }
0x60: {  	s0 =	rddreg [dreg:$0x0];
	s2 =	stileid.u32  }
0x61: {  	s1 =	rddreg [dreg:$0x1];
	p0 =	sne.s32 s2, $0x0  }
0x62: {  	s3 =	rddreg [dreg:$0x2];
	[bflag:$0x3] =	sbarrier.arrive $0xFFFF;
	s2 =	simm.s32 @!p0 $0x1C01  }
0x63: {  	[timem:s3], [sflag:s2] =	dma.local @!p0 [hbm:s0], s1  }
0x64: {  	s0 =	simm.s32 @!p0 $0x1  }
0x65: {  	_ =	swait.ge @!p0 [sflag:s0], s1  }
0x66: {  	s1 =	ssub.s32 @!p0 $0x0, s1;
	[sflag:s0] =	ssyncset.done @!p0 $0x0  }
0x67: {  	[sflag:s0] =	ssyncadd.s32 @!p0 s1  }
0x68: {  	[bflag:$0x3] =	sbarrier.arrive $0xFFFF  }
0x69: {  	_ =	shalt  }

// kernel: kernel.13.cloned.1.call-start
scs
__scs_entry_jumppad:
0x0: {  	(pc) =	sbr.rel $0x88, $3  }
0x1: {  	(tag) =	ssettag $0x0;
	lr =	simm.s32 $0x1  }
0x2: {  	[smem:$0x3F99] =	sst lr;
	_ =	strace $0xD0000000  }
0x3: {  	_ = 	snop  }
0x4: {  	_ = 	snop  }
0x5: {  	_ = 	snop  }
0x6: {  	_ = 	snop  }
0x7: {  	_ = 	snop  }
__scs_overlays_trampoline_lowered:
0x8: {  	[smem:$0x3FA8] =	sst s0  }
0x9: {  	[smem:$0x3FA9] =	sst s1  }
0xa: {  	[smem:$0x3FAA] =	sst s2  }
0xb: {  	[smem:$0x3FAB] =	sst s3  }
0xc: {  	[smem:$0x3FAC] =	sst s4  }
0xd: {  	[smem:$0x3FAD] =	sst s5  }
0xe: {  	[smem:$0x3FAE] =	sst s6  }
0xf: {  	[smem:$0x3FAF] =	sst s7  }
0x10: {  	[smem:$0x3FB0] =	sst s8  }
0x11: {  	[smem:$0x3FB1] =	sst s9;
	s0 =	simm.s32 @!p0 $0x0  }
0x12: {  	s1 =	sld [smem:$0x3F97];
	s0 =	simm.s32 @p0 $0x1  }
0x13: {  	[smem:$0x3FB2] =	sst s0;
	s0 =	simm.s32 @!p1 $0x0  }
0x14: {  	s2 =	sld [smem:$0x3F96];
	s0 =	simm.s32 @p1 $0x1  }
0x15: {  	[smem:$0x3FB3] =	sst s0;
	s0 =	simm.s32 @!p2 $0x0  }
0x16: {  	s3 =	sld [smem:$0x3FDB];
	s0 =	simm.s32 @p2 $0x1  }
0x17: {  	s4 =	simm.s32 $0x1BF5;
	[smem:$0x3FB5] =	sst s0  }
0x18: {  	s0 =	sld [smem:$0x3F98];
	_ =	swait.ge [sflag:s4], $0x0  }
0x19: {  	s7 =	sld [smem:$0x3F99]  }
0x1a: {  	s8 =	sadd.s32 $0xFFFFE003, lr  }
0x1b: {  	s9 =	sadd.s32 $0xFFFFFEF7, lr;
	s5 =	simm.s32 $0xFFFFFFFF;
	p2 =	slt.u32 s8, $0xFFFFF086  }
0x1c: {  	p1 =	slt.u32 s9, $0xF7A;
	s5 =	simm.s32 @!p2 $0x0  }
0x1d: {  	s5 =	simm.s32 @p1 $0x1;
	p0 =	seq.s32 s7, s2  }
0x1e: {  	s7 =	smul.u32 @!p0 $0xF7A, s2;
	p2 =	seq.s32 @!p0 s5, $0x0  }
0x1f: {  	s9 =	smul.u32 $0xF7A, s1;
	s8 =	simm.s32 @!p0 $0x1BF5;
	p2 =	por !p2, p0  }
0x20: {  	[sflag:s8] =	ssyncset.s32 @!p0 $0xFFFFF086;
	s6 =	sadd.s32 @!p0 s3, s7;
	s7 =	simm.s32 @!p0 $0x108  }
0x21: {  	s3 =	sadd.s32 s3, s9;
	s6 =	sadd.s32 @!p0 $0x88, s6;
	s7 =	simm.s32 @p2 $0x1082  }
0x22: {  	[simem:s7], [sflag:s8] =	dma.local @!p0 [hbm:s6], $0xF7A  }
0x23: {  	s9 =	sor.u32 $0xD0000000, s2;
	s6 =	simm.s32 $0x108;
	_ =	swait.ge @!p0 [sflag:s8], $0x0  }
0x24: {  	s3 =	sadd.s32 $0x88, s3;
	s6 =	simm.s32 @!p1 $0x1082;
	[sflag:s4] =	ssyncset.s32 $0xFFFFF086  }
0x25: {  	[simem:s6], [sflag:s4] =	dma.local [hbm:s3], $0xF7A  }
0x26: {  	[smem:$0x3F99] =	sst s1;
	(tag) =	ssettag s2;
	_ =	strace s9  }
0x27: {  	s1 =	sld [smem:$0x3FA9]  }
0x28: {  	s2 =	sld [smem:$0x3FAA]  }
0x29: {  	s4 =	sld [smem:$0x3FAC]  }
0x2a: {  	p0 =	seq.s32 s5, $0x0;
	s5 =	sld [smem:$0x3FAD]  }
0x2b: {  	s6 =	sld [smem:$0x3FAE]  }
0x2c: {  	s7 =	sld [smem:$0x3FAF]  }
0x2d: {  	s3 =	simm.s32 $0x108;
	s8 =	sld [smem:$0x3FB0]  }
0x2e: {  	s3 =	simm.s32 @!p0 $0x1082;
	s9 =	sld [smem:$0x3FB1]  }
0x2f: {  	lr =	sadd.s32 s0, s3;
	s0 =	sld [smem:$0x3FA8]  }
0x30: {  	s3 =	sld [smem:$0x3FAB]  }
0x31: {  	[smem:$0x3FB4] =	sst s10  }
0x32: {  	s10 =	sld [smem:$0x3FB2];
	_ =	sdelay $0x3  }
0x33: {  	p0 =	seq.s32 s10, $0x1;
	s10 =	sld [smem:$0x3FB4];
	_ =	sdelay $0x3  }
0x34: {  	[smem:$0x3FB4] =	sst s10  }
0x35: {  	s10 =	sld [smem:$0x3FB3];
	_ =	sdelay $0x3  }
0x36: {  	p1 =	seq.s32 s10, $0x1;
	s10 =	sld [smem:$0x3FB4];
	_ =	sdelay $0x3  }
0x37: {  	[smem:$0x3FB4] =	sst s10  }
0x38: {  	s10 =	sld [smem:$0x3FB5]  }
0x39: {  	_ = 	snop;
	(pc) =	sbr.ind lr, $3  }
0x3a: {  	_ = 	snop  }
0x3b: {  	_ = 	snop  }
0x3c: {  	p2 =	seq.s32 s10, $0x1;
	s10 =	sld [smem:$0x3FB4]  }
0x3d: {  	_ =	shalt  }
0x3e: {  	_ =	shalt  }
0x3f: {  	_ =	shalt  }
0x40: {  	_ =	shalt  }
0x41: {  	_ =	shalt  }
0x42: {  	_ =	shalt  }
0x43: {  	_ =	shalt  }
0x44: {  	_ =	shalt  }
0x45: {  	_ =	shalt  }
0x46: {  	_ =	shalt  }
0x47: {  	_ =	shalt  }
0x48: {  	_ =	shalt  }
0x49: {  	_ =	shalt  }
0x4a: {  	_ =	shalt  }
0x4b: {  	_ =	shalt  }
0x4c: {  	_ =	shalt  }
0x4d: {  	_ =	shalt  }
0x4e: {  	_ =	shalt  }
0x4f: {  	_ =	shalt  }
0x50: {  	_ =	shalt  }
0x51: {  	_ =	shalt  }
0x52: {  	_ =	shalt  }
0x53: {  	_ =	shalt  }
0x54: {  	_ =	shalt  }
0x55: {  	_ =	shalt  }
0x56: {  	_ =	shalt  }
0x57: {  	_ =	shalt  }
0x58: {  	_ =	shalt  }
0x59: {  	_ =	shalt  }
0x5a: {  	_ =	shalt  }
0x5b: {  	_ =	shalt  }
0x5c: {  	_ =	shalt  }
0x5d: {  	_ =	shalt  }
0x5e: {  	_ =	shalt  }
0x5f: {  	_ =	shalt  }
0x60: {  	_ =	shalt  }
0x61: {  	_ =	shalt  }
0x62: {  	_ =	shalt  }
0x63: {  	_ =	shalt  }
0x64: {  	_ =	shalt  }
0x65: {  	_ =	shalt  }
0x66: {  	_ =	shalt  }
0x67: {  	_ =	shalt  }
0x68: {  	_ =	shalt  }
0x69: {  	_ =	shalt  }
0x6a: {  	_ =	shalt  }
0x6b: {  	_ =	shalt  }
0x6c: {  	_ =	shalt  }
0x6d: {  	_ =	shalt  }
0x6e: {  	_ =	shalt  }
0x6f: {  	_ =	shalt  }
0x70: {  	_ =	shalt  }
0x71: {  	_ =	shalt  }
0x72: {  	_ =	shalt  }
0x73: {  	_ =	shalt  }
0x74: {  	_ =	shalt  }
0x75: {  	_ =	shalt  }
0x76: {  	_ =	shalt  }
0x77: {  	_ =	shalt  }
0x78: {  	_ =	shalt  }
0x79: {  	_ =	shalt  }
0x7a: {  	_ =	shalt  }
0x7b: {  	_ =	shalt  }
0x7c: {  	_ =	shalt  }
0x7d: {  	_ =	shalt  }
0x7e: {  	_ =	shalt  }
0x7f: {  	_ =	shalt  }
0x80: {  	_ =	shalt  }
0x81: {  	_ =	shalt  }
0x82: {  	_ =	shalt  }
0x83: {  	_ =	shalt  }
0x84: {  	_ =	shalt  }
0x85: {  	_ =	shalt  }
0x86: {  	_ =	shalt  }
0x87: {  	_ =	shalt  }
.Lfunc_end0:
.L_simem_size_0:
called_computation.1_lowered:
.L_overlay_start_0:
0x88: {  	s2 =	sld [smem:$0x3FD9]  }
0x89: {  	s3 =	sld [smem:$0x3FFE];
	_ =	sdelay $0x1  }
0x8a: {  	s1 =	srdreg.scid  }
0x8b: {  	s0 =	sand.u32 $0x1, s1  }
0x8c: {  	s17 =	sshll.u32 s0, $0xA;
	s2 =	sadd.s32 s3, s2  }
0x8d: {  	s2 =	sadd.s32 s2, s17  }
0x8e: {  	[smem:$0x3FC0] =	sst s2  }
0x8f: {  	_ = 	snop  }
0x90: {  	s2 =	sld [smem:$0x3FD0];
	(tm) =	ssettm $0x1  }
0x91: {  	s18 =	sld [smem:$0x3FFB];
	_ =	sdelay $0x3  }
0x92: {  	_ =	strace s18  }
0x93: {  	s3 =	sld [smem:$0x3FFC];
	_ =	sdelay $0x3  }
0x94: {  	_ =	strace s3  }
0x95: {  	s3 =	sld [smem:$0x3FFD];
	_ =	sdelay $0x3  }
0x96: {  	_ =	strace s3  }
0x97: {  	_ =	strace $0x8FFFFFFF  }
0x98: {  	s19 =	sld [smem:$0x3FDB];
	_ =	sdelay $0x1  }
0x99: {  	s4 =	simm.s32 $_scs_section_size  }
0x9a: {  	s5 =	simm.s32 $_size__tile_overlayer_lowered;
	s6 =	simm.s32 $_tile_overlayer_lowered  }
0x9b: {  	s22 =	simm.s32 $0x1BFF;
	s21 =	sshll.u32 s6, $0x1;
	s3 =	sadd.s32 s4, s19  }
0x9c: {  	s7 =	simm.s32 $0x0;
	s20 =	sshll.u32 s5, $0x1;
	s5 =	sadd.s32 s21, s3  }
0x9d: {  	[timem:s7], [sflag:s22] =	dma.local [hbm:s5], s20  }
0x9e: {  	_ =	swait.ge [sflag:s22], s20  }
0x9f: {  	s4 =	ssub.s32 $0x0, s20;
	[sflag:s22] =	ssyncset.done $0x0  }
0xa0: {  	[sflag:s22] =	ssyncadd.s32 s4;
	_ =	sdelay $0x1  }
0xa1: {  	s23 =	simm.s32 $0x1B8B  }
0xa2: {  	_ =	swait.ge [sflag:s23], $0x1  }
0xa3: {  	[sflag:s23] =	ssyncset.done $0x0  }
0xa4: {  	s25 =	simm.s32 $0x1B8E;
	s24 =	sld [smem:$0x3FFE];
	[sflag:s23] =	ssyncadd.s32 $0xFFFFFFFF  }
0xa5: {  	s26 =	simm.s32 $execute0_lowered;
	[smem:$0x3FD2] =	sst s25  }
0xa6: {  	s5 =	sshll.u32 s26, $0x1;
	_ =	strace $0x80000049;
	[dreg:$0x1] =	wrdreg $0xFFFFFFFF  }
0xa7: {  	s28 =	simm.s32 $_size_execute0_lowered;
	s3 =	sadd.s32 s3, s5;
	[dreg:$0x0] =	wrdreg $0x0  }
0xa8: {  	s5 =	sshll.u32 s28, $0x1;
	[dreg:$0x2] =	wrdreg s3  }
0xa9: {  	[dreg:$0x3] =	wrdreg s5  }
0xaa: {  	[dreg:$0x4] =	wrdreg $0xC0  }
0xab: {  	_ =	task [dreg:s7], $0x5FFFF  }
0xac: {  	[dreg:$0x1] =	wrdreg $0xFFFFFFFF  }
0xad: {  	[dreg:$0x0] =	wrdreg $0x60  }
0xae: {  	[dreg:$0x2] =	wrdreg s2  }
0xaf: {  	[dreg:$0x3] =	wrdreg s24  }
0xb0: {  	[dreg:$0x4] =	wrdreg $0x90000  }
0xb1: {  	[dreg:$0x5] =	wrdreg $0x9  }
0xb2: {  	_ =	task.clear_ibuf [dreg:s7], $0x6FFFF;
	_ =	strace $0x90000049  }
0xb3: {  	s29 =	simm.s32 $0x9;
	_ =	strace $0x8000004B  }
0xb4: {  	_ =	swait.ge [sflag:s29], $0x1  }
0xb5: {  	[sflag:s29] =	ssyncadd.s32 $0xFFFFFFFF  }
0xb6: {  	_ =	strace $0x9000004B  }
0xb7: {  	_ =	sfence  }
0xb8: {  	s30 =	sld [smem:$0x0];
	_ =	sdelay $0x2  }
0xb9: {  	s31 =	sshll.u32 s1, $0xD;
	s1 =	sshrl.u32 s1, $0x2  }
0xba: {  	s3 =	sand.u32 $0x4000, s31;
	s1 =	sadd.s32 s1, s30  }
0xbb: {  	s0 =	sor.u32 s3, s0;
	s1 =	sshll.u32 s1, $0x11  }
0xbc: {  	s0 =	sor.u32 s1, s0  }
0xbd: {  	s0 =	sadd.s32 $0x8F2B, s0  }
0xbe: {  	[sflag:s0] =	ssyncadd.remote.s32 $0x1  }
0xbf: {  	_ =	sfence.sel $0xFFFF  }
0xc0: {  	[dreg:$0x0] =	wrdreg $0xFFFFFFFF;
	(pc) =	sbr.abs _section_cstart, $3  }
0xc1: {  	[dreg:$0x1] =	wrdreg $0xFFFFFFFF  }
0xc2: {  	_ =	task.clear_ibuf [dreg:s7], $0x2FFFF;
	_ =	strace $0x9FFFFFFF  }
0xc3: {  	(tm) =	ssettm $0x7FFFFFFF  }
tec
execute0_lowered:
.L_overlay_start_1:
0x0: {  	(tag) =	ssettag $0x1  }
0x1: {  	s11 =	rddreg [dreg:$0x0]  }
0x2: {  	s4 =	rddreg [dreg:$0x1];
	s0 =	stileid.u32  }
0x3: {  	s1 =	srdreg.scid;
	s2 =	rddreg [dreg:$0x2];
	s3 =	simm.s32 $0x0  }
0x4: {  	s15 =	simm.s32 $0x5000;
	s16 =	simm.s32 $0x80;
	s17 =	simm.s32 $0x1  }
0x5: {  	s18 =	simm.s32 $0x4F00;
	s22 =	simm.s32 $0x0;
	s5 =	smul.u32 $0x500, s0  }
0x6: {  	s8 =	sand.u32 $0x1, s1;
	s1 =	rddreg [dreg:$0x3];
	s7 =	smul.u32 $0x50000, s0  }
0x7: {  	[smem:$0x7FF] =	sst s3;
	s20 =	smul.u32 $0x2800, s0;
	s31 =	sshll.u32 s0, $0x6  }
0x8: {  	s6 =	smul.u32 $0x28000, s8;
	_ =	strace $0x8000004A;
	s28 =	ssub.s32 $0x2, s8  }
0x9: {  	s14 =	smul.u32 $0x27100, s8;
	s9 =	sadd.s32 s5, s4;
	s29 =	sshrl.u32 s28, $0x1  }
0xa: {  	s30 =	sshrl.u32 s7, $0x2;
	s12 =	sadd.s32 s6, s4;
	s13 =	ssub.s32 s28, s29  }
0xb: {  	s4 =	sadd.s32 $0x6C00, s9;
	s5 =	sadd.s32 s30, s2;
	s6 =	sadd.s32 $0x1C00, s9  }
0xc: {  	s11 =	sadd.s32 s11, s14;
	s14 =	simm.s32 $0x2800;
	s7 =	sadd.s32 $0x4000, s5  }
0xd: {  	s8 =	sadd.s32 $0x8000, s5;
	s9 =	sadd.s32 $0xC000, s5;
	s10 =	sadd.s32 $0x10000, s5  }
0xe: {  	s19 =	sadd.s32 $0xBC00, s12;
	s12 =	smax.u32 s13, $0x1;
	s13 =	simm.s32 $0x2  }
0xf: {  	v0 =	vimm.f32 $0.0e+00;
	s21 =	sshrl.u32 s5, $0x3;
	s19 =	sadd.s32 s20, s19;
	s20 =	sor.u32 $0x1C02, s31  }
.LBB2_1:
0x10: {  	[tilespmem:s3], [sflag:$0x2] =	stream.linear.gather [hbm4b:s4+s3], $0x2780, $0x38;
	[tilespmem:$0x1D000] =	vst v63  }
0x11: {  	_ =	swait.ge [sflag:s13], $0x2780  }
0x12: {  	[sflag:s13] =	ssyncset.done $0x0  }
0x13: {  	[sflag:s13] =	ssyncadd.s32 $0xFFFFD880  }
0x14: {  	[tilespmem:s14], [sflag:$0x2] =	stream.linear.gather [hbm4b:s6+s3], $0x2780, $0x38;
	[tilespmem:$0x1D000] =	vst v63  }
0x15: {  	s23 =	sand.u32 $0xFE00, s3;
	s24 =	sand.u32 $0x70, s3;
	_ =	swait.ge [sflag:s13], $0x2780  }
0x16: {  	s25 =	sshrl.u32 s23, $0x2;
	s23 =	simm.s32 $0x40;
	[sflag:s13] =	ssyncset.done $0x0  }
0x17: {  	s25 =	sor.u32 s24, s25;
	s24 =	simm.s32 $0x0;
	[sflag:s13] =	ssyncadd.s32 $0xFFFFD880  }
.LBB2_2:
0x18: {  	p0 =	sne.s32 s23, $0xFFC0  }
0x19: {  	[tilespmem:s25+$0x5000] =	vst v0;
	s24 =	sadd.s32 $0x10, s24;
	s25 =	smov.u32 s23;
	s23 =	sadd.s32 $0x40, s23  }
.Ltmp0:
0x1a: {  	(pc) =	sbr.rel @p0 .LBB2_2-.Ltmp0, $4  }
0x1b: {  	_ = 	snop  }
0x1c: {  	s25 =	sand.u32 $0xFE00, s25  }
0x1d: {  	s26 =	sand.u32 $0x70, s24;
	s25 =	sshrl.u32 s25, $0x2  }
0x1e: {  	s25 =	sor.u32 s26, s25  }
0x1f: {  	[tilespmem:s25+$0x5000] =	vst v0  }
0x20: {  	[spmem:s5] =	stream.linear.scatter [tilespmem:s15], [sflag:$0x2], $0x4000, $0x38;
	[tilespmem:$0x1D000] =	vst v63  }
0x21: {  	_ =	swait.ge [sflag:s13], $0x4000  }
0x22: {  	[sflag:s13] =	ssyncset.done $0x0  }
0x23: {  	[sflag:s13] =	ssyncadd.s32 $0xFFFFC000  }
0x24: {  	[spmem:s7] =	stream.linear.scatter [tilespmem:s15], [sflag:$0x2], $0x4000, $0x38;
	[tilespmem:$0x1D000] =	vst v63  }
0x25: {  	_ =	swait.ge [sflag:s13], $0x4000  }
0x26: {  	[sflag:s13] =	ssyncset.done $0x0  }
0x27: {  	[sflag:s13] =	ssyncadd.s32 $0xFFFFC000  }
0x28: {  	[spmem:s8] =	stream.linear.scatter [tilespmem:s15], [sflag:$0x2], $0x4000, $0x38;
	[tilespmem:$0x1D000] =	vst v63  }
0x29: {  	_ =	swait.ge [sflag:s13], $0x4000  }
0x2a: {  	[sflag:s13] =	ssyncset.done $0x0  }
0x2b: {  	[sflag:s13] =	ssyncadd.s32 $0xFFFFC000  }
0x2c: {  	[spmem:s9] =	stream.linear.scatter [tilespmem:s15], [sflag:$0x2], $0x4000, $0x38;
	[tilespmem:$0x1D000] =	vst v63  }
0x2d: {  	_ =	swait.ge [sflag:s13], $0x4000  }
0x2e: {  	[sflag:s13] =	ssyncset.done $0x0  }
0x2f: {  	[sflag:s13] =	ssyncadd.s32 $0xFFFFC000  }
0x30: {  	[spmem:s10] =	stream.linear.scatter [tilespmem:s15], [sflag:$0x2], $0x4000, $0x38;
	[tilespmem:$0x1D000] =	vst v63  }
0x31: {  	_ =	swait.ge [sflag:s13], $0x4000  }
0x32: {  	[sflag:s13] =	ssyncset.done $0x0  }
0x33: {  	[sflag:s13] =	ssyncadd.s32 $0xFFFFC000  }
0x34: {  	s23 =	simm.s32 $0x0;
	[bflag:$0x0] =	sbarrier.arrive $0xFFFF  }
0x35: {  	[tilespmem:s15], [sflag:$0x1] =	stream.indirect.gather [hbm4b:s11+s16], $0x80, s23, s16, $0xb8;
	[tilespmem:$0x1D000] =	vst v63  }
0x36: {  	_ =	swait.ge [sflag:s17], $0x4000  }
0x37: {  	[sflag:s17] =	ssyncset.done $0x0  }
0x38: {  	s31 =	simm.s32 $0x2800;
	[sflag:s17] =	ssyncadd.s32 $0xFFFFC000  }
0x39: {  	[spmem:s2] =	stream.indirect.scatter.add.f32 [tilespmem:s15], [sflag:$0x2], $0x80, s31, s16, $0xb8;
	[tilespmem:$0x1D000] =	vst v63  }
0x3a: {  	_ =	swait.ge [sflag:s13], $0x4000  }
0x3b: {  	[sflag:s13] =	ssyncset.done $0x0  }
0x3c: {  	s24 =	simm.s32 $0x80;
	s23 =	simm.s32 $0x200;
	[sflag:s13] =	ssyncadd.s32 $0xFFFFC000  }
.LBB2_4:
0x3d: {  	[tilespmem:s15], [sflag:$0x1] =	stream.indirect.gather [hbm4b:s11+s16], $0x80, s24, s16, $0xb8;
	[tilespmem:$0x1D000] =	vst v63  }
0x3e: {  	s24 =	smov.u32 s23  }
0x3f: {  	p0 =	sne.s32 s23, $0x9A00;
	s23 =	sadd.s32 $0x200, s23;
	_ =	swait.ge [sflag:s17], $0x4000  }
0x40: {  	s24 =	sshra.s32 s24, $0x2;
	[sflag:s17] =	ssyncset.done $0x0  }
.Ltmp1:
0x41: {  	s25 =	sadd.s32 $0x2800, s24;
	[sflag:s17] =	ssyncadd.s32 $0xFFFFC000;
	(pc) =	sbr.rel @p0 .LBB2_4-.Ltmp1, $4  }
0x42: {  	[spmem:s2] =	stream.indirect.scatter.add.f32 [tilespmem:s15], [sflag:$0x2], $0x80, s25, s16, $0xb8;
	[tilespmem:$0x1D000] =	vst v63  }
0x43: {  	_ =	swait.ge [sflag:s13], $0x4000  }
0x44: {  	[sflag:s13] =	ssyncset.done $0x0  }
0x45: {  	s24 =	sadd.s32 $0x80, s24;
	[sflag:s13] =	ssyncadd.s32 $0xFFFFC000  }
0x46: {  	[tilespmem:s15], [sflag:$0x1] =	stream.indirect.gather [hbm4b:s11+s16], $0x80, s24, s16, $0xb8;
	[tilespmem:$0x1D000] =	vst v63  }
0x47: {  	_ =	swait.ge [sflag:s17], $0x4000  }
0x48: {  	[sflag:s17] =	ssyncset.done $0x0  }
0x49: {  	[sflag:s17] =	ssyncadd.s32 $0xFFFFC000  }
0x4a: {  	[spmem:s2] =	stream.indirect.scatter.add.f32 [tilespmem:s15], [sflag:$0x2], $0x80, s18, s16, $0xb8;
	[tilespmem:$0x1D000] =	vst v63  }
0x4b: {  	_ =	swait.ge [sflag:s13], $0x4000  }
0x4c: {  	s22 =	sadd.s32 $0x1, s22;
	[sflag:s13] =	ssyncset.done $0x0  }
0x4d: {  	p0 =	sne.s32 s22, s12;
	[sflag:s13] =	ssyncadd.s32 $0xFFFFC000  }
.Ltmp2:
0x4e: {  	[bflag:$0x0] =	sbarrier.arrive $0xFFFF;
	(pc) =	sbr.rel @p0 .LBB2_1-.Ltmp2, $4  }
0x4f: {  	[hbm:s19], [sflag:s20] =	dma.local [spmem:s21], $0x2800  }
0x50: {  	_ =	swait.ge [sflag:s13], $0x2800  }
0x51: {  	[sflag:s13] =	ssyncset.done $0x0  }
0x52: {  	[sflag:s13] =	ssyncadd.s32 $0xFFFFD800  }
0x53: {  	_ =	sfence.sel $0x180000  }
0x54: {  	[bflag:$0x0] =	sbarrier.arrive $0xFFFF  }
0x55: {  	p0 =	sne.s32 s0, $0x0;
	_ =	strace $0x9000004A  }
0x56: {  	s0 =	sadd.s32 @!p0 $0x100000, s1;
	[bflag:$0x2] =	sbarrier.arrive $0xFFFF  }
0x57: {  	[sflag:s0] =	ssyncadd.tile.s32 @!p0 $0x1;
	_ =	shalt  }
.Lfunc_end2:
_tile_overlayer_lowered:
.L_overlay_start_2:
0x58: {  	(tag) =	ssettag $0x2  }
0x59: {  	s0 =	rddreg [dreg:$0x0];
	s2 =	stileid.u32  }
0x5a: {  	s1 =	rddreg [dreg:$0x1];
	p0 =	sne.s32 s2, $0x0  }
0x5b: {  	s3 =	rddreg [dreg:$0x2];
	[bflag:$0x3] =	sbarrier.arrive $0xFFFF;
	s2 =	simm.s32 @!p0 $0x1C02  }
0x5c: {  	[timem:s3], [sflag:s2] =	dma.local @!p0 [hbm:s0], s1  }
0x5d: {  	s0 =	simm.s32 @!p0 $0x2  }
0x5e: {  	_ =	swait.ge @!p0 [sflag:s0], s1  }
0x5f: {  	s1 =	ssub.s32 @!p0 $0x0, s1;
	[sflag:s0] =	ssyncset.done @!p0 $0x0  }
0x60: {  	[sflag:s0] =	ssyncadd.s32 @!p0 s1  }
0x61: {  	[bflag:$0x3] =	sbarrier.arrive $0xFFFF  }
0x62: {  	_ =	shalt  }

// kernel: kernel.16.cloned.1.call-start
scs
__scs_entry_jumppad:
0x0: {  	(pc) =	sbr.rel $0x88, $3  }
0x1: {  	(tag) =	ssettag $0x0;
	lr =	simm.s32 $0x1  }
0x2: {  	[smem:$0x3F99] =	sst lr;
	_ =	strace $0xD0000000  }
0x3: {  	_ = 	snop  }
0x4: {  	_ = 	snop  }
0x5: {  	_ = 	snop  }
0x6: {  	_ = 	snop  }
0x7: {  	_ = 	snop  }
__scs_overlays_trampoline_lowered:
0x8: {  	[smem:$0x3FA8] =	sst s0  }
0x9: {  	[smem:$0x3FA9] =	sst s1  }
0xa: {  	[smem:$0x3FAA] =	sst s2  }
0xb: {  	[smem:$0x3FAB] =	sst s3  }
0xc: {  	[smem:$0x3FAC] =	sst s4  }
0xd: {  	[smem:$0x3FAD] =	sst s5  }
0xe: {  	[smem:$0x3FAE] =	sst s6  }
0xf: {  	[smem:$0x3FAF] =	sst s7  }
0x10: {  	[smem:$0x3FB0] =	sst s8  }
0x11: {  	[smem:$0x3FB1] =	sst s9;
	s0 =	simm.s32 @!p0 $0x0  }
0x12: {  	s1 =	sld [smem:$0x3F97];
	s0 =	simm.s32 @p0 $0x1  }
0x13: {  	[smem:$0x3FB2] =	sst s0;
	s0 =	simm.s32 @!p1 $0x0  }
0x14: {  	s2 =	sld [smem:$0x3F96];
	s0 =	simm.s32 @p1 $0x1  }
0x15: {  	[smem:$0x3FB3] =	sst s0;
	s0 =	simm.s32 @!p2 $0x0  }
0x16: {  	s3 =	sld [smem:$0x3FDB];
	s0 =	simm.s32 @p2 $0x1  }
0x17: {  	s4 =	simm.s32 $0x1BF5;
	[smem:$0x3FB5] =	sst s0  }
0x18: {  	s0 =	sld [smem:$0x3F98];
	_ =	swait.ge [sflag:s4], $0x0  }
0x19: {  	s7 =	sld [smem:$0x3F99]  }
0x1a: {  	s8 =	sadd.s32 $0xFFFFE003, lr  }
0x1b: {  	s9 =	sadd.s32 $0xFFFFFEF7, lr;
	s5 =	simm.s32 $0xFFFFFFFF;
	p2 =	slt.u32 s8, $0xFFFFF086  }
0x1c: {  	p1 =	slt.u32 s9, $0xF7A;
	s5 =	simm.s32 @!p2 $0x0  }
0x1d: {  	s5 =	simm.s32 @p1 $0x1;
	p0 =	seq.s32 s7, s2  }
0x1e: {  	s7 =	smul.u32 @!p0 $0xF7A, s2;
	p2 =	seq.s32 @!p0 s5, $0x0  }
0x1f: {  	s9 =	smul.u32 $0xF7A, s1;
	s8 =	simm.s32 @!p0 $0x1BF5;
	p2 =	por !p2, p0  }
0x20: {  	[sflag:s8] =	ssyncset.s32 @!p0 $0xFFFFF086;
	s6 =	sadd.s32 @!p0 s3, s7;
	s7 =	simm.s32 @!p0 $0x108  }
0x21: {  	s3 =	sadd.s32 s3, s9;
	s6 =	sadd.s32 @!p0 $0x88, s6;
	s7 =	simm.s32 @p2 $0x1082  }
0x22: {  	[simem:s7], [sflag:s8] =	dma.local @!p0 [hbm:s6], $0xF7A  }
0x23: {  	s9 =	sor.u32 $0xD0000000, s2;
	s6 =	simm.s32 $0x108;
	_ =	swait.ge @!p0 [sflag:s8], $0x0  }
0x24: {  	s3 =	sadd.s32 $0x88, s3;
	s6 =	simm.s32 @!p1 $0x1082;
	[sflag:s4] =	ssyncset.s32 $0xFFFFF086  }
0x25: {  	[simem:s6], [sflag:s4] =	dma.local [hbm:s3], $0xF7A  }
0x26: {  	[smem:$0x3F99] =	sst s1;
	(tag) =	ssettag s2;
	_ =	strace s9  }
0x27: {  	s1 =	sld [smem:$0x3FA9]  }
0x28: {  	s2 =	sld [smem:$0x3FAA]  }
0x29: {  	s4 =	sld [smem:$0x3FAC]  }
0x2a: {  	p0 =	seq.s32 s5, $0x0;
	s5 =	sld [smem:$0x3FAD]  }
0x2b: {  	s6 =	sld [smem:$0x3FAE]  }
0x2c: {  	s7 =	sld [smem:$0x3FAF]  }
0x2d: {  	s3 =	simm.s32 $0x108;
	s8 =	sld [smem:$0x3FB0]  }
0x2e: {  	s3 =	simm.s32 @!p0 $0x1082;
	s9 =	sld [smem:$0x3FB1]  }
0x2f: {  	lr =	sadd.s32 s0, s3;
	s0 =	sld [smem:$0x3FA8]  }
0x30: {  	s3 =	sld [smem:$0x3FAB]  }
0x31: {  	[smem:$0x3FB4] =	sst s10  }
0x32: {  	s10 =	sld [smem:$0x3FB2];
	_ =	sdelay $0x3  }
0x33: {  	p0 =	seq.s32 s10, $0x1;
	s10 =	sld [smem:$0x3FB4];
	_ =	sdelay $0x3  }
0x34: {  	[smem:$0x3FB4] =	sst s10  }
0x35: {  	s10 =	sld [smem:$0x3FB3];
	_ =	sdelay $0x3  }
0x36: {  	p1 =	seq.s32 s10, $0x1;
	s10 =	sld [smem:$0x3FB4];
	_ =	sdelay $0x3  }
0x37: {  	[smem:$0x3FB4] =	sst s10  }
0x38: {  	s10 =	sld [smem:$0x3FB5]  }
0x39: {  	_ = 	snop;
	(pc) =	sbr.ind lr, $3  }
0x3a: {  	_ = 	snop  }
0x3b: {  	_ = 	snop  }
0x3c: {  	p2 =	seq.s32 s10, $0x1;
	s10 =	sld [smem:$0x3FB4]  }
0x3d: {  	_ =	shalt  }
0x3e: {  	_ =	shalt  }
0x3f: {  	_ =	shalt  }
0x40: {  	_ =	shalt  }
0x41: {  	_ =	shalt  }
0x42: {  	_ =	shalt  }
0x43: {  	_ =	shalt  }
0x44: {  	_ =	shalt  }
0x45: {  	_ =	shalt  }
0x46: {  	_ =	shalt  }
0x47: {  	_ =	shalt  }
0x48: {  	_ =	shalt  }
0x49: {  	_ =	shalt  }
0x4a: {  	_ =	shalt  }
0x4b: {  	_ =	shalt  }
0x4c: {  	_ =	shalt  }
0x4d: {  	_ =	shalt  }
0x4e: {  	_ =	shalt  }
0x4f: {  	_ =	shalt  }
0x50: {  	_ =	shalt  }
0x51: {  	_ =	shalt  }
0x52: {  	_ =	shalt  }
0x53: {  	_ =	shalt  }
0x54: {  	_ =	shalt  }
0x55: {  	_ =	shalt  }
0x56: {  	_ =	shalt  }
0x57: {  	_ =	shalt  }
0x58: {  	_ =	shalt  }
0x59: {  	_ =	shalt  }
0x5a: {  	_ =	shalt  }
0x5b: {  	_ =	shalt  }
0x5c: {  	_ =	shalt  }
0x5d: {  	_ =	shalt  }
0x5e: {  	_ =	shalt  }
0x5f: {  	_ =	shalt  }
0x60: {  	_ =	shalt  }
0x61: {  	_ =	shalt  }
0x62: {  	_ =	shalt  }
0x63: {  	_ =	shalt  }
0x64: {  	_ =	shalt  }
0x65: {  	_ =	shalt  }
0x66: {  	_ =	shalt  }
0x67: {  	_ =	shalt  }
0x68: {  	_ =	shalt  }
0x69: {  	_ =	shalt  }
0x6a: {  	_ =	shalt  }
0x6b: {  	_ =	shalt  }
0x6c: {  	_ =	shalt  }
0x6d: {  	_ =	shalt  }
0x6e: {  	_ =	shalt  }
0x6f: {  	_ =	shalt  }
0x70: {  	_ =	shalt  }
0x71: {  	_ =	shalt  }
0x72: {  	_ =	shalt  }
0x73: {  	_ =	shalt  }
0x74: {  	_ =	shalt  }
0x75: {  	_ =	shalt  }
0x76: {  	_ =	shalt  }
0x77: {  	_ =	shalt  }
0x78: {  	_ =	shalt  }
0x79: {  	_ =	shalt  }
0x7a: {  	_ =	shalt  }
0x7b: {  	_ =	shalt  }
0x7c: {  	_ =	shalt  }
0x7d: {  	_ =	shalt  }
0x7e: {  	_ =	shalt  }
0x7f: {  	_ =	shalt  }
0x80: {  	_ =	shalt  }
0x81: {  	_ =	shalt  }
0x82: {  	_ =	shalt  }
0x83: {  	_ =	shalt  }
0x84: {  	_ =	shalt  }
0x85: {  	_ =	shalt  }
0x86: {  	_ =	shalt  }
0x87: {  	_ =	shalt  }
.Lfunc_end0:
.L_simem_size_0:
called_computation.2_lowered:
.L_overlay_start_0:
0x88: {  	s2 =	sld [smem:$0x3FD9]  }
0x89: {  	s3 =	sld [smem:$0x3FFE];
	_ =	sdelay $0x1  }
0x8a: {  	s1 =	srdreg.scid  }
0x8b: {  	s0 =	sand.u32 $0x1, s1  }
0x8c: {  	s16 =	sshll.u32 s0, $0xA;
	s2 =	sadd.s32 s3, s2  }
0x8d: {  	s2 =	sadd.s32 s2, s16  }
0x8e: {  	[smem:$0x3FC0] =	sst s2  }
0x8f: {  	_ = 	snop  }
0x90: {  	(tm) =	ssettm $0x1  }
0x91: {  	s17 =	sld [smem:$0x3FFB];
	_ =	sdelay $0x3  }
0x92: {  	_ =	strace s17  }
0x93: {  	s2 =	sld [smem:$0x3FFC];
	_ =	sdelay $0x3  }
0x94: {  	_ =	strace s2  }
0x95: {  	s2 =	sld [smem:$0x3FFD];
	_ =	sdelay $0x3  }
0x96: {  	_ =	strace s2  }
0x97: {  	_ =	strace $0x8FFFFFFF  }
0x98: {  	s18 =	sld [smem:$0x3FDB];
	_ =	sdelay $0x1  }
0x99: {  	s19 =	simm.s32 $_scs_section_size  }
0x9a: {  	s4 =	simm.s32 $_size__tile_overlayer_lowered;
	s5 =	simm.s32 $_tile_overlayer_lowered  }
0x9b: {  	s22 =	simm.s32 $0x1BFF;
	s21 =	sshll.u32 s5, $0x1;
	s2 =	sadd.s32 s19, s18  }
0x9c: {  	s6 =	simm.s32 $0x0;
	s20 =	sshll.u32 s4, $0x1;
	s4 =	sadd.s32 s21, s2  }
0x9d: {  	[timem:s6], [sflag:s22] =	dma.local [hbm:s4], s20  }
0x9e: {  	_ =	swait.ge [sflag:s22], s20  }
0x9f: {  	s3 =	ssub.s32 $0x0, s20;
	[sflag:s22] =	ssyncset.done $0x0  }
0xa0: {  	[sflag:s22] =	ssyncadd.s32 s3;
	_ =	sdelay $0x1  }
0xa1: {  	s23 =	simm.s32 $0x1B8B  }
0xa2: {  	_ =	swait.ge [sflag:s23], $0x1  }
0xa3: {  	[sflag:s23] =	ssyncset.done $0x0  }
0xa4: {  	s25 =	simm.s32 $0x1B8E;
	s24 =	sld [smem:$0x3FFE];
	[sflag:s23] =	ssyncadd.s32 $0xFFFFFFFF  }
0xa5: {  	s26 =	simm.s32 $execute0_lowered;
	[smem:$0x3FD2] =	sst s25  }
0xa6: {  	s4 =	sshll.u32 s26, $0x1;
	_ =	strace $0x8000004C;
	[dreg:$0x1] =	wrdreg $0xFFFFFFFF  }
0xa7: {  	s28 =	simm.s32 $_size_execute0_lowered;
	s2 =	sadd.s32 s2, s4;
	[dreg:$0x0] =	wrdreg $0x0  }
0xa8: {  	s4 =	sshll.u32 s28, $0x1;
	[dreg:$0x2] =	wrdreg s2  }
0xa9: {  	[dreg:$0x3] =	wrdreg s4  }
0xaa: {  	[dreg:$0x4] =	wrdreg $0xC0  }
0xab: {  	_ =	task [dreg:s6], $0x5FFFF  }
0xac: {  	[dreg:$0x1] =	wrdreg $0xFFFFFFFF  }
0xad: {  	[dreg:$0x0] =	wrdreg $0x60  }
0xae: {  	[dreg:$0x2] =	wrdreg s24  }
0xaf: {  	[dreg:$0x3] =	wrdreg $0x90000  }
0xb0: {  	[dreg:$0x4] =	wrdreg $0x9  }
0xb1: {  	_ =	task.clear_ibuf [dreg:s6], $0x5FFFF;
	_ =	strace $0x9000004C  }
0xb2: {  	s29 =	simm.s32 $0x9;
	_ =	strace $0x8000004E  }
0xb3: {  	_ =	swait.ge [sflag:s29], $0x1  }
0xb4: {  	[sflag:s29] =	ssyncadd.s32 $0xFFFFFFFF  }
0xb5: {  	_ =	strace $0x9000004E  }
0xb6: {  	_ =	sfence  }
0xb7: {  	s30 =	sld [smem:$0x0];
	_ =	sdelay $0x2  }
0xb8: {  	s31 =	sshll.u32 s1, $0xD;
	s1 =	sshrl.u32 s1, $0x2  }
0xb9: {  	s3 =	sand.u32 $0x4000, s31;
	s1 =	sadd.s32 s1, s30  }
0xba: {  	s0 =	sor.u32 s3, s0;
	s1 =	sshll.u32 s1, $0x11  }
0xbb: {  	s0 =	sor.u32 s1, s0  }
0xbc: {  	s0 =	sadd.s32 $0x8F2B, s0  }
0xbd: {  	[sflag:s0] =	ssyncadd.remote.s32 $0x1  }
0xbe: {  	_ =	sfence.sel $0xFFFF  }
0xbf: {  	[dreg:$0x0] =	wrdreg $0xFFFFFFFF;
	(pc) =	sbr.abs _section_cstart, $3  }
0xc0: {  	[dreg:$0x1] =	wrdreg $0xFFFFFFFF  }
0xc1: {  	_ =	task.clear_ibuf [dreg:s6], $0x2FFFF;
	_ =	strace $0x9FFFFFFF  }
0xc2: {  	(tm) =	ssettm $0x7FFFFFFF  }
0xc3: {  	_ =	shalt  }
tec
execute0_lowered:
.L_overlay_start_1:
0x0: {  	(tag) =	ssettag $0x1  }
0x1: {  	s4 =	rddreg [dreg:$0x0]  }
0x2: {  	s2 =	rddreg [dreg:$0x1]  }
0x3: {  	s0 =	rddreg [dreg:$0x2]  }
0x4: {  	s3 =	simm.s32 $0x0;
	s1 =	stileid.u32;
	s5 =	srdreg.scid  }
0x5: {  	s18 =	simm.s32 $0x1;
	s19 =	simm.s32 $0x4F00;
	s6 =	smul.u32 $0x500, s1  }
0x6: {  	[smem:$0x7FF] =	sst s3;
	s7 =	sand.u32 $0x1, s5;
	s9 =	smul.u32 $0x50000, s1  }
0x7: {  	s12 =	sadd.s32 $0x5BC00, s4;
	s13 =	sadd.s32 $0xF8000, s4;
	s21 =	smul.u32 $0x2800, s1  }
0x8: {  	_ =	strace $0x8000004D;
	s5 =	ssub.s32 $0x2, s7;
	s11 =	smul.u32 $0x4E200, s7  }
0x9: {  	s15 =	smul.u32 $0x50000, s7;
	s16 =	sshllo.u32 s7, $0x1;
	s6 =	sadd.s32 s6, s4  }
0xa: {  	s8 =	sshrl.u32 s5, $0x1;
	s31 =	sshrl.u32 s9, $0x2;
	s17 =	smul.u32 $0x27100, s16  }
0xb: {  	s16 =	smul.u32 $0x28000, s16;
	s14 =	ssub.s32 s5, s8;
	s4 =	sadd.s32 $0x6C00, s6  }
0xc: {  	s5 =	sadd.s32 $0x1C00, s6;
	s6 =	sadd.s32 s31, s2;
	s11 =	sadd.s32 s12, s11  }
0xd: {  	s20 =	sadd.s32 s13, s15;
	s15 =	simm.s32 $0x2800;
	s7 =	sadd.s32 $0x4000, s6  }
0xe: {  	s8 =	sadd.s32 $0x8000, s6;
	s9 =	sadd.s32 $0xC000, s6;
	s10 =	sadd.s32 $0x10000, s6  }
0xf: {  	s12 =	sadd.s32 s12, s17;
	s22 =	sadd.s32 s13, s16;
	s13 =	smax.u32 s14, $0x1  }
0x10: {  	s14 =	simm.s32 $0x2;
	s16 =	simm.s32 $0x5000;
	s17 =	simm.s32 $0x80  }
0x11: {  	v0 =	vimm.f32 $0.0e+00;
	s20 =	sadd.s32 s21, s20;
	s21 =	sadd.s32 s21, s22;
	s22 =	simm.s32 $0x0  }
.LBB2_1:
0x12: {  	[tilespmem:s3], [sflag:$0x2] =	stream.linear.gather [hbm4b:s4+s3], $0x2780, $0x38;
	[tilespmem:$0x1D000] =	vst v63  }
0x13: {  	_ =	swait.ge [sflag:s14], $0x2780  }
0x14: {  	[sflag:s14] =	ssyncset.done $0x0  }
0x15: {  	[sflag:s14] =	ssyncadd.s32 $0xFFFFD880  }
0x16: {  	[tilespmem:s15], [sflag:$0x2] =	stream.linear.gather [hbm4b:s5+s3], $0x2780, $0x38;
	[tilespmem:$0x1D000] =	vst v63  }
0x17: {  	s23 =	sand.u32 $0xFE00, s3;
	s24 =	sand.u32 $0x70, s3;
	_ =	swait.ge [sflag:s14], $0x2780  }
0x18: {  	s25 =	sshrl.u32 s23, $0x2;
	s23 =	simm.s32 $0x40;
	[sflag:s14] =	ssyncset.done $0x0  }
0x19: {  	s25 =	sor.u32 s24, s25;
	s24 =	simm.s32 $0x0;
	[sflag:s14] =	ssyncadd.s32 $0xFFFFD880  }
.LBB2_2:
0x1a: {  	p0 =	sne.s32 s23, $0xFFC0  }
0x1b: {  	[tilespmem:s25+$0x5000] =	vst v0;
	s24 =	sadd.s32 $0x10, s24;
	s25 =	smov.u32 s23;
	s23 =	sadd.s32 $0x40, s23  }
.Ltmp0:
0x1c: {  	(pc) =	sbr.rel @p0 .LBB2_2-.Ltmp0, $4  }
0x1d: {  	_ = 	snop  }
0x1e: {  	s25 =	sand.u32 $0xFE00, s25  }
0x1f: {  	s26 =	sand.u32 $0x70, s24;
	s25 =	sshrl.u32 s25, $0x2  }
0x20: {  	s25 =	sor.u32 s26, s25  }
0x21: {  	[tilespmem:s25+$0x5000] =	vst v0  }
0x22: {  	[spmem:s6] =	stream.linear.scatter [tilespmem:s16], [sflag:$0x2], $0x4000, $0x38;
	[tilespmem:$0x1D000] =	vst v63  }
0x23: {  	_ =	swait.ge [sflag:s14], $0x4000  }
0x24: {  	[sflag:s14] =	ssyncset.done $0x0  }
0x25: {  	[sflag:s14] =	ssyncadd.s32 $0xFFFFC000  }
0x26: {  	[spmem:s7] =	stream.linear.scatter [tilespmem:s16], [sflag:$0x2], $0x4000, $0x38;
	[tilespmem:$0x1D000] =	vst v63  }
0x27: {  	_ =	swait.ge [sflag:s14], $0x4000  }
0x28: {  	[sflag:s14] =	ssyncset.done $0x0  }
0x29: {  	[sflag:s14] =	ssyncadd.s32 $0xFFFFC000  }
0x2a: {  	[spmem:s8] =	stream.linear.scatter [tilespmem:s16], [sflag:$0x2], $0x4000, $0x38;
	[tilespmem:$0x1D000] =	vst v63  }
0x2b: {  	_ =	swait.ge [sflag:s14], $0x4000  }
0x2c: {  	[sflag:s14] =	ssyncset.done $0x0  }
0x2d: {  	[sflag:s14] =	ssyncadd.s32 $0xFFFFC000  }
0x2e: {  	[spmem:s9] =	stream.linear.scatter [tilespmem:s16], [sflag:$0x2], $0x4000, $0x38;
	[tilespmem:$0x1D000] =	vst v63  }
0x2f: {  	_ =	swait.ge [sflag:s14], $0x4000  }
0x30: {  	[sflag:s14] =	ssyncset.done $0x0  }
0x31: {  	[sflag:s14] =	ssyncadd.s32 $0xFFFFC000  }
0x32: {  	[spmem:s10] =	stream.linear.scatter [tilespmem:s16], [sflag:$0x2], $0x4000, $0x38;
	[tilespmem:$0x1D000] =	vst v63  }
0x33: {  	_ =	swait.ge [sflag:s14], $0x4000  }
0x34: {  	[sflag:s14] =	ssyncset.done $0x0  }
0x35: {  	[sflag:s14] =	ssyncadd.s32 $0xFFFFC000  }
0x36: {  	s23 =	simm.s32 $0x0;
	[bflag:$0x0] =	sbarrier.arrive $0xFFFF  }
0x37: {  	[tilespmem:s16], [sflag:$0x1] =	stream.indirect.gather [hbm4b:s11+s17], $0x80, s23, s17, $0xb8;
	[tilespmem:$0x1D000] =	vst v63  }
0x38: {  	_ =	swait.ge [sflag:s18], $0x4000  }
0x39: {  	[sflag:s18] =	ssyncset.done $0x0  }
0x3a: {  	s31 =	simm.s32 $0x2800;
	[sflag:s18] =	ssyncadd.s32 $0xFFFFC000  }
0x3b: {  	[spmem:s2] =	stream.indirect.scatter.add.f32 [tilespmem:s16], [sflag:$0x2], $0x80, s31, s17, $0xb8;
	[tilespmem:$0x1D000] =	vst v63  }
0x3c: {  	_ =	swait.ge [sflag:s14], $0x4000  }
0x3d: {  	[sflag:s14] =	ssyncset.done $0x0  }
0x3e: {  	s24 =	simm.s32 $0x80;
	s23 =	simm.s32 $0x200;
	[sflag:s14] =	ssyncadd.s32 $0xFFFFC000  }
.LBB2_4:
0x3f: {  	[tilespmem:s16], [sflag:$0x1] =	stream.indirect.gather [hbm4b:s11+s17], $0x80, s24, s17, $0xb8;
	[tilespmem:$0x1D000] =	vst v63  }
0x40: {  	s24 =	smov.u32 s23  }
0x41: {  	p0 =	sne.s32 s23, $0x9A00;
	s23 =	sadd.s32 $0x200, s23;
	_ =	swait.ge [sflag:s18], $0x4000  }
0x42: {  	s24 =	sshra.s32 s24, $0x2;
	[sflag:s18] =	ssyncset.done $0x0  }
.Ltmp1:
0x43: {  	s25 =	sadd.s32 $0x2800, s24;
	[sflag:s18] =	ssyncadd.s32 $0xFFFFC000;
	(pc) =	sbr.rel @p0 .LBB2_4-.Ltmp1, $4  }
0x44: {  	[spmem:s2] =	stream.indirect.scatter.add.f32 [tilespmem:s16], [sflag:$0x2], $0x80, s25, s17, $0xb8;
	[tilespmem:$0x1D000] =	vst v63  }
0x45: {  	_ =	swait.ge [sflag:s14], $0x4000  }
0x46: {  	[sflag:s14] =	ssyncset.done $0x0  }
0x47: {  	s24 =	sadd.s32 $0x80, s24;
	[sflag:s14] =	ssyncadd.s32 $0xFFFFC000  }
0x48: {  	[tilespmem:s16], [sflag:$0x1] =	stream.indirect.gather [hbm4b:s11+s17], $0x80, s24, s17, $0xb8;
	[tilespmem:$0x1D000] =	vst v63  }
0x49: {  	_ =	swait.ge [sflag:s18], $0x4000  }
0x4a: {  	[sflag:s18] =	ssyncset.done $0x0  }
0x4b: {  	[sflag:s18] =	ssyncadd.s32 $0xFFFFC000  }
0x4c: {  	[spmem:s2] =	stream.indirect.scatter.add.f32 [tilespmem:s16], [sflag:$0x2], $0x80, s19, s17, $0xb8;
	[tilespmem:$0x1D000] =	vst v63  }
0x4d: {  	_ =	swait.ge [sflag:s14], $0x4000  }
0x4e: {  	[sflag:s14] =	ssyncset.done $0x0  }
0x4f: {  	s23 =	sshll.u32 s1, $0x6;
	[sflag:s14] =	ssyncadd.s32 $0xFFFFC000  }
0x50: {  	s24 =	sshrl.u32 s6, $0x3;
	s23 =	sor.u32 $0x1C02, s23;
	[bflag:$0x0] =	sbarrier.arrive $0xFFFF  }
0x51: {  	[hbm:s20], [sflag:s23] =	dma.local [spmem:s24], $0x2800  }
0x52: {  	s25 =	simm.s32 $0x0;
	_ =	swait.ge [sflag:s14], $0x2800  }
0x53: {  	s26 =	sand.u32 $0xFE00, s25;
	[sflag:s14] =	ssyncset.done $0x0  }
0x54: {  	s28 =	sand.u32 $0x70, s25;
	s29 =	sshrl.u32 s26, $0x2;
	[sflag:s14] =	ssyncadd.s32 $0xFFFFD800  }
0x55: {  	s26 =	simm.s32 $0x40;
	s28 =	sor.u32 s28, s29;
	[bflag:$0x0] =	sbarrier.arrive $0xFFFF  }
.LBB2_6:
0x56: {  	p0 =	sne.s32 s26, $0xFFC0  }
0x57: {  	[tilespmem:s28+$0x5000] =	vst v0;
	s25 =	sadd.s32 $0x10, s25;
	s28 =	smov.u32 s26;
	s26 =	sadd.s32 $0x40, s26  }
.Ltmp2:
0x58: {  	(pc) =	sbr.rel @p0 .LBB2_6-.Ltmp2, $4  }
0x59: {  	_ = 	snop  }
0x5a: {  	s28 =	sand.u32 $0xFE00, s28  }
0x5b: {  	s29 =	sand.u32 $0x70, s25;
	s28 =	sshrl.u32 s28, $0x2  }
0x5c: {  	s28 =	sor.u32 s29, s28  }
0x5d: {  	[tilespmem:s28+$0x5000] =	vst v0  }
0x5e: {  	[spmem:s6] =	stream.linear.scatter [tilespmem:s16], [sflag:$0x2], $0x4000, $0x38;
	[tilespmem:$0x1D000] =	vst v63  }
0x5f: {  	_ =	swait.ge [sflag:s14], $0x4000  }
0x60: {  	[sflag:s14] =	ssyncset.done $0x0  }
0x61: {  	[sflag:s14] =	ssyncadd.s32 $0xFFFFC000  }
0x62: {  	[spmem:s7] =	stream.linear.scatter [tilespmem:s16], [sflag:$0x2], $0x4000, $0x38;
	[tilespmem:$0x1D000] =	vst v63  }
0x63: {  	_ =	swait.ge [sflag:s14], $0x4000  }
0x64: {  	[sflag:s14] =	ssyncset.done $0x0  }
0x65: {  	[sflag:s14] =	ssyncadd.s32 $0xFFFFC000  }
0x66: {  	[spmem:s8] =	stream.linear.scatter [tilespmem:s16], [sflag:$0x2], $0x4000, $0x38;
	[tilespmem:$0x1D000] =	vst v63  }
0x67: {  	_ =	swait.ge [sflag:s14], $0x4000  }
0x68: {  	[sflag:s14] =	ssyncset.done $0x0  }
0x69: {  	[sflag:s14] =	ssyncadd.s32 $0xFFFFC000  }
0x6a: {  	[spmem:s9] =	stream.linear.scatter [tilespmem:s16], [sflag:$0x2], $0x4000, $0x38;
	[tilespmem:$0x1D000] =	vst v63  }
0x6b: {  	_ =	swait.ge [sflag:s14], $0x4000  }
0x6c: {  	[sflag:s14] =	ssyncset.done $0x0  }
0x6d: {  	[sflag:s14] =	ssyncadd.s32 $0xFFFFC000  }
0x6e: {  	[spmem:s10] =	stream.linear.scatter [tilespmem:s16], [sflag:$0x2], $0x4000, $0x38;
	[tilespmem:$0x1D000] =	vst v63  }
0x6f: {  	_ =	swait.ge [sflag:s14], $0x4000  }
0x70: {  	[sflag:s14] =	ssyncset.done $0x0  }
0x71: {  	[sflag:s14] =	ssyncadd.s32 $0xFFFFC000  }
0x72: {  	s25 =	simm.s32 $0x0;
	[bflag:$0x0] =	sbarrier.arrive $0xFFFF  }
0x73: {  	[tilespmem:s16], [sflag:$0x1] =	stream.indirect.gather [hbm4b:s12+s17], $0x80, s25, s17, $0xb8;
	[tilespmem:$0x1D000] =	vst v63  }
0x74: {  	_ =	swait.ge [sflag:s18], $0x4000  }
0x75: {  	[sflag:s18] =	ssyncset.done $0x0  }
0x76: {  	s31 =	simm.s32 $0x2800;
	[sflag:s18] =	ssyncadd.s32 $0xFFFFC000  }
0x77: {  	[spmem:s2] =	stream.indirect.scatter.add.f32 [tilespmem:s16], [sflag:$0x2], $0x80, s31, s17, $0xb8;
	[tilespmem:$0x1D000] =	vst v63  }
0x78: {  	_ =	swait.ge [sflag:s14], $0x4000  }
0x79: {  	[sflag:s14] =	ssyncset.done $0x0  }
0x7a: {  	s26 =	simm.s32 $0x80;
	s25 =	simm.s32 $0x200;
	[sflag:s14] =	ssyncadd.s32 $0xFFFFC000  }
.LBB2_8:
0x7b: {  	[tilespmem:s16], [sflag:$0x1] =	stream.indirect.gather [hbm4b:s12+s17], $0x80, s26, s17, $0xb8;
	[tilespmem:$0x1D000] =	vst v63  }
0x7c: {  	s26 =	smov.u32 s25  }
0x7d: {  	p0 =	sne.s32 s25, $0x9A00;
	s25 =	sadd.s32 $0x200, s25;
	_ =	swait.ge [sflag:s18], $0x4000  }
0x7e: {  	s26 =	sshra.s32 s26, $0x2;
	[sflag:s18] =	ssyncset.done $0x0  }
.Ltmp3:
0x7f: {  	s28 =	sadd.s32 $0x2800, s26;
	[sflag:s18] =	ssyncadd.s32 $0xFFFFC000;
	(pc) =	sbr.rel @p0 .LBB2_8-.Ltmp3, $4  }
0x80: {  	[spmem:s2] =	stream.indirect.scatter.add.f32 [tilespmem:s16], [sflag:$0x2], $0x80, s28, s17, $0xb8;
	[tilespmem:$0x1D000] =	vst v63  }
0x81: {  	_ =	swait.ge [sflag:s14], $0x4000  }
0x82: {  	[sflag:s14] =	ssyncset.done $0x0  }
0x83: {  	s26 =	sadd.s32 $0x80, s26;
	[sflag:s14] =	ssyncadd.s32 $0xFFFFC000  }
0x84: {  	[tilespmem:s16], [sflag:$0x1] =	stream.indirect.gather [hbm4b:s12+s17], $0x80, s26, s17, $0xb8;
	[tilespmem:$0x1D000] =	vst v63  }
0x85: {  	_ =	swait.ge [sflag:s18], $0x4000  }
0x86: {  	[sflag:s18] =	ssyncset.done $0x0  }
0x87: {  	[sflag:s18] =	ssyncadd.s32 $0xFFFFC000  }
0x88: {  	[spmem:s2] =	stream.indirect.scatter.add.f32 [tilespmem:s16], [sflag:$0x2], $0x80, s19, s17, $0xb8;
	[tilespmem:$0x1D000] =	vst v63  }
0x89: {  	_ =	swait.ge [sflag:s14], $0x4000  }
0x8a: {  	s22 =	sadd.s32 $0x1, s22;
	[sflag:s14] =	ssyncset.done $0x0  }
0x8b: {  	p0 =	sne.s32 s22, s13;
	[sflag:s14] =	ssyncadd.s32 $0xFFFFC000  }
.Ltmp4:
0x8c: {  	[bflag:$0x0] =	sbarrier.arrive $0xFFFF;
	(pc) =	sbr.rel @p0 .LBB2_1-.Ltmp4, $4  }
0x8d: {  	[hbm:s21], [sflag:s23] =	dma.local [spmem:s24], $0x2800  }
0x8e: {  	_ =	swait.ge [sflag:s14], $0x2800  }
0x8f: {  	[sflag:s14] =	ssyncset.done $0x0  }
0x90: {  	[sflag:s14] =	ssyncadd.s32 $0xFFFFD800  }
0x91: {  	_ =	sfence.sel $0x180000  }
0x92: {  	[bflag:$0x0] =	sbarrier.arrive $0xFFFF  }
0x93: {  	p0 =	sne.s32 s1, $0x0;
	_ =	strace $0x9000004D  }
0x94: {  	s0 =	sadd.s32 @!p0 $0x100000, s0;
	[bflag:$0x2] =	sbarrier.arrive $0xFFFF  }
0x95: {  	[sflag:s0] =	ssyncadd.tile.s32 @!p0 $0x1;
	_ =	shalt  }
.Lfunc_end2:
_tile_overlayer_lowered:
.L_overlay_start_2:
0x96: {  	(tag) =	ssettag $0x2  }
0x97: {  	s0 =	rddreg [dreg:$0x0];
	s2 =	stileid.u32  }
0x98: {  	s1 =	rddreg [dreg:$0x1];
	p0 =	sne.s32 s2, $0x0  }
0x99: {  	s3 =	rddreg [dreg:$0x2];
	[bflag:$0x3] =	sbarrier.arrive $0xFFFF;
	s2 =	simm.s32 @!p0 $0x1C02  }
0x9a: {  	[timem:s3], [sflag:s2] =	dma.local @!p0 [hbm:s0], s1  }
0x9b: {  	s0 =	simm.s32 @!p0 $0x2  }
0x9c: {  	_ =	swait.ge @!p0 [sflag:s0], s1  }
0x9d: {  	s1 =	ssub.s32 @!p0 $0x0, s1;
	[sflag:s0] =	ssyncset.done @!p0 $0x0  }
0x9e: {  	[sflag:s0] =	ssyncadd.s32 @!p0 s1  }
0x9f: {  	[bflag:$0x3] =	sbarrier.arrive $0xFFFF  }
0xa0: {  	_ =	shalt  }

// kernel: kernel.19.cloned.1.call-start
scs
__scs_entry_jumppad:
0x0: {  	(pc) =	sbr.rel $0x88, $3  }
0x1: {  	(tag) =	ssettag $0x0;
	lr =	simm.s32 $0x1  }
0x2: {  	[smem:$0x3F99] =	sst lr;
	_ =	strace $0xD0000000  }
0x3: {  	_ = 	snop  }
0x4: {  	_ = 	snop  }
0x5: {  	_ = 	snop  }
0x6: {  	_ = 	snop  }
0x7: {  	_ = 	snop  }
__scs_overlays_trampoline_lowered:
0x8: {  	[smem:$0x3FA8] =	sst s0  }
0x9: {  	[smem:$0x3FA9] =	sst s1  }
0xa: {  	[smem:$0x3FAA] =	sst s2  }
0xb: {  	[smem:$0x3FAB] =	sst s3  }
0xc: {  	[smem:$0x3FAC] =	sst s4  }
0xd: {  	[smem:$0x3FAD] =	sst s5  }
0xe: {  	[smem:$0x3FAE] =	sst s6  }
0xf: {  	[smem:$0x3FAF] =	sst s7  }
0x10: {  	[smem:$0x3FB0] =	sst s8  }
0x11: {  	[smem:$0x3FB1] =	sst s9;
	s0 =	simm.s32 @!p0 $0x0  }
0x12: {  	s1 =	sld [smem:$0x3F97];
	s0 =	simm.s32 @p0 $0x1  }
0x13: {  	[smem:$0x3FB2] =	sst s0;
	s0 =	simm.s32 @!p1 $0x0  }
0x14: {  	s2 =	sld [smem:$0x3F96];
	s0 =	simm.s32 @p1 $0x1  }
0x15: {  	[smem:$0x3FB3] =	sst s0;
	s0 =	simm.s32 @!p2 $0x0  }
0x16: {  	s3 =	sld [smem:$0x3FDB];
	s0 =	simm.s32 @p2 $0x1  }
0x17: {  	s4 =	simm.s32 $0x1BF5;
	[smem:$0x3FB5] =	sst s0  }
0x18: {  	s0 =	sld [smem:$0x3F98];
	_ =	swait.ge [sflag:s4], $0x0  }
0x19: {  	s7 =	sld [smem:$0x3F99]  }
0x1a: {  	s8 =	sadd.s32 $0xFFFFE003, lr  }
0x1b: {  	s9 =	sadd.s32 $0xFFFFFEF7, lr;
	s5 =	simm.s32 $0xFFFFFFFF;
	p2 =	slt.u32 s8, $0xFFFFF086  }
0x1c: {  	p1 =	slt.u32 s9, $0xF7A;
	s5 =	simm.s32 @!p2 $0x0  }
0x1d: {  	s5 =	simm.s32 @p1 $0x1;
	p0 =	seq.s32 s7, s2  }
0x1e: {  	s7 =	smul.u32 @!p0 $0xF7A, s2;
	p2 =	seq.s32 @!p0 s5, $0x0  }
0x1f: {  	s9 =	smul.u32 $0xF7A, s1;
	s8 =	simm.s32 @!p0 $0x1BF5;
	p2 =	por !p2, p0  }
0x20: {  	[sflag:s8] =	ssyncset.s32 @!p0 $0xFFFFF086;
	s6 =	sadd.s32 @!p0 s3, s7;
	s7 =	simm.s32 @!p0 $0x108  }
0x21: {  	s3 =	sadd.s32 s3, s9;
	s6 =	sadd.s32 @!p0 $0x88, s6;
	s7 =	simm.s32 @p2 $0x1082  }
0x22: {  	[simem:s7], [sflag:s8] =	dma.local @!p0 [hbm:s6], $0xF7A  }
0x23: {  	s9 =	sor.u32 $0xD0000000, s2;
	s6 =	simm.s32 $0x108;
	_ =	swait.ge @!p0 [sflag:s8], $0x0  }
0x24: {  	s3 =	sadd.s32 $0x88, s3;
	s6 =	simm.s32 @!p1 $0x1082;
	[sflag:s4] =	ssyncset.s32 $0xFFFFF086  }
0x25: {  	[simem:s6], [sflag:s4] =	dma.local [hbm:s3], $0xF7A  }
0x26: {  	[smem:$0x3F99] =	sst s1;
	(tag) =	ssettag s2;
	_ =	strace s9  }
0x27: {  	s1 =	sld [smem:$0x3FA9]  }
0x28: {  	s2 =	sld [smem:$0x3FAA]  }
0x29: {  	s4 =	sld [smem:$0x3FAC]  }
0x2a: {  	p0 =	seq.s32 s5, $0x0;
	s5 =	sld [smem:$0x3FAD]  }
0x2b: {  	s6 =	sld [smem:$0x3FAE]  }
0x2c: {  	s7 =	sld [smem:$0x3FAF]  }
0x2d: {  	s3 =	simm.s32 $0x108;
	s8 =	sld [smem:$0x3FB0]  }
0x2e: {  	s3 =	simm.s32 @!p0 $0x1082;
	s9 =	sld [smem:$0x3FB1]  }
0x2f: {  	lr =	sadd.s32 s0, s3;
	s0 =	sld [smem:$0x3FA8]  }
0x30: {  	s3 =	sld [smem:$0x3FAB]  }
0x31: {  	[smem:$0x3FB4] =	sst s10  }
0x32: {  	s10 =	sld [smem:$0x3FB2];
	_ =	sdelay $0x3  }
0x33: {  	p0 =	seq.s32 s10, $0x1;
	s10 =	sld [smem:$0x3FB4];
	_ =	sdelay $0x3  }
0x34: {  	[smem:$0x3FB4] =	sst s10  }
0x35: {  	s10 =	sld [smem:$0x3FB3];
	_ =	sdelay $0x3  }
0x36: {  	p1 =	seq.s32 s10, $0x1;
	s10 =	sld [smem:$0x3FB4];
	_ =	sdelay $0x3  }
0x37: {  	[smem:$0x3FB4] =	sst s10  }
0x38: {  	s10 =	sld [smem:$0x3FB5]  }
0x39: {  	_ = 	snop;
	(pc) =	sbr.ind lr, $3  }
0x3a: {  	_ = 	snop  }
0x3b: {  	_ = 	snop  }
0x3c: {  	p2 =	seq.s32 s10, $0x1;
	s10 =	sld [smem:$0x3FB4]  }
0x3d: {  	_ =	shalt  }
0x3e: {  	_ =	shalt  }
0x3f: {  	_ =	shalt  }
0x40: {  	_ =	shalt  }
0x41: {  	_ =	shalt  }
0x42: {  	_ =	shalt  }
0x43: {  	_ =	shalt  }
0x44: {  	_ =	shalt  }
0x45: {  	_ =	shalt  }
0x46: {  	_ =	shalt  }
0x47: {  	_ =	shalt  }
0x48: {  	_ =	shalt  }
0x49: {  	_ =	shalt  }
0x4a: {  	_ =	shalt  }
0x4b: {  	_ =	shalt  }
0x4c: {  	_ =	shalt  }
0x4d: {  	_ =	shalt  }
0x4e: {  	_ =	shalt  }
0x4f: {  	_ =	shalt  }
0x50: {  	_ =	shalt  }
0x51: {  	_ =	shalt  }
0x52: {  	_ =	shalt  }
0x53: {  	_ =	shalt  }
0x54: {  	_ =	shalt  }
0x55: {  	_ =	shalt  }
0x56: {  	_ =	shalt  }
0x57: {  	_ =	shalt  }
0x58: {  	_ =	shalt  }
0x59: {  	_ =	shalt  }
0x5a: {  	_ =	shalt  }
0x5b: {  	_ =	shalt  }
0x5c: {  	_ =	shalt  }
0x5d: {  	_ =	shalt  }
0x5e: {  	_ =	shalt  }
0x5f: {  	_ =	shalt  }
0x60: {  	_ =	shalt  }
0x61: {  	_ =	shalt  }
0x62: {  	_ =	shalt  }
0x63: {  	_ =	shalt  }
0x64: {  	_ =	shalt  }
0x65: {  	_ =	shalt  }
0x66: {  	_ =	shalt  }
0x67: {  	_ =	shalt  }
0x68: {  	_ =	shalt  }
0x69: {  	_ =	shalt  }
0x6a: {  	_ =	shalt  }
0x6b: {  	_ =	shalt  }
0x6c: {  	_ =	shalt  }
0x6d: {  	_ =	shalt  }
0x6e: {  	_ =	shalt  }
0x6f: {  	_ =	shalt  }
0x70: {  	_ =	shalt  }
0x71: {  	_ =	shalt  }
0x72: {  	_ =	shalt  }
0x73: {  	_ =	shalt  }
0x74: {  	_ =	shalt  }
0x75: {  	_ =	shalt  }
0x76: {  	_ =	shalt  }
0x77: {  	_ =	shalt  }
0x78: {  	_ =	shalt  }
0x79: {  	_ =	shalt  }
0x7a: {  	_ =	shalt  }
0x7b: {  	_ =	shalt  }
0x7c: {  	_ =	shalt  }
0x7d: {  	_ =	shalt  }
0x7e: {  	_ =	shalt  }
0x7f: {  	_ =	shalt  }
0x80: {  	_ =	shalt  }
0x81: {  	_ =	shalt  }
0x82: {  	_ =	shalt  }
0x83: {  	_ =	shalt  }
0x84: {  	_ =	shalt  }
0x85: {  	_ =	shalt  }
0x86: {  	_ =	shalt  }
0x87: {  	_ =	shalt  }
.Lfunc_end0:
.L_simem_size_0:
called_computation.3_lowered:
.L_overlay_start_0:
0x88: {  	s2 =	sld [smem:$0x3FD9]  }
0x89: {  	s3 =	sld [smem:$0x3FFE];
	_ =	sdelay $0x1  }
0x8a: {  	s1 =	srdreg.scid  }
0x8b: {  	s0 =	sand.u32 $0x1, s1  }
0x8c: {  	s17 =	sshll.u32 s0, $0xA;
	s2 =	sadd.s32 s3, s2  }
0x8d: {  	s2 =	sadd.s32 s2, s17  }
0x8e: {  	[smem:$0x3FC0] =	sst s2  }
0x8f: {  	_ = 	snop  }
0x90: {  	s2 =	sld [smem:$0x3FD0];
	(tm) =	ssettm $0x1  }
0x91: {  	s18 =	sld [smem:$0x3FFB];
	_ =	sdelay $0x3  }
0x92: {  	_ =	strace s18  }
0x93: {  	s3 =	sld [smem:$0x3FFC];
	_ =	sdelay $0x3  }
0x94: {  	_ =	strace s3  }
0x95: {  	s3 =	sld [smem:$0x3FFD];
	_ =	sdelay $0x3  }
0x96: {  	_ =	strace s3  }
0x97: {  	_ =	strace $0x8FFFFFFF  }
0x98: {  	s19 =	sld [smem:$0x3FDB];
	_ =	sdelay $0x1  }
0x99: {  	s4 =	simm.s32 $_scs_section_size  }
0x9a: {  	s5 =	simm.s32 $_size__tile_overlayer_lowered;
	s6 =	simm.s32 $_tile_overlayer_lowered  }
0x9b: {  	s22 =	simm.s32 $0x1BFF;
	s21 =	sshll.u32 s6, $0x1;
	s3 =	sadd.s32 s4, s19  }
0x9c: {  	s7 =	simm.s32 $0x0;
	s20 =	sshll.u32 s5, $0x1;
	s5 =	sadd.s32 s21, s3  }
0x9d: {  	[timem:s7], [sflag:s22] =	dma.local [hbm:s5], s20  }
0x9e: {  	_ =	swait.ge [sflag:s22], s20  }
0x9f: {  	s4 =	ssub.s32 $0x0, s20;
	[sflag:s22] =	ssyncset.done $0x0  }
0xa0: {  	[sflag:s22] =	ssyncadd.s32 s4;
	_ =	sdelay $0x1  }
0xa1: {  	s23 =	simm.s32 $0x1B8B  }
0xa2: {  	_ =	swait.ge [sflag:s23], $0x1  }
0xa3: {  	[sflag:s23] =	ssyncset.done $0x0  }
0xa4: {  	s25 =	simm.s32 $0x1B8E;
	s24 =	sld [smem:$0x3FFE];
	[sflag:s23] =	ssyncadd.s32 $0xFFFFFFFF  }
0xa5: {  	s26 =	simm.s32 $execute0_lowered;
	[smem:$0x3FD2] =	sst s25  }
0xa6: {  	s5 =	sshll.u32 s26, $0x1;
	_ =	strace $0x8000004F;
	[dreg:$0x1] =	wrdreg $0xFFFFFFFF  }
0xa7: {  	s28 =	simm.s32 $_size_execute0_lowered;
	s3 =	sadd.s32 s3, s5;
	[dreg:$0x0] =	wrdreg $0x0  }
0xa8: {  	s5 =	sshll.u32 s28, $0x1;
	[dreg:$0x2] =	wrdreg s3  }
0xa9: {  	[dreg:$0x3] =	wrdreg s5  }
0xaa: {  	[dreg:$0x4] =	wrdreg $0xC0  }
0xab: {  	_ =	task [dreg:s7], $0x5FFFF  }
0xac: {  	[dreg:$0x1] =	wrdreg $0xFFFFFFFF  }
0xad: {  	[dreg:$0x0] =	wrdreg $0x60  }
0xae: {  	[dreg:$0x2] =	wrdreg s2  }
0xaf: {  	[dreg:$0x3] =	wrdreg s24  }
0xb0: {  	[dreg:$0x4] =	wrdreg $0x90000  }
0xb1: {  	[dreg:$0x5] =	wrdreg $0x9  }
0xb2: {  	_ =	task.clear_ibuf [dreg:s7], $0x6FFFF;
	_ =	strace $0x9000004F  }
0xb3: {  	s29 =	simm.s32 $0x9;
	_ =	strace $0x80000051  }
0xb4: {  	_ =	swait.ge [sflag:s29], $0x1  }
0xb5: {  	[sflag:s29] =	ssyncadd.s32 $0xFFFFFFFF  }
0xb6: {  	_ =	strace $0x90000051  }
0xb7: {  	_ =	sfence  }
0xb8: {  	s30 =	sld [smem:$0x0];
	_ =	sdelay $0x2  }
0xb9: {  	s31 =	sshll.u32 s1, $0xD;
	s1 =	sshrl.u32 s1, $0x2  }
0xba: {  	s3 =	sand.u32 $0x4000, s31;
	s1 =	sadd.s32 s1, s30  }
0xbb: {  	s0 =	sor.u32 s3, s0;
	s1 =	sshll.u32 s1, $0x11  }
0xbc: {  	s0 =	sor.u32 s1, s0  }
0xbd: {  	s0 =	sadd.s32 $0x8F2B, s0  }
0xbe: {  	[sflag:s0] =	ssyncadd.remote.s32 $0x1  }
0xbf: {  	_ =	sfence.sel $0xFFFF  }
0xc0: {  	[dreg:$0x0] =	wrdreg $0xFFFFFFFF;
	(pc) =	sbr.abs _section_cstart, $3  }
0xc1: {  	[dreg:$0x1] =	wrdreg $0xFFFFFFFF  }
0xc2: {  	_ =	task.clear_ibuf [dreg:s7], $0x2FFFF;
	_ =	strace $0x9FFFFFFF  }
0xc3: {  	(tm) =	ssettm $0x7FFFFFFF  }
tec
execute0_lowered:
.L_overlay_start_1:
0x0: {  	(tag) =	ssettag $0x1  }
0x1: {  	s11 =	rddreg [dreg:$0x0]  }
0x2: {  	s4 =	rddreg [dreg:$0x1];
	s0 =	stileid.u32  }
0x3: {  	s1 =	srdreg.scid;
	s2 =	rddreg [dreg:$0x2];
	s3 =	simm.s32 $0x0  }
0x4: {  	s15 =	simm.s32 $0x5000;
	s16 =	simm.s32 $0x80;
	s17 =	simm.s32 $0x1  }
0x5: {  	s18 =	simm.s32 $0x4F00;
	s22 =	simm.s32 $0x0;
	s5 =	smul.u32 $0x500, s0  }
0x6: {  	s8 =	sand.u32 $0x1, s1;
	s1 =	rddreg [dreg:$0x3];
	s7 =	smul.u32 $0x50000, s0  }
0x7: {  	[smem:$0x7FF] =	sst s3;
	s20 =	smul.u32 $0x2800, s0;
	s31 =	sshll.u32 s0, $0x6  }
0x8: {  	s6 =	smul.u32 $0x28000, s8;
	_ =	strace $0x80000050;
	s28 =	ssub.s32 $0x2, s8  }
0x9: {  	s14 =	smul.u32 $0x27100, s8;
	s9 =	sadd.s32 s5, s4;
	s29 =	sshrl.u32 s28, $0x1  }
0xa: {  	s30 =	sshrl.u32 s7, $0x2;
	s12 =	sadd.s32 s6, s4;
	s13 =	ssub.s32 s28, s29  }
0xb: {  	s4 =	sadd.s32 $0x6C00, s9;
	s5 =	sadd.s32 s30, s2;
	s6 =	sadd.s32 $0x1C00, s9  }
0xc: {  	s11 =	sadd.s32 s11, s14;
	s14 =	simm.s32 $0x2800;
	s7 =	sadd.s32 $0x4000, s5  }
0xd: {  	s8 =	sadd.s32 $0x8000, s5;
	s9 =	sadd.s32 $0xC000, s5;
	s10 =	sadd.s32 $0x10000, s5  }
0xe: {  	s19 =	sadd.s32 $0xBC00, s12;
	s12 =	smax.u32 s13, $0x1;
	s13 =	simm.s32 $0x2  }
0xf: {  	v0 =	vimm.f32 $0.0e+00;
	s21 =	sshrl.u32 s5, $0x3;
	s19 =	sadd.s32 s20, s19;
	s20 =	sor.u32 $0x1C02, s31  }
.LBB2_1:
0x10: {  	[tilespmem:s3], [sflag:$0x2] =	stream.linear.gather [hbm4b:s4+s3], $0x2780, $0x38;
	[tilespmem:$0x1D000] =	vst v63  }
0x11: {  	_ =	swait.ge [sflag:s13], $0x2780  }
0x12: {  	[sflag:s13] =	ssyncset.done $0x0  }
0x13: {  	[sflag:s13] =	ssyncadd.s32 $0xFFFFD880  }
0x14: {  	[tilespmem:s14], [sflag:$0x2] =	stream.linear.gather [hbm4b:s6+s3], $0x2780, $0x38;
	[tilespmem:$0x1D000] =	vst v63  }
0x15: {  	s23 =	sand.u32 $0xFE00, s3;
	s24 =	sand.u32 $0x70, s3;
	_ =	swait.ge [sflag:s13], $0x2780  }
0x16: {  	s25 =	sshrl.u32 s23, $0x2;
	s23 =	simm.s32 $0x40;
	[sflag:s13] =	ssyncset.done $0x0  }
0x17: {  	s25 =	sor.u32 s24, s25;
	s24 =	simm.s32 $0x0;
	[sflag:s13] =	ssyncadd.s32 $0xFFFFD880  }
.LBB2_2:
0x18: {  	p0 =	sne.s32 s23, $0xFFC0  }
0x19: {  	[tilespmem:s25+$0x5000] =	vst v0;
	s24 =	sadd.s32 $0x10, s24;
	s25 =	smov.u32 s23;
	s23 =	sadd.s32 $0x40, s23  }
.Ltmp0:
0x1a: {  	(pc) =	sbr.rel @p0 .LBB2_2-.Ltmp0, $4  }
0x1b: {  	_ = 	snop  }
0x1c: {  	s25 =	sand.u32 $0xFE00, s25  }
0x1d: {  	s26 =	sand.u32 $0x70, s24;
	s25 =	sshrl.u32 s25, $0x2  }
0x1e: {  	s25 =	sor.u32 s26, s25  }
0x1f: {  	[tilespmem:s25+$0x5000] =	vst v0  }
0x20: {  	[spmem:s5] =	stream.linear.scatter [tilespmem:s15], [sflag:$0x2], $0x4000, $0x38;
	[tilespmem:$0x1D000] =	vst v63  }
0x21: {  	_ =	swait.ge [sflag:s13], $0x4000  }
0x22: {  	[sflag:s13] =	ssyncset.done $0x0  }
0x23: {  	[sflag:s13] =	ssyncadd.s32 $0xFFFFC000  }
0x24: {  	[spmem:s7] =	stream.linear.scatter [tilespmem:s15], [sflag:$0x2], $0x4000, $0x38;
	[tilespmem:$0x1D000] =	vst v63  }
0x25: {  	_ =	swait.ge [sflag:s13], $0x4000  }
0x26: {  	[sflag:s13] =	ssyncset.done $0x0  }
0x27: {  	[sflag:s13] =	ssyncadd.s32 $0xFFFFC000  }
0x28: {  	[spmem:s8] =	stream.linear.scatter [tilespmem:s15], [sflag:$0x2], $0x4000, $0x38;
	[tilespmem:$0x1D000] =	vst v63  }
0x29: {  	_ =	swait.ge [sflag:s13], $0x4000  }
0x2a: {  	[sflag:s13] =	ssyncset.done $0x0  }
0x2b: {  	[sflag:s13] =	ssyncadd.s32 $0xFFFFC000  }
0x2c: {  	[spmem:s9] =	stream.linear.scatter [tilespmem:s15], [sflag:$0x2], $0x4000, $0x38;
	[tilespmem:$0x1D000] =	vst v63  }
0x2d: {  	_ =	swait.ge [sflag:s13], $0x4000  }
0x2e: {  	[sflag:s13] =	ssyncset.done $0x0  }
0x2f: {  	[sflag:s13] =	ssyncadd.s32 $0xFFFFC000  }
0x30: {  	[spmem:s10] =	stream.linear.scatter [tilespmem:s15], [sflag:$0x2], $0x4000, $0x38;
	[tilespmem:$0x1D000] =	vst v63  }
0x31: {  	_ =	swait.ge [sflag:s13], $0x4000  }
0x32: {  	[sflag:s13] =	ssyncset.done $0x0  }
0x33: {  	[sflag:s13] =	ssyncadd.s32 $0xFFFFC000  }
0x34: {  	s23 =	simm.s32 $0x0;
	[bflag:$0x0] =	sbarrier.arrive $0xFFFF  }
0x35: {  	[tilespmem:s15], [sflag:$0x1] =	stream.indirect.gather [hbm4b:s11+s16], $0x80, s23, s16, $0xb8;
	[tilespmem:$0x1D000] =	vst v63  }
0x36: {  	_ =	swait.ge [sflag:s17], $0x4000  }
0x37: {  	[sflag:s17] =	ssyncset.done $0x0  }
0x38: {  	s31 =	simm.s32 $0x2800;
	[sflag:s17] =	ssyncadd.s32 $0xFFFFC000  }
0x39: {  	[spmem:s2] =	stream.indirect.scatter.add.f32 [tilespmem:s15], [sflag:$0x2], $0x80, s31, s16, $0xb8;
	[tilespmem:$0x1D000] =	vst v63  }
0x3a: {  	_ =	swait.ge [sflag:s13], $0x4000  }
0x3b: {  	[sflag:s13] =	ssyncset.done $0x0  }
0x3c: {  	s24 =	simm.s32 $0x80;
	s23 =	simm.s32 $0x200;
	[sflag:s13] =	ssyncadd.s32 $0xFFFFC000  }
.LBB2_4:
0x3d: {  	[tilespmem:s15], [sflag:$0x1] =	stream.indirect.gather [hbm4b:s11+s16], $0x80, s24, s16, $0xb8;
	[tilespmem:$0x1D000] =	vst v63  }
0x3e: {  	s24 =	smov.u32 s23  }
0x3f: {  	p0 =	sne.s32 s23, $0x9A00;
	s23 =	sadd.s32 $0x200, s23;
	_ =	swait.ge [sflag:s17], $0x4000  }
0x40: {  	s24 =	sshra.s32 s24, $0x2;
	[sflag:s17] =	ssyncset.done $0x0  }
.Ltmp1:
0x41: {  	s25 =	sadd.s32 $0x2800, s24;
	[sflag:s17] =	ssyncadd.s32 $0xFFFFC000;
	(pc) =	sbr.rel @p0 .LBB2_4-.Ltmp1, $4  }
0x42: {  	[spmem:s2] =	stream.indirect.scatter.add.f32 [tilespmem:s15], [sflag:$0x2], $0x80, s25, s16, $0xb8;
	[tilespmem:$0x1D000] =	vst v63  }
0x43: {  	_ =	swait.ge [sflag:s13], $0x4000  }
0x44: {  	[sflag:s13] =	ssyncset.done $0x0  }
0x45: {  	s24 =	sadd.s32 $0x80, s24;
	[sflag:s13] =	ssyncadd.s32 $0xFFFFC000  }
0x46: {  	[tilespmem:s15], [sflag:$0x1] =	stream.indirect.gather [hbm4b:s11+s16], $0x80, s24, s16, $0xb8;
	[tilespmem:$0x1D000] =	vst v63  }
0x47: {  	_ =	swait.ge [sflag:s17], $0x4000  }
0x48: {  	[sflag:s17] =	ssyncset.done $0x0  }
0x49: {  	[sflag:s17] =	ssyncadd.s32 $0xFFFFC000  }
0x4a: {  	[spmem:s2] =	stream.indirect.scatter.add.f32 [tilespmem:s15], [sflag:$0x2], $0x80, s18, s16, $0xb8;
	[tilespmem:$0x1D000] =	vst v63  }
0x4b: {  	_ =	swait.ge [sflag:s13], $0x4000  }
0x4c: {  	s22 =	sadd.s32 $0x1, s22;
	[sflag:s13] =	ssyncset.done $0x0  }
0x4d: {  	p0 =	sne.s32 s22, s12;
	[sflag:s13] =	ssyncadd.s32 $0xFFFFC000  }
.Ltmp2:
0x4e: {  	[bflag:$0x0] =	sbarrier.arrive $0xFFFF;
	(pc) =	sbr.rel @p0 .LBB2_1-.Ltmp2, $4  }
0x4f: {  	[hbm:s19], [sflag:s20] =	dma.local [spmem:s21], $0x2800  }
0x50: {  	_ =	swait.ge [sflag:s13], $0x2800  }
0x51: {  	[sflag:s13] =	ssyncset.done $0x0  }
0x52: {  	[sflag:s13] =	ssyncadd.s32 $0xFFFFD800  }
0x53: {  	_ =	sfence.sel $0x180000  }
0x54: {  	[bflag:$0x0] =	sbarrier.arrive $0xFFFF  }
0x55: {  	p0 =	sne.s32 s0, $0x0;
	_ =	strace $0x90000050  }
0x56: {  	s0 =	sadd.s32 @!p0 $0x100000, s1;
	[bflag:$0x2] =	sbarrier.arrive $0xFFFF  }
0x57: {  	[sflag:s0] =	ssyncadd.tile.s32 @!p0 $0x1;
	_ =	shalt  }
.Lfunc_end2:
_tile_overlayer_lowered:
.L_overlay_start_2:
0x58: {  	(tag) =	ssettag $0x2  }
0x59: {  	s0 =	rddreg [dreg:$0x0];
	s2 =	stileid.u32  }
0x5a: {  	s1 =	rddreg [dreg:$0x1];
	p0 =	sne.s32 s2, $0x0  }
0x5b: {  	s3 =	rddreg [dreg:$0x2];
	[bflag:$0x3] =	sbarrier.arrive $0xFFFF;
	s2 =	simm.s32 @!p0 $0x1C02  }
0x5c: {  	[timem:s3], [sflag:s2] =	dma.local @!p0 [hbm:s0], s1  }
0x5d: {  	s0 =	simm.s32 @!p0 $0x2  }
0x5e: {  	_ =	swait.ge @!p0 [sflag:s0], s1  }
0x5f: {  	s1 =	ssub.s32 @!p0 $0x0, s1;
	[sflag:s0] =	ssyncset.done @!p0 $0x0  }
0x60: {  	[sflag:s0] =	ssyncadd.s32 @!p0 s1  }
0x61: {  	[bflag:$0x3] =	sbarrier.arrive $0xFFFF  }
0x62: {  	_ =	shalt  }

</sc_bundles>
